<compile_context>
chip_gen: v7x
topology: tpu7x:2x2x1
jax: 0.10.2.dev20260603
libtpu: 0.0.44.dev20260713+nightly
codegen_flags: <defaults>
</compile_context>

<pallas_src>
import functools

import jax
import jax.numpy as jnp
from jax import lax
from jax.experimental import pallas as pl
from jax.experimental.pallas import tpu as pltpu
from jax.experimental.pallas import tpu_sc as plsc

D = 128
R = 4096
W = 50
V = 10000
NC, NS = 2, 16
NW = NC * NS
R_PER_W = R // NW
CHUNK = 32
NCHUNK = W * 4
NBUF = 10
NGRP = NCHUNK // NBUF

_mesh = plsc.VectorSubcoreMesh(core_axis_name="c", subcore_axis_name="s")


@functools.partial(
    pl.kernel,
    mesh=_mesh,
    out_type=jax.ShapeDtypeStruct((W, R, D), jnp.float32),
    compiler_params=pltpu.CompilerParams(use_tc_tiling_on_sc=True),
    scratch_types=[
        pltpu.VMEM((W, R_PER_W), jnp.int32),
        pltpu.VMEM_SHARED((V, D), jnp.float32),
    ]
    + [pltpu.VMEM((CHUNK, D), jnp.float32) for _ in range(NBUF)]
    + [pltpu.SemaphoreType.DMA for _ in range(2 * NBUF)],
)
def _gather_kernel(pe_hbm, idx_hbm, out_hbm, idx_v, pe_sp, *rest):
    bufs = rest[:NBUF]
    gsems = rest[NBUF:2 * NBUF]
    ssems = rest[2 * NBUF:]

    sid = lax.axis_index("s")
    wid = sid * NC + lax.axis_index("c")
    base = wid * R_PER_W
    pltpu.sync_copy(idx_hbm.at[:, pl.ds(base, R_PER_W)], idx_v)

    for b in range(NBUF):
        pltpu.make_async_copy(
            pe_hbm.at[idx_v.at[b // 4, pl.ds((b % 4) * CHUNK, CHUNK)]],
            bufs[b],
            gsems[b],
        ).start()

    rows = 624
    pltpu.sync_copy(
        pe_hbm.at[pl.ds(sid * rows, rows)], pe_sp.at[pl.ds(sid * rows, rows)]
    )

    @pl.when(sid == 0)
    def _():
        pltpu.sync_copy(
            pe_hbm.at[pl.ds(16 * rows, V - 16 * rows)],
            pe_sp.at[pl.ds(16 * rows, V - 16 * rows)],
        )

    plsc.subcore_barrier()

    def gather(c, b):
        w = c // 4
        off = (c % 4) * CHUNK
        return pltpu.make_async_copy(
            pe_sp.at[idx_v.at[w, pl.ds(off, CHUNK)]], bufs[b], gsems[b]
        )

    def store(c, b):
        w = c // 4
        off = (c % 4) * CHUNK
        return pltpu.make_async_copy(
            bufs[b], out_hbm.at[w, pl.ds(base + off, CHUNK)], ssems[b]
        )

    def grp(g, carry):
        c0 = g * NBUF
        for b in range(NBUF):
            gather(c0 + b, b).wait()
            store(c0 + b, b).start()
        for b in range(NBUF):
            store(c0 + b, b).wait()
            gather(c0 + NBUF + b, b).start()
        return carry

    lax.fori_loop(0, NGRP - 1, grp, 0)

    c0 = (NGRP - 1) * NBUF
    for b in range(NBUF):
        gather(c0 + b, b).wait()
        store(c0 + b, b).start()
    for b in range(NBUF):
        store(c0 + b, b).wait()


def kernel(t, pe):
    outT = _gather_kernel(pe, t.T)
    return outT.transpose(1, 0, 2)

# --- scband reference (transcript-rebuilt; emitter-appended) ---
"""Pipeline reference for scband-sinusoidal-positional-embedding-481036337591 (READ-ONLY COPY).

The authoritative reference and input builder live on the scoring server;
editing this copy changes nothing except your own understanding.
"""

import jax, jax.numpy as jnp
import numpy as np

D = 128
MAX_LEN = 10000
BASE = 10000.0

def _build_pe():
    pe = np.zeros((MAX_LEN, D), dtype=np.float32)
    p = np.arange(0, MAX_LEN, dtype=np.float32)[:, None]
    i = np.arange(0, D, 2, dtype=np.float32)
    term = np.exp(-np.log(BASE) / D * i)
    x = p * term[None, :]
    pe[:, 0::2] = np.sin(x)
    pe[:, 1::2] = np.cos(x)
    return jnp.asarray(pe)

def setup_inputs(seed: int = 0) -> dict:
    key = jax.random.key(seed)
    t = jax.random.randint(key, (4096, 50), 0, MAX_LEN, dtype=jnp.int64 if jax.config.jax_enable_x64 else jnp.int32)
    pe = _build_pe()
    return {"t": t, "pe": pe}

def reference(t, pe):
    # Integer index path of SinusoidalPositionalEmbedding.forward:
    # embedding = pe.index_select(0, t.flatten()).view(*t.shape, d)
    idx = t.reshape(-1)
    emb = jnp.take(pe, idx, axis=0)
    return emb.reshape(t.shape + (D,))

if __name__ == "__main__":
    import jax
    _d = setup_inputs()
    print(jax.jit(kernel)(*tuple(_d.values())))

</pallas_src>

<mosaic_0001>
#map = affine_map<(d0, d1) -> (0, 0)>
#map1 = affine_map<(d0, d1) -> (0, 0, 0)>
module attributes {stable_mosaic.version = 14 : i64} {
  func.func @_gather_kernel(%arg0: i32, %arg1: i32, %arg2: memref<10000x128xf32, #tpu.memory_space<hbm>>, %arg3: memref<50x4096xi32, #tpu.memory_space<hbm>>, %arg4: memref<50x4096x128xf32, #tpu.memory_space<hbm>>, %arg5: memref<50x128xi32, #tpu.memory_space<vmem>>, %arg6: memref<10000x128xf32, #tpu.memory_space<vmem_shared>>, %arg7: memref<32x128xf32, #tpu.memory_space<vmem>>, %arg8: memref<32x128xf32, #tpu.memory_space<vmem>>, %arg9: memref<32x128xf32, #tpu.memory_space<vmem>>, %arg10: memref<32x128xf32, #tpu.memory_space<vmem>>, %arg11: memref<32x128xf32, #tpu.memory_space<vmem>>, %arg12: memref<32x128xf32, #tpu.memory_space<vmem>>, %arg13: memref<32x128xf32, #tpu.memory_space<vmem>>, %arg14: memref<32x128xf32, #tpu.memory_space<vmem>>, %arg15: memref<32x128xf32, #tpu.memory_space<vmem>>, %arg16: memref<32x128xf32, #tpu.memory_space<vmem>>, %arg17: memref<!tpu.dma_semaphore, #tpu.memory_space<semaphore_mem>>, %arg18: memref<!tpu.dma_semaphore, #tpu.memory_space<semaphore_mem>>, %arg19: memref<!tpu.dma_semaphore, #tpu.memory_space<semaphore_mem>>, %arg20: memref<!tpu.dma_semaphore, #tpu.memory_space<semaphore_mem>>, %arg21: memref<!tpu.dma_semaphore, #tpu.memory_space<semaphore_mem>>, %arg22: memref<!tpu.dma_semaphore, #tpu.memory_space<semaphore_mem>>, %arg23: memref<!tpu.dma_semaphore, #tpu.memory_space<semaphore_mem>>, %arg24: memref<!tpu.dma_semaphore, #tpu.memory_space<semaphore_mem>>, %arg25: memref<!tpu.dma_semaphore, #tpu.memory_space<semaphore_mem>>, %arg26: memref<!tpu.dma_semaphore, #tpu.memory_space<semaphore_mem>>, %arg27: memref<!tpu.dma_semaphore, #tpu.memory_space<semaphore_mem>>, %arg28: memref<!tpu.dma_semaphore, #tpu.memory_space<semaphore_mem>>, %arg29: memref<!tpu.dma_semaphore, #tpu.memory_space<semaphore_mem>>, %arg30: memref<!tpu.dma_semaphore, #tpu.memory_space<semaphore_mem>>, %arg31: memref<!tpu.dma_semaphore, #tpu.memory_space<semaphore_mem>>, %arg32: memref<!tpu.dma_semaphore, #tpu.memory_space<semaphore_mem>>, %arg33: memref<!tpu.dma_semaphore, #tpu.memory_space<semaphore_mem>>, %arg34: memref<!tpu.dma_semaphore, #tpu.memory_space<semaphore_mem>>, %arg35: memref<!tpu.dma_semaphore, #tpu.memory_space<semaphore_mem>>, %arg36: memref<!tpu.dma_semaphore, #tpu.memory_space<semaphore_mem>>) attributes {dimension_semantics = [#tpu.dimension_semantics<core_parallel>, #tpu.dimension_semantics<subcore_parallel>], iteration_bounds = array<i64: 2, 16>, scalar_prefetch = 0 : i64, scratch_operands = 32 : i64, tpu.core_type = #tpu.core_type<sc_vector_subcore>, window_params = [{transform_indices = #map}, {transform_indices = #map}, {transform_indices = #map1}]} {
    %mul3A = arith.constant 2 : i32
    %mul3A_0 = arith.muli %arg1, %mul3A : i32
    %add3A = arith.addi %mul3A_0, %arg0 : i32
    %mul3A_1 = arith.constant 128 : i32
    %mul3A_2 = arith.muli %add3A, %mul3A_1 : i32
    "tpu.region"() ({
      %run_scoped3A = tpu.sem_alloc : memref<!tpu.dma_semaphore, #tpu.memory_space<semaphore_mem>>
      %dma_start3A_332 = arith.constant 0 : i32
      %dma_start3A_333 = tpu.memref_slice %arg3[%dma_start3A_332, %mul3A_2] : memref<50x4096xi32, #tpu.memory_space<hbm>> -> memref<50x128xi32, #tpu.memory_space<hbm>>
      %dma_start3A_334 = arith.constant 0 : i32
      %dma_start3A_335 = tpu.memref_slice %arg3[%dma_start3A_334, %mul3A_2] : memref<50x4096xi32, #tpu.memory_space<hbm>> -> memref<50x128xi32, #tpu.memory_space<hbm>>
      tpu.enqueue_dma source(%dma_start3A_335 : memref<50x128xi32, #tpu.memory_space<hbm>>) target(%arg5 : memref<50x128xi32, #tpu.memory_space<vmem>>) target_semaphore(%run_scoped3A : memref<!tpu.dma_semaphore, #tpu.memory_space<semaphore_mem>>)
      %dma_wait3A_336 = arith.constant 0 : i32
      %dma_wait3A_337 = tpu.memref_slice %arg3[%dma_wait3A_336, %mul3A_2] : memref<50x4096xi32, #tpu.memory_space<hbm>> -> memref<50x128xi32, #tpu.memory_space<hbm>>
      %dma_wait3A_338 = arith.constant 0 : i32
      %dma_wait3A_339 = tpu.memref_slice %arg3[%dma_wait3A_338, %mul3A_2] : memref<50x4096xi32, #tpu.memory_space<hbm>> -> memref<50x128xi32, #tpu.memory_space<hbm>>
      tpu.wait_dma2 semaphore(%run_scoped3A : memref<!tpu.dma_semaphore, #tpu.memory_space<semaphore_mem>>) src(%dma_wait3A_339 : memref<50x128xi32, #tpu.memory_space<hbm>>) dst(%arg5 : memref<50x128xi32, #tpu.memory_space<vmem>>)
      tpu.yield
    }) : () -> ()
    %dma_start3A = arith.constant 0 : i32
    %dma_start3A_3 = arith.constant 0 : i32
    %dma_start3A_4 = tpu.memref_slice %arg5[%dma_start3A, %dma_start3A_3] : memref<50x128xi32, #tpu.memory_space<vmem>> -> memref<1x32xi32, #tpu.memory_space<vmem>>
    %dma_start3A_5 = tpu.memref_squeeze %dma_start3A_4 : memref<1x32xi32, #tpu.memory_space<vmem>> -> memref<32xi32, #tpu.memory_space<vmem>>
    %dma_start3A_6 = arith.constant 0 : i32
    %dma_start3A_7 = arith.constant 0 : i32
    %dma_start3A_8 = tpu.memref_slice %arg2[%dma_start3A_6, %dma_start3A_7] : memref<10000x128xf32, #tpu.memory_space<hbm>> -> memref<10000x128xf32, #tpu.memory_space<hbm>>
    tpu.enqueue_indirect_dma source(%dma_start3A_8 : memref<10000x128xf32, #tpu.memory_space<hbm>>) target(%arg7 : memref<32x128xf32, #tpu.memory_space<vmem>>) offsets(%dma_start3A_5 : memref<32xi32, #tpu.memory_space<vmem>>) semaphore(%arg17 : memref<!tpu.dma_semaphore, #tpu.memory_space<semaphore_mem>>)
    %dma_start3A_9 = arith.constant 0 : i32
    %dma_start3A_10 = arith.constant 32 : i32
    %dma_start3A_11 = tpu.memref_slice %arg5[%dma_start3A_9, %dma_start3A_10] : memref<50x128xi32, #tpu.memory_space<vmem>> -> memref<1x32xi32, #tpu.memory_space<vmem>>
    %dma_start3A_12 = tpu.memref_squeeze %dma_start3A_11 : memref<1x32xi32, #tpu.memory_space<vmem>> -> memref<32xi32, #tpu.memory_space<vmem>>
    %dma_start3A_13 = arith.constant 0 : i32
    %dma_start3A_14 = arith.constant 0 : i32
    %dma_start3A_15 = tpu.memref_slice %arg2[%dma_start3A_13, %dma_start3A_14] : memref<10000x128xf32, #tpu.memory_space<hbm>> -> memref<10000x128xf32, #tpu.memory_space<hbm>>
    tpu.enqueue_indirect_dma source(%dma_start3A_15 : memref<10000x128xf32, #tpu.memory_space<hbm>>) target(%arg8 : memref<32x128xf32, #tpu.memory_space<vmem>>) offsets(%dma_start3A_12 : memref<32xi32, #tpu.memory_space<vmem>>) semaphore(%arg18 : memref<!tpu.dma_semaphore, #tpu.memory_space<semaphore_mem>>)
    %dma_start3A_16 = arith.constant 0 : i32
    %dma_start3A_17 = arith.constant 64 : i32
    %dma_start3A_18 = tpu.memref_slice %arg5[%dma_start3A_16, %dma_start3A_17] : memref<50x128xi32, #tpu.memory_space<vmem>> -> memref<1x32xi32, #tpu.memory_space<vmem>>
    %dma_start3A_19 = tpu.memref_squeeze %dma_start3A_18 : memref<1x32xi32, #tpu.memory_space<vmem>> -> memref<32xi32, #tpu.memory_space<vmem>>
    %dma_start3A_20 = arith.constant 0 : i32
    %dma_start3A_21 = arith.constant 0 : i32
    %dma_start3A_22 = tpu.memref_slice %arg2[%dma_start3A_20, %dma_start3A_21] : memref<10000x128xf32, #tpu.memory_space<hbm>> -> memref<10000x128xf32, #tpu.memory_space<hbm>>
    tpu.enqueue_indirect_dma source(%dma_start3A_22 : memref<10000x128xf32, #tpu.memory_space<hbm>>) target(%arg9 : memref<32x128xf32, #tpu.memory_space<vmem>>) offsets(%dma_start3A_19 : memref<32xi32, #tpu.memory_space<vmem>>) semaphore(%arg19 : memref<!tpu.dma_semaphore, #tpu.memory_space<semaphore_mem>>)
    %dma_start3A_23 = arith.constant 0 : i32
    %dma_start3A_24 = arith.constant 96 : i32
    %dma_start3A_25 = tpu.memref_slice %arg5[%dma_start3A_23, %dma_start3A_24] : memref<50x128xi32, #tpu.memory_space<vmem>> -> memref<1x32xi32, #tpu.memory_space<vmem>>
    %dma_start3A_26 = tpu.memref_squeeze %dma_start3A_25 : memref<1x32xi32, #tpu.memory_space<vmem>> -> memref<32xi32, #tpu.memory_space<vmem>>
    %dma_start3A_27 = arith.constant 0 : i32
    %dma_start3A_28 = arith.constant 0 : i32
    %dma_start3A_29 = tpu.memref_slice %arg2[%dma_start3A_27, %dma_start3A_28] : memref<10000x128xf32, #tpu.memory_space<hbm>> -> memref<10000x128xf32, #tpu.memory_space<hbm>>
    tpu.enqueue_indirect_dma source(%dma_start3A_29 : memref<10000x128xf32, #tpu.memory_space<hbm>>) target(%arg10 : memref<32x128xf32, #tpu.memory_space<vmem>>) offsets(%dma_start3A_26 : memref<32xi32, #tpu.memory_space<vmem>>) semaphore(%arg20 : memref<!tpu.dma_semaphore, #tpu.memory_space<semaphore_mem>>)
    %dma_start3A_30 = arith.constant 1 : i32
    %dma_start3A_31 = arith.constant 0 : i32
    %dma_start3A_32 = tpu.memref_slice %arg5[%dma_start3A_30, %dma_start3A_31] : memref<50x128xi32, #tpu.memory_space<vmem>> -> memref<1x32xi32, #tpu.memory_space<vmem>>
    %dma_start3A_33 = tpu.memref_squeeze %dma_start3A_32 : memref<1x32xi32, #tpu.memory_space<vmem>> -> memref<32xi32, #tpu.memory_space<vmem>>
    %dma_start3A_34 = arith.constant 0 : i32
    %dma_start3A_35 = arith.constant 0 : i32
    %dma_start3A_36 = tpu.memref_slice %arg2[%dma_start3A_34, %dma_start3A_35] : memref<10000x128xf32, #tpu.memory_space<hbm>> -> memref<10000x128xf32, #tpu.memory_space<hbm>>
    tpu.enqueue_indirect_dma source(%dma_start3A_36 : memref<10000x128xf32, #tpu.memory_space<hbm>>) target(%arg11 : memref<32x128xf32, #tpu.memory_space<vmem>>) offsets(%dma_start3A_33 : memref<32xi32, #tpu.memory_space<vmem>>) semaphore(%arg21 : memref<!tpu.dma_semaphore, #tpu.memory_space<semaphore_mem>>)
    %dma_start3A_37 = arith.constant 1 : i32
    %dma_start3A_38 = arith.constant 32 : i32
    %dma_start3A_39 = tpu.memref_slice %arg5[%dma_start3A_37, %dma_start3A_38] : memref<50x128xi32, #tpu.memory_space<vmem>> -> memref<1x32xi32, #tpu.memory_space<vmem>>
    %dma_start3A_40 = tpu.memref_squeeze %dma_start3A_39 : memref<1x32xi32, #tpu.memory_space<vmem>> -> memref<32xi32, #tpu.memory_space<vmem>>
    %dma_start3A_41 = arith.constant 0 : i32
    %dma_start3A_42 = arith.constant 0 : i32
    %dma_start3A_43 = tpu.memref_slice %arg2[%dma_start3A_41, %dma_start3A_42] : memref<10000x128xf32, #tpu.memory_space<hbm>> -> memref<10000x128xf32, #tpu.memory_space<hbm>>
    tpu.enqueue_indirect_dma source(%dma_start3A_43 : memref<10000x128xf32, #tpu.memory_space<hbm>>) target(%arg12 : memref<32x128xf32, #tpu.memory_space<vmem>>) offsets(%dma_start3A_40 : memref<32xi32, #tpu.memory_space<vmem>>) semaphore(%arg22 : memref<!tpu.dma_semaphore, #tpu.memory_space<semaphore_mem>>)
    %dma_start3A_44 = arith.constant 1 : i32
    %dma_start3A_45 = arith.constant 64 : i32
    %dma_start3A_46 = tpu.memref_slice %arg5[%dma_start3A_44, %dma_start3A_45] : memref<50x128xi32, #tpu.memory_space<vmem>> -> memref<1x32xi32, #tpu.memory_space<vmem>>
    %dma_start3A_47 = tpu.memref_squeeze %dma_start3A_46 : memref<1x32xi32, #tpu.memory_space<vmem>> -> memref<32xi32, #tpu.memory_space<vmem>>
    %dma_start3A_48 = arith.constant 0 : i32
    %dma_start3A_49 = arith.constant 0 : i32
    %dma_start3A_50 = tpu.memref_slice %arg2[%dma_start3A_48, %dma_start3A_49] : memref<10000x128xf32, #tpu.memory_space<hbm>> -> memref<10000x128xf32, #tpu.memory_space<hbm>>
    tpu.enqueue_indirect_dma source(%dma_start3A_50 : memref<10000x128xf32, #tpu.memory_space<hbm>>) target(%arg13 : memref<32x128xf32, #tpu.memory_space<vmem>>) offsets(%dma_start3A_47 : memref<32xi32, #tpu.memory_space<vmem>>) semaphore(%arg23 : memref<!tpu.dma_semaphore, #tpu.memory_space<semaphore_mem>>)
    %dma_start3A_51 = arith.constant 1 : i32
    %dma_start3A_52 = arith.constant 96 : i32
    %dma_start3A_53 = tpu.memref_slice %arg5[%dma_start3A_51, %dma_start3A_52] : memref<50x128xi32, #tpu.memory_space<vmem>> -> memref<1x32xi32, #tpu.memory_space<vmem>>
    %dma_start3A_54 = tpu.memref_squeeze %dma_start3A_53 : memref<1x32xi32, #tpu.memory_space<vmem>> -> memref<32xi32, #tpu.memory_space<vmem>>
    %dma_start3A_55 = arith.constant 0 : i32
    %dma_start3A_56 = arith.constant 0 : i32
    %dma_start3A_57 = tpu.memref_slice %arg2[%dma_start3A_55, %dma_start3A_56] : memref<10000x128xf32, #tpu.memory_space<hbm>> -> memref<10000x128xf32, #tpu.memory_space<hbm>>
    tpu.enqueue_indirect_dma source(%dma_start3A_57 : memref<10000x128xf32, #tpu.memory_space<hbm>>) target(%arg14 : memref<32x128xf32, #tpu.memory_space<vmem>>) offsets(%dma_start3A_54 : memref<32xi32, #tpu.memory_space<vmem>>) semaphore(%arg24 : memref<!tpu.dma_semaphore, #tpu.memory_space<semaphore_mem>>)
    %dma_start3A_58 = arith.constant 2 : i32
    %dma_start3A_59 = arith.constant 0 : i32
    %dma_start3A_60 = tpu.memref_slice %arg5[%dma_start3A_58, %dma_start3A_59] : memref<50x128xi32, #tpu.memory_space<vmem>> -> memref<1x32xi32, #tpu.memory_space<vmem>>
    %dma_start3A_61 = tpu.memref_squeeze %dma_start3A_60 : memref<1x32xi32, #tpu.memory_space<vmem>> -> memref<32xi32, #tpu.memory_space<vmem>>
    %dma_start3A_62 = arith.constant 0 : i32
    %dma_start3A_63 = arith.constant 0 : i32
    %dma_start3A_64 = tpu.memref_slice %arg2[%dma_start3A_62, %dma_start3A_63] : memref<10000x128xf32, #tpu.memory_space<hbm>> -> memref<10000x128xf32, #tpu.memory_space<hbm>>
    tpu.enqueue_indirect_dma source(%dma_start3A_64 : memref<10000x128xf32, #tpu.memory_space<hbm>>) target(%arg15 : memref<32x128xf32, #tpu.memory_space<vmem>>) offsets(%dma_start3A_61 : memref<32xi32, #tpu.memory_space<vmem>>) semaphore(%arg25 : memref<!tpu.dma_semaphore, #tpu.memory_space<semaphore_mem>>)
    %dma_start3A_65 = arith.constant 2 : i32
    %dma_start3A_66 = arith.constant 32 : i32
    %dma_start3A_67 = tpu.memref_slice %arg5[%dma_start3A_65, %dma_start3A_66] : memref<50x128xi32, #tpu.memory_space<vmem>> -> memref<1x32xi32, #tpu.memory_space<vmem>>
    %dma_start3A_68 = tpu.memref_squeeze %dma_start3A_67 : memref<1x32xi32, #tpu.memory_space<vmem>> -> memref<32xi32, #tpu.memory_space<vmem>>
    %dma_start3A_69 = arith.constant 0 : i32
    %dma_start3A_70 = arith.constant 0 : i32
    %dma_start3A_71 = tpu.memref_slice %arg2[%dma_start3A_69, %dma_start3A_70] : memref<10000x128xf32, #tpu.memory_space<hbm>> -> memref<10000x128xf32, #tpu.memory_space<hbm>>
    tpu.enqueue_indirect_dma source(%dma_start3A_71 : memref<10000x128xf32, #tpu.memory_space<hbm>>) target(%arg16 : memref<32x128xf32, #tpu.memory_space<vmem>>) offsets(%dma_start3A_68 : memref<32xi32, #tpu.memory_space<vmem>>) semaphore(%arg26 : memref<!tpu.dma_semaphore, #tpu.memory_space<semaphore_mem>>)
    %mul3A_72 = arith.constant 624 : i32
    %mul3A_73 = arith.muli %arg1, %mul3A_72 : i32
    %mul3A_74 = arith.constant 624 : i32
    %mul3A_75 = arith.muli %arg1, %mul3A_74 : i32
    "tpu.region"() ({
      %run_scoped3A = tpu.sem_alloc : memref<!tpu.dma_semaphore, #tpu.memory_space<semaphore_mem>>
      %dma_start3A_332 = arith.constant 0 : i32
      %dma_start3A_333 = tpu.memref_slice %arg6[%mul3A_75, %dma_start3A_332] : memref<10000x128xf32, #tpu.memory_space<vmem_shared>> -> memref<624x128xf32, #tpu.memory_space<vmem_shared>>
      %dma_start3A_334 = arith.constant 0 : i32
      %dma_start3A_335 = tpu.memref_slice %arg2[%mul3A_73, %dma_start3A_334] : memref<10000x128xf32, #tpu.memory_space<hbm>> -> memref<624x128xf32, #tpu.memory_space<hbm>>
      tpu.enqueue_dma source(%dma_start3A_335 : memref<624x128xf32, #tpu.memory_space<hbm>>) target(%dma_start3A_333 : memref<624x128xf32, #tpu.memory_space<vmem_shared>>) target_semaphore(%run_scoped3A : memref<!tpu.dma_semaphore, #tpu.memory_space<semaphore_mem>>)
      %dma_wait3A_336 = arith.constant 0 : i32
      %dma_wait3A_337 = tpu.memref_slice %arg6[%mul3A_75, %dma_wait3A_336] : memref<10000x128xf32, #tpu.memory_space<vmem_shared>> -> memref<624x128xf32, #tpu.memory_space<vmem_shared>>
      %dma_wait3A_338 = arith.constant 0 : i32
      %dma_wait3A_339 = tpu.memref_slice %arg2[%mul3A_73, %dma_wait3A_338] : memref<10000x128xf32, #tpu.memory_space<hbm>> -> memref<624x128xf32, #tpu.memory_space<hbm>>
      tpu.wait_dma2 semaphore(%run_scoped3A : memref<!tpu.dma_semaphore, #tpu.memory_space<semaphore_mem>>) src(%dma_wait3A_339 : memref<624x128xf32, #tpu.memory_space<hbm>>) dst(%dma_wait3A_337 : memref<624x128xf32, #tpu.memory_space<vmem_shared>>)
      tpu.yield
    }) : () -> ()
    %eq3A = arith.constant 0 : i32
    %eq3A_76 = arith.cmpi eq, %arg1, %eq3A : i32
    %convert_element_type3A = arith.extui %eq3A_76 : i1 to i32
    %cond3A = arith.constant 0 : i32
    %cond3A_77 = arith.cmpi ne, %convert_element_type3A, %cond3A : i32
    scf.if %cond3A_77 {
      "tpu.region"() ({
        %run_scoped3A = tpu.sem_alloc : memref<!tpu.dma_semaphore, #tpu.memory_space<semaphore_mem>>
        %dma_start3A_332 = arith.constant 9984 : i32
        %dma_start3A_333 = arith.constant 0 : i32
        %dma_start3A_334 = tpu.memref_slice %arg6[%dma_start3A_332, %dma_start3A_333] : memref<10000x128xf32, #tpu.memory_space<vmem_shared>> -> memref<16x128xf32, #tpu.memory_space<vmem_shared>>
        %dma_start3A_335 = arith.constant 9984 : i32
        %dma_start3A_336 = arith.constant 0 : i32
        %dma_start3A_337 = tpu.memref_slice %arg2[%dma_start3A_335, %dma_start3A_336] : memref<10000x128xf32, #tpu.memory_space<hbm>> -> memref<16x128xf32, #tpu.memory_space<hbm>>
        tpu.enqueue_dma source(%dma_start3A_337 : memref<16x128xf32, #tpu.memory_space<hbm>>) target(%dma_start3A_334 : memref<16x128xf32, #tpu.memory_space<vmem_shared>>) target_semaphore(%run_scoped3A : memref<!tpu.dma_semaphore, #tpu.memory_space<semaphore_mem>>)
        %dma_wait3A_338 = arith.constant 9984 : i32
        %dma_wait3A_339 = arith.constant 0 : i32
        %dma_wait3A_340 = tpu.memref_slice %arg6[%dma_wait3A_338, %dma_wait3A_339] : memref<10000x128xf32, #tpu.memory_space<vmem_shared>> -> memref<16x128xf32, #tpu.memory_space<vmem_shared>>
        %dma_wait3A_341 = arith.constant 9984 : i32
        %dma_wait3A_342 = arith.constant 0 : i32
        %dma_wait3A_343 = tpu.memref_slice %arg2[%dma_wait3A_341, %dma_wait3A_342] : memref<10000x128xf32, #tpu.memory_space<hbm>> -> memref<16x128xf32, #tpu.memory_space<hbm>>
        tpu.wait_dma2 semaphore(%run_scoped3A : memref<!tpu.dma_semaphore, #tpu.memory_space<semaphore_mem>>) src(%dma_wait3A_343 : memref<16x128xf32, #tpu.memory_space<hbm>>) dst(%dma_wait3A_340 : memref<16x128xf32, #tpu.memory_space<vmem_shared>>)
        tpu.yield
      }) : () -> ()
    } else {
    }
    %barrier3A = arith.constant 0 : index
    tpu.barrier barrier_id(%barrier3A)
    %scan3A = arith.constant 0 : i32
    %scan3A_78 = arith.constant 0 : i32
    %scan3A_79 = arith.constant 19 : i32
    %scan3A_80 = arith.addi %scan3A_78, %scan3A_79 : i32
    %scan3A_81 = arith.constant 1 : i32
    scf.for %scan3A_332 = %scan3A_78 to %scan3A_80 step %scan3A_81  : i32 {
      %mul3A_333 = arith.constant 10 : i32
      %mul3A_334 = arith.muli %scan3A_332, %mul3A_333 : i32
      %add3A_335 = arith.constant 0 : i32
      %add3A_336 = arith.addi %mul3A_334, %add3A_335 : i32
      %jit3A = arith.constant 4 : i32
      %div3A = arith.divsi %add3A_336, %jit3A : i32
      %sign3A = arith.constant 0 : i32
      %sign3A_337 = arith.cmpi sgt, %add3A_336, %sign3A : i32
      %sign3A_338 = arith.extui %sign3A_337 : i1 to i32
      %sign3A_339 = arith.constant 0 : i32
      %sign3A_340 = arith.cmpi slt, %add3A_336, %sign3A_339 : i32
      %sign3A_341 = arith.extui %sign3A_340 : i1 to i32
      %sign3A_342 = arith.subi %sign3A_338, %sign3A_341 : i32
      %sign3A_343 = arith.constant 0 : i32
      %sign3A_344 = arith.cmpi sgt, %jit3A, %sign3A_343 : i32
      %sign3A_345 = arith.extui %sign3A_344 : i1 to i32
      %sign3A_346 = arith.constant 0 : i32
      %sign3A_347 = arith.cmpi slt, %jit3A, %sign3A_346 : i32
      %sign3A_348 = arith.extui %sign3A_347 : i1 to i32
      %sign3A_349 = arith.subi %sign3A_345, %sign3A_348 : i32
      %ne3A = arith.cmpi ne, %sign3A_342, %sign3A_349 : i32
      %rem3A = arith.remsi %add3A_336, %jit3A : i32
      %ne3A_350 = arith.constant 0 : i32
      %ne3A_351 = arith.cmpi ne, %rem3A, %ne3A_350 : i32
      %and3A = arith.andi %ne3A, %ne3A_351 : i1
      %sub3A = arith.constant 1 : i32
      %sub3A_352 = arith.subi %div3A, %sub3A : i32
      %select_n3A = arith.select %and3A, %sub3A_352, %div3A : i32
      %jit3A_353 = arith.constant 4 : i32
      %eq3A_354 = arith.constant 0 : i32
      %eq3A_355 = arith.cmpi eq, %jit3A_353, %eq3A_354 : i32
      %jit3A_356 = arith.constant 1 : i32
      %select_n3A_357 = arith.select %eq3A_355, %jit3A_356, %jit3A_353 : i32
      %rem3A_358 = arith.remsi %add3A_336, %select_n3A_357 : i32
      %ne3A_359 = arith.constant 0 : i32
      %ne3A_360 = arith.cmpi ne, %rem3A_358, %ne3A_359 : i32
      %lt3A = arith.constant 0 : i32
      %lt3A_361 = arith.cmpi slt, %rem3A_358, %lt3A : i32
      %lt3A_362 = arith.constant 0 : i32
      %lt3A_363 = arith.cmpi slt, %select_n3A_357, %lt3A_362 : i32
      %ne3A_364 = arith.xori %lt3A_361, %lt3A_363 : i1
      %and3A_365 = arith.andi %ne3A_364, %ne3A_360 : i1
      %add3A_366 = arith.addi %rem3A_358, %select_n3A_357 : i32
      %select_n3A_367 = arith.select %and3A_365, %add3A_366, %rem3A_358 : i32
      %mul3A_368 = arith.constant 32 : i32
      %mul3A_369 = arith.muli %select_n3A_367, %mul3A_368 : i32
      %dma_wait3A_370 = tpu.memref_slice %arg5[%select_n3A, %mul3A_369] : memref<50x128xi32, #tpu.memory_space<vmem>> -> memref<1x32xi32, #tpu.memory_space<vmem>>
      %dma_wait3A_371 = tpu.memref_squeeze %dma_wait3A_370 : memref<1x32xi32, #tpu.memory_space<vmem>> -> memref<32xi32, #tpu.memory_space<vmem>>
      %dma_wait3A_372 = arith.constant 0 : i32
      %dma_wait3A_373 = arith.constant 0 : i32
      %dma_wait3A_374 = tpu.memref_slice %arg6[%dma_wait3A_372, %dma_wait3A_373] : memref<10000x128xf32, #tpu.memory_space<vmem_shared>> -> memref<10000x128xf32, #tpu.memory_space<vmem_shared>>
      tpu.wait_indirect_dma semaphore(%arg17 : memref<!tpu.dma_semaphore, #tpu.memory_space<semaphore_mem>>) src(%dma_wait3A_374 : memref<10000x128xf32, #tpu.memory_space<vmem_shared>>) dst(%arg7 : memref<32x128xf32, #tpu.memory_space<vmem>>)
      %add3A_375 = arith.constant 0 : i32
      %add3A_376 = arith.addi %mul3A_334, %add3A_375 : i32
      %jit3A_377 = arith.constant 4 : i32
      %div3A_378 = arith.divsi %add3A_376, %jit3A_377 : i32
      %sign3A_379 = arith.constant 0 : i32
      %sign3A_380 = arith.cmpi sgt, %add3A_376, %sign3A_379 : i32
      %sign3A_381 = arith.extui %sign3A_380 : i1 to i32
      %sign3A_382 = arith.constant 0 : i32
      %sign3A_383 = arith.cmpi slt, %add3A_376, %sign3A_382 : i32
      %sign3A_384 = arith.extui %sign3A_383 : i1 to i32
      %sign3A_385 = arith.subi %sign3A_381, %sign3A_384 : i32
      %sign3A_386 = arith.constant 0 : i32
      %sign3A_387 = arith.cmpi sgt, %jit3A_377, %sign3A_386 : i32
      %sign3A_388 = arith.extui %sign3A_387 : i1 to i32
      %sign3A_389 = arith.constant 0 : i32
      %sign3A_390 = arith.cmpi slt, %jit3A_377, %sign3A_389 : i32
      %sign3A_391 = arith.extui %sign3A_390 : i1 to i32
      %sign3A_392 = arith.subi %sign3A_388, %sign3A_391 : i32
      %ne3A_393 = arith.cmpi ne, %sign3A_385, %sign3A_392 : i32
      %rem3A_394 = arith.remsi %add3A_376, %jit3A_377 : i32
      %ne3A_395 = arith.constant 0 : i32
      %ne3A_396 = arith.cmpi ne, %rem3A_394, %ne3A_395 : i32
      %and3A_397 = arith.andi %ne3A_393, %ne3A_396 : i1
      %sub3A_398 = arith.constant 1 : i32
      %sub3A_399 = arith.subi %div3A_378, %sub3A_398 : i32
      %select_n3A_400 = arith.select %and3A_397, %sub3A_399, %div3A_378 : i32
      %jit3A_401 = arith.constant 4 : i32
      %eq3A_402 = arith.constant 0 : i32
      %eq3A_403 = arith.cmpi eq, %jit3A_401, %eq3A_402 : i32
      %jit3A_404 = arith.constant 1 : i32
      %select_n3A_405 = arith.select %eq3A_403, %jit3A_404, %jit3A_401 : i32
      %rem3A_406 = arith.remsi %add3A_376, %select_n3A_405 : i32
      %ne3A_407 = arith.constant 0 : i32
      %ne3A_408 = arith.cmpi ne, %rem3A_406, %ne3A_407 : i32
      %lt3A_409 = arith.constant 0 : i32
      %lt3A_410 = arith.cmpi slt, %rem3A_406, %lt3A_409 : i32
      %lt3A_411 = arith.constant 0 : i32
      %lt3A_412 = arith.cmpi slt, %select_n3A_405, %lt3A_411 : i32
      %ne3A_413 = arith.xori %lt3A_410, %lt3A_412 : i1
      %and3A_414 = arith.andi %ne3A_413, %ne3A_408 : i1
      %add3A_415 = arith.addi %rem3A_406, %select_n3A_405 : i32
      %select_n3A_416 = arith.select %and3A_414, %add3A_415, %rem3A_406 : i32
      %mul3A_417 = arith.constant 32 : i32
      %mul3A_418 = arith.muli %select_n3A_416, %mul3A_417 : i32
      %add3A_419 = arith.addi %mul3A_2, %mul3A_418 : i32
      %dma_start3A_420 = arith.constant 0 : i32
      %dma_start3A_421 = tpu.memref_slice %arg4[%select_n3A_400, %add3A_419, %dma_start3A_420] : memref<50x4096x128xf32, #tpu.memory_space<hbm>> -> memref<1x32x128xf32, #tpu.memory_space<hbm>>
      %dma_start3A_422 = tpu.memref_squeeze %dma_start3A_421 : memref<1x32x128xf32, #tpu.memory_space<hbm>> -> memref<32x128xf32, #tpu.memory_space<hbm>>
      %dma_start3A_423 = arith.constant 0 : i32
      %dma_start3A_424 = tpu.memref_slice %arg4[%select_n3A_400, %add3A_419, %dma_start3A_423] : memref<50x4096x128xf32, #tpu.memory_space<hbm>> -> memref<1x32x128xf32, #tpu.memory_space<hbm>>
      %dma_start3A_425 = tpu.memref_squeeze %dma_start3A_424 : memref<1x32x128xf32, #tpu.memory_space<hbm>> -> memref<32x128xf32, #tpu.memory_space<hbm>>
      tpu.enqueue_dma source(%arg7 : memref<32x128xf32, #tpu.memory_space<vmem>>) target(%dma_start3A_425 : memref<32x128xf32, #tpu.memory_space<hbm>>) target_semaphore(%arg27 : memref<!tpu.dma_semaphore, #tpu.memory_space<semaphore_mem>>)
      %add3A_426 = arith.constant 1 : i32
      %add3A_427 = arith.addi %mul3A_334, %add3A_426 : i32
      %jit3A_428 = arith.constant 4 : i32
      %div3A_429 = arith.divsi %add3A_427, %jit3A_428 : i32
      %sign3A_430 = arith.constant 0 : i32
      %sign3A_431 = arith.cmpi sgt, %add3A_427, %sign3A_430 : i32
      %sign3A_432 = arith.extui %sign3A_431 : i1 to i32
      %sign3A_433 = arith.constant 0 : i32
      %sign3A_434 = arith.cmpi slt, %add3A_427, %sign3A_433 : i32
      %sign3A_435 = arith.extui %sign3A_434 : i1 to i32
      %sign3A_436 = arith.subi %sign3A_432, %sign3A_435 : i32
      %sign3A_437 = arith.constant 0 : i32
      %sign3A_438 = arith.cmpi sgt, %jit3A_428, %sign3A_437 : i32
      %sign3A_439 = arith.extui %sign3A_438 : i1 to i32
      %sign3A_440 = arith.constant 0 : i32
      %sign3A_441 = arith.cmpi slt, %jit3A_428, %sign3A_440 : i32
      %sign3A_442 = arith.extui %sign3A_441 : i1 to i32
      %sign3A_443 = arith.subi %sign3A_439, %sign3A_442 : i32
      %ne3A_444 = arith.cmpi ne, %sign3A_436, %sign3A_443 : i32
      %rem3A_445 = arith.remsi %add3A_427, %jit3A_428 : i32
      %ne3A_446 = arith.constant 0 : i32
      %ne3A_447 = arith.cmpi ne, %rem3A_445, %ne3A_446 : i32
      %and3A_448 = arith.andi %ne3A_444, %ne3A_447 : i1
      %sub3A_449 = arith.constant 1 : i32
      %sub3A_450 = arith.subi %div3A_429, %sub3A_449 : i32
      %select_n3A_451 = arith.select %and3A_448, %sub3A_450, %div3A_429 : i32
      %jit3A_452 = arith.constant 4 : i32
      %eq3A_453 = arith.constant 0 : i32
      %eq3A_454 = arith.cmpi eq, %jit3A_452, %eq3A_453 : i32
      %jit3A_455 = arith.constant 1 : i32
      %select_n3A_456 = arith.select %eq3A_454, %jit3A_455, %jit3A_452 : i32
      %rem3A_457 = arith.remsi %add3A_427, %select_n3A_456 : i32
      %ne3A_458 = arith.constant 0 : i32
      %ne3A_459 = arith.cmpi ne, %rem3A_457, %ne3A_458 : i32
      %lt3A_460 = arith.constant 0 : i32
      %lt3A_461 = arith.cmpi slt, %rem3A_457, %lt3A_460 : i32
      %lt3A_462 = arith.constant 0 : i32
      %lt3A_463 = arith.cmpi slt, %select_n3A_456, %lt3A_462 : i32
      %ne3A_464 = arith.xori %lt3A_461, %lt3A_463 : i1
      %and3A_465 = arith.andi %ne3A_464, %ne3A_459 : i1
      %add3A_466 = arith.addi %rem3A_457, %select_n3A_456 : i32
      %select_n3A_467 = arith.select %and3A_465, %add3A_466, %rem3A_457 : i32
      %mul3A_468 = arith.constant 32 : i32
      %mul3A_469 = arith.muli %select_n3A_467, %mul3A_468 : i32
      %dma_wait3A_470 = tpu.memref_slice %arg5[%select_n3A_451, %mul3A_469] : memref<50x128xi32, #tpu.memory_space<vmem>> -> memref<1x32xi32, #tpu.memory_space<vmem>>
      %dma_wait3A_471 = tpu.memref_squeeze %dma_wait3A_470 : memref<1x32xi32, #tpu.memory_space<vmem>> -> memref<32xi32, #tpu.memory_space<vmem>>
      %dma_wait3A_472 = arith.constant 0 : i32
      %dma_wait3A_473 = arith.constant 0 : i32
      %dma_wait3A_474 = tpu.memref_slice %arg6[%dma_wait3A_472, %dma_wait3A_473] : memref<10000x128xf32, #tpu.memory_space<vmem_shared>> -> memref<10000x128xf32, #tpu.memory_space<vmem_shared>>
      tpu.wait_indirect_dma semaphore(%arg18 : memref<!tpu.dma_semaphore, #tpu.memory_space<semaphore_mem>>) src(%dma_wait3A_474 : memref<10000x128xf32, #tpu.memory_space<vmem_shared>>) dst(%arg8 : memref<32x128xf32, #tpu.memory_space<vmem>>)
      %add3A_475 = arith.constant 1 : i32
      %add3A_476 = arith.addi %mul3A_334, %add3A_475 : i32
      %jit3A_477 = arith.constant 4 : i32
      %div3A_478 = arith.divsi %add3A_476, %jit3A_477 : i32
      %sign3A_479 = arith.constant 0 : i32
      %sign3A_480 = arith.cmpi sgt, %add3A_476, %sign3A_479 : i32
      %sign3A_481 = arith.extui %sign3A_480 : i1 to i32
      %sign3A_482 = arith.constant 0 : i32
      %sign3A_483 = arith.cmpi slt, %add3A_476, %sign3A_482 : i32
      %sign3A_484 = arith.extui %sign3A_483 : i1 to i32
      %sign3A_485 = arith.subi %sign3A_481, %sign3A_484 : i32
      %sign3A_486 = arith.constant 0 : i32
      %sign3A_487 = arith.cmpi sgt, %jit3A_477, %sign3A_486 : i32
      %sign3A_488 = arith.extui %sign3A_487 : i1 to i32
      %sign3A_489 = arith.constant 0 : i32
      %sign3A_490 = arith.cmpi slt, %jit3A_477, %sign3A_489 : i32
      %sign3A_491 = arith.extui %sign3A_490 : i1 to i32
      %sign3A_492 = arith.subi %sign3A_488, %sign3A_491 : i32
      %ne3A_493 = arith.cmpi ne, %sign3A_485, %sign3A_492 : i32
      %rem3A_494 = arith.remsi %add3A_476, %jit3A_477 : i32
      %ne3A_495 = arith.constant 0 : i32
      %ne3A_496 = arith.cmpi ne, %rem3A_494, %ne3A_495 : i32
      %and3A_497 = arith.andi %ne3A_493, %ne3A_496 : i1
      %sub3A_498 = arith.constant 1 : i32
      %sub3A_499 = arith.subi %div3A_478, %sub3A_498 : i32
      %select_n3A_500 = arith.select %and3A_497, %sub3A_499, %div3A_478 : i32
      %jit3A_501 = arith.constant 4 : i32
      %eq3A_502 = arith.constant 0 : i32
      %eq3A_503 = arith.cmpi eq, %jit3A_501, %eq3A_502 : i32
      %jit3A_504 = arith.constant 1 : i32
      %select_n3A_505 = arith.select %eq3A_503, %jit3A_504, %jit3A_501 : i32
      %rem3A_506 = arith.remsi %add3A_476, %select_n3A_505 : i32
      %ne3A_507 = arith.constant 0 : i32
      %ne3A_508 = arith.cmpi ne, %rem3A_506, %ne3A_507 : i32
      %lt3A_509 = arith.constant 0 : i32
      %lt3A_510 = arith.cmpi slt, %rem3A_506, %lt3A_509 : i32
      %lt3A_511 = arith.constant 0 : i32
      %lt3A_512 = arith.cmpi slt, %select_n3A_505, %lt3A_511 : i32
      %ne3A_513 = arith.xori %lt3A_510, %lt3A_512 : i1
      %and3A_514 = arith.andi %ne3A_513, %ne3A_508 : i1
      %add3A_515 = arith.addi %rem3A_506, %select_n3A_505 : i32
      %select_n3A_516 = arith.select %and3A_514, %add3A_515, %rem3A_506 : i32
      %mul3A_517 = arith.constant 32 : i32
      %mul3A_518 = arith.muli %select_n3A_516, %mul3A_517 : i32
      %add3A_519 = arith.addi %mul3A_2, %mul3A_518 : i32
      %dma_start3A_520 = arith.constant 0 : i32
      %dma_start3A_521 = tpu.memref_slice %arg4[%select_n3A_500, %add3A_519, %dma_start3A_520] : memref<50x4096x128xf32, #tpu.memory_space<hbm>> -> memref<1x32x128xf32, #tpu.memory_space<hbm>>
      %dma_start3A_522 = tpu.memref_squeeze %dma_start3A_521 : memref<1x32x128xf32, #tpu.memory_space<hbm>> -> memref<32x128xf32, #tpu.memory_space<hbm>>
      %dma_start3A_523 = arith.constant 0 : i32
      %dma_start3A_524 = tpu.memref_slice %arg4[%select_n3A_500, %add3A_519, %dma_start3A_523] : memref<50x4096x128xf32, #tpu.memory_space<hbm>> -> memref<1x32x128xf32, #tpu.memory_space<hbm>>
      %dma_start3A_525 = tpu.memref_squeeze %dma_start3A_524 : memref<1x32x128xf32, #tpu.memory_space<hbm>> -> memref<32x128xf32, #tpu.memory_space<hbm>>
      tpu.enqueue_dma source(%arg8 : memref<32x128xf32, #tpu.memory_space<vmem>>) target(%dma_start3A_525 : memref<32x128xf32, #tpu.memory_space<hbm>>) target_semaphore(%arg28 : memref<!tpu.dma_semaphore, #tpu.memory_space<semaphore_mem>>)
      %add3A_526 = arith.constant 2 : i32
      %add3A_527 = arith.addi %mul3A_334, %add3A_526 : i32
      %jit3A_528 = arith.constant 4 : i32
      %div3A_529 = arith.divsi %add3A_527, %jit3A_528 : i32
      %sign3A_530 = arith.constant 0 : i32
      %sign3A_531 = arith.cmpi sgt, %add3A_527, %sign3A_530 : i32
      %sign3A_532 = arith.extui %sign3A_531 : i1 to i32
      %sign3A_533 = arith.constant 0 : i32
      %sign3A_534 = arith.cmpi slt, %add3A_527, %sign3A_533 : i32
      %sign3A_535 = arith.extui %sign3A_534 : i1 to i32
      %sign3A_536 = arith.subi %sign3A_532, %sign3A_535 : i32
      %sign3A_537 = arith.constant 0 : i32
      %sign3A_538 = arith.cmpi sgt, %jit3A_528, %sign3A_537 : i32
      %sign3A_539 = arith.extui %sign3A_538 : i1 to i32
      %sign3A_540 = arith.constant 0 : i32
      %sign3A_541 = arith.cmpi slt, %jit3A_528, %sign3A_540 : i32
      %sign3A_542 = arith.extui %sign3A_541 : i1 to i32
      %sign3A_543 = arith.subi %sign3A_539, %sign3A_542 : i32
      %ne3A_544 = arith.cmpi ne, %sign3A_536, %sign3A_543 : i32
      %rem3A_545 = arith.remsi %add3A_527, %jit3A_528 : i32
      %ne3A_546 = arith.constant 0 : i32
      %ne3A_547 = arith.cmpi ne, %rem3A_545, %ne3A_546 : i32
      %and3A_548 = arith.andi %ne3A_544, %ne3A_547 : i1
      %sub3A_549 = arith.constant 1 : i32
      %sub3A_550 = arith.subi %div3A_529, %sub3A_549 : i32
      %select_n3A_551 = arith.select %and3A_548, %sub3A_550, %div3A_529 : i32
      %jit3A_552 = arith.constant 4 : i32
      %eq3A_553 = arith.constant 0 : i32
      %eq3A_554 = arith.cmpi eq, %jit3A_552, %eq3A_553 : i32
      %jit3A_555 = arith.constant 1 : i32
      %select_n3A_556 = arith.select %eq3A_554, %jit3A_555, %jit3A_552 : i32
      %rem3A_557 = arith.remsi %add3A_527, %select_n3A_556 : i32
      %ne3A_558 = arith.constant 0 : i32
      %ne3A_559 = arith.cmpi ne, %rem3A_557, %ne3A_558 : i32
      %lt3A_560 = arith.constant 0 : i32
      %lt3A_561 = arith.cmpi slt, %rem3A_557, %lt3A_560 : i32
      %lt3A_562 = arith.constant 0 : i32
      %lt3A_563 = arith.cmpi slt, %select_n3A_556, %lt3A_562 : i32
      %ne3A_564 = arith.xori %lt3A_561, %lt3A_563 : i1
      %and3A_565 = arith.andi %ne3A_564, %ne3A_559 : i1
      %add3A_566 = arith.addi %rem3A_557, %select_n3A_556 : i32
      %select_n3A_567 = arith.select %and3A_565, %add3A_566, %rem3A_557 : i32
      %mul3A_568 = arith.constant 32 : i32
      %mul3A_569 = arith.muli %select_n3A_567, %mul3A_568 : i32
      %dma_wait3A_570 = tpu.memref_slice %arg5[%select_n3A_551, %mul3A_569] : memref<50x128xi32, #tpu.memory_space<vmem>> -> memref<1x32xi32, #tpu.memory_space<vmem>>
      %dma_wait3A_571 = tpu.memref_squeeze %dma_wait3A_570 : memref<1x32xi32, #tpu.memory_space<vmem>> -> memref<32xi32, #tpu.memory_space<vmem>>
      %dma_wait3A_572 = arith.constant 0 : i32
      %dma_wait3A_573 = arith.constant 0 : i32
      %dma_wait3A_574 = tpu.memref_slice %arg6[%dma_wait3A_572, %dma_wait3A_573] : memref<10000x128xf32, #tpu.memory_space<vmem_shared>> -> memref<10000x128xf32, #tpu.memory_space<vmem_shared>>
      tpu.wait_indirect_dma semaphore(%arg19 : memref<!tpu.dma_semaphore, #tpu.memory_space<semaphore_mem>>) src(%dma_wait3A_574 : memref<10000x128xf32, #tpu.memory_space<vmem_shared>>) dst(%arg9 : memref<32x128xf32, #tpu.memory_space<vmem>>)
      %add3A_575 = arith.constant 2 : i32
      %add3A_576 = arith.addi %mul3A_334, %add3A_575 : i32
      %jit3A_577 = arith.constant 4 : i32
      %div3A_578 = arith.divsi %add3A_576, %jit3A_577 : i32
      %sign3A_579 = arith.constant 0 : i32
      %sign3A_580 = arith.cmpi sgt, %add3A_576, %sign3A_579 : i32
      %sign3A_581 = arith.extui %sign3A_580 : i1 to i32
      %sign3A_582 = arith.constant 0 : i32
      %sign3A_583 = arith.cmpi slt, %add3A_576, %sign3A_582 : i32
      %sign3A_584 = arith.extui %sign3A_583 : i1 to i32
      %sign3A_585 = arith.subi %sign3A_581, %sign3A_584 : i32
      %sign3A_586 = arith.constant 0 : i32
      %sign3A_587 = arith.cmpi sgt, %jit3A_577, %sign3A_586 : i32
      %sign3A_588 = arith.extui %sign3A_587 : i1 to i32
      %sign3A_589 = arith.constant 0 : i32
      %sign3A_590 = arith.cmpi slt, %jit3A_577, %sign3A_589 : i32
      %sign3A_591 = arith.extui %sign3A_590 : i1 to i32
      %sign3A_592 = arith.subi %sign3A_588, %sign3A_591 : i32
      %ne3A_593 = arith.cmpi ne, %sign3A_585, %sign3A_592 : i32
      %rem3A_594 = arith.remsi %add3A_576, %jit3A_577 : i32
      %ne3A_595 = arith.constant 0 : i32
      %ne3A_596 = arith.cmpi ne, %rem3A_594, %ne3A_595 : i32
      %and3A_597 = arith.andi %ne3A_593, %ne3A_596 : i1
      %sub3A_598 = arith.constant 1 : i32
      %sub3A_599 = arith.subi %div3A_578, %sub3A_598 : i32
      %select_n3A_600 = arith.select %and3A_597, %sub3A_599, %div3A_578 : i32
      %jit3A_601 = arith.constant 4 : i32
      %eq3A_602 = arith.constant 0 : i32
      %eq3A_603 = arith.cmpi eq, %jit3A_601, %eq3A_602 : i32
      %jit3A_604 = arith.constant 1 : i32
      %select_n3A_605 = arith.select %eq3A_603, %jit3A_604, %jit3A_601 : i32
      %rem3A_606 = arith.remsi %add3A_576, %select_n3A_605 : i32
      %ne3A_607 = arith.constant 0 : i32
      %ne3A_608 = arith.cmpi ne, %rem3A_606, %ne3A_607 : i32
      %lt3A_609 = arith.constant 0 : i32
      %lt3A_610 = arith.cmpi slt, %rem3A_606, %lt3A_609 : i32
      %lt3A_611 = arith.constant 0 : i32
      %lt3A_612 = arith.cmpi slt, %select_n3A_605, %lt3A_611 : i32
      %ne3A_613 = arith.xori %lt3A_610, %lt3A_612 : i1
      %and3A_614 = arith.andi %ne3A_613, %ne3A_608 : i1
      %add3A_615 = arith.addi %rem3A_606, %select_n3A_605 : i32
      %select_n3A_616 = arith.select %and3A_614, %add3A_615, %rem3A_606 : i32
      %mul3A_617 = arith.constant 32 : i32
      %mul3A_618 = arith.muli %select_n3A_616, %mul3A_617 : i32
      %add3A_619 = arith.addi %mul3A_2, %mul3A_618 : i32
      %dma_start3A_620 = arith.constant 0 : i32
      %dma_start3A_621 = tpu.memref_slice %arg4[%select_n3A_600, %add3A_619, %dma_start3A_620] : memref<50x4096x128xf32, #tpu.memory_space<hbm>> -> memref<1x32x128xf32, #tpu.memory_space<hbm>>
      %dma_start3A_622 = tpu.memref_squeeze %dma_start3A_621 : memref<1x32x128xf32, #tpu.memory_space<hbm>> -> memref<32x128xf32, #tpu.memory_space<hbm>>
      %dma_start3A_623 = arith.constant 0 : i32
      %dma_start3A_624 = tpu.memref_slice %arg4[%select_n3A_600, %add3A_619, %dma_start3A_623] : memref<50x4096x128xf32, #tpu.memory_space<hbm>> -> memref<1x32x128xf32, #tpu.memory_space<hbm>>
      %dma_start3A_625 = tpu.memref_squeeze %dma_start3A_624 : memref<1x32x128xf32, #tpu.memory_space<hbm>> -> memref<32x128xf32, #tpu.memory_space<hbm>>
      tpu.enqueue_dma source(%arg9 : memref<32x128xf32, #tpu.memory_space<vmem>>) target(%dma_start3A_625 : memref<32x128xf32, #tpu.memory_space<hbm>>) target_semaphore(%arg29 : memref<!tpu.dma_semaphore, #tpu.memory_space<semaphore_mem>>)
      %add3A_626 = arith.constant 3 : i32
      %add3A_627 = arith.addi %mul3A_334, %add3A_626 : i32
      %jit3A_628 = arith.constant 4 : i32
      %div3A_629 = arith.divsi %add3A_627, %jit3A_628 : i32
      %sign3A_630 = arith.constant 0 : i32
      %sign3A_631 = arith.cmpi sgt, %add3A_627, %sign3A_630 : i32
      %sign3A_632 = arith.extui %sign3A_631 : i1 to i32
      %sign3A_633 = arith.constant 0 : i32
      %sign3A_634 = arith.cmpi slt, %add3A_627, %sign3A_633 : i32
      %sign3A_635 = arith.extui %sign3A_634 : i1 to i32
      %sign3A_636 = arith.subi %sign3A_632, %sign3A_635 : i32
      %sign3A_637 = arith.constant 0 : i32
      %sign3A_638 = arith.cmpi sgt, %jit3A_628, %sign3A_637 : i32
      %sign3A_639 = arith.extui %sign3A_638 : i1 to i32
      %sign3A_640 = arith.constant 0 : i32
      %sign3A_641 = arith.cmpi slt, %jit3A_628, %sign3A_640 : i32
      %sign3A_642 = arith.extui %sign3A_641 : i1 to i32
      %sign3A_643 = arith.subi %sign3A_639, %sign3A_642 : i32
      %ne3A_644 = arith.cmpi ne, %sign3A_636, %sign3A_643 : i32
      %rem3A_645 = arith.remsi %add3A_627, %jit3A_628 : i32
      %ne3A_646 = arith.constant 0 : i32
      %ne3A_647 = arith.cmpi ne, %rem3A_645, %ne3A_646 : i32
      %and3A_648 = arith.andi %ne3A_644, %ne3A_647 : i1
      %sub3A_649 = arith.constant 1 : i32
      %sub3A_650 = arith.subi %div3A_629, %sub3A_649 : i32
      %select_n3A_651 = arith.select %and3A_648, %sub3A_650, %div3A_629 : i32
      %jit3A_652 = arith.constant 4 : i32
      %eq3A_653 = arith.constant 0 : i32
      %eq3A_654 = arith.cmpi eq, %jit3A_652, %eq3A_653 : i32
      %jit3A_655 = arith.constant 1 : i32
      %select_n3A_656 = arith.select %eq3A_654, %jit3A_655, %jit3A_652 : i32
      %rem3A_657 = arith.remsi %add3A_627, %select_n3A_656 : i32
      %ne3A_658 = arith.constant 0 : i32
      %ne3A_659 = arith.cmpi ne, %rem3A_657, %ne3A_658 : i32
      %lt3A_660 = arith.constant 0 : i32
      %lt3A_661 = arith.cmpi slt, %rem3A_657, %lt3A_660 : i32
      %lt3A_662 = arith.constant 0 : i32
      %lt3A_663 = arith.cmpi slt, %select_n3A_656, %lt3A_662 : i32
      %ne3A_664 = arith.xori %lt3A_661, %lt3A_663 : i1
      %and3A_665 = arith.andi %ne3A_664, %ne3A_659 : i1
      %add3A_666 = arith.addi %rem3A_657, %select_n3A_656 : i32
      %select_n3A_667 = arith.select %and3A_665, %add3A_666, %rem3A_657 : i32
      %mul3A_668 = arith.constant 32 : i32
      %mul3A_669 = arith.muli %select_n3A_667, %mul3A_668 : i32
      %dma_wait3A_670 = tpu.memref_slice %arg5[%select_n3A_651, %mul3A_669] : memref<50x128xi32, #tpu.memory_space<vmem>> -> memref<1x32xi32, #tpu.memory_space<vmem>>
      %dma_wait3A_671 = tpu.memref_squeeze %dma_wait3A_670 : memref<1x32xi32, #tpu.memory_space<vmem>> -> memref<32xi32, #tpu.memory_space<vmem>>
      %dma_wait3A_672 = arith.constant 0 : i32
      %dma_wait3A_673 = arith.constant 0 : i32
      %dma_wait3A_674 = tpu.memref_slice %arg6[%dma_wait3A_672, %dma_wait3A_673] : memref<10000x128xf32, #tpu.memory_space<vmem_shared>> -> memref<10000x128xf32, #tpu.memory_space<vmem_shared>>
      tpu.wait_indirect_dma semaphore(%arg20 : memref<!tpu.dma_semaphore, #tpu.memory_space<semaphore_mem>>) src(%dma_wait3A_674 : memref<10000x128xf32, #tpu.memory_space<vmem_shared>>) dst(%arg10 : memref<32x128xf32, #tpu.memory_space<vmem>>)
      %add3A_675 = arith.constant 3 : i32
      %add3A_676 = arith.addi %mul3A_334, %add3A_675 : i32
      %jit3A_677 = arith.constant 4 : i32
      %div3A_678 = arith.divsi %add3A_676, %jit3A_677 : i32
      %sign3A_679 = arith.constant 0 : i32
      %sign3A_680 = arith.cmpi sgt, %add3A_676, %sign3A_679 : i32
      %sign3A_681 = arith.extui %sign3A_680 : i1 to i32
      %sign3A_682 = arith.constant 0 : i32
      %sign3A_683 = arith.cmpi slt, %add3A_676, %sign3A_682 : i32
      %sign3A_684 = arith.extui %sign3A_683 : i1 to i32
      %sign3A_685 = arith.subi %sign3A_681, %sign3A_684 : i32
      %sign3A_686 = arith.constant 0 : i32
      %sign3A_687 = arith.cmpi sgt, %jit3A_677, %sign3A_686 : i32
      %sign3A_688 = arith.extui %sign3A_687 : i1 to i32
      %sign3A_689 = arith.constant 0 : i32
      %sign3A_690 = arith.cmpi slt, %jit3A_677, %sign3A_689 : i32
      %sign3A_691 = arith.extui %sign3A_690 : i1 to i32
      %sign3A_692 = arith.subi %sign3A_688, %sign3A_691 : i32
      %ne3A_693 = arith.cmpi ne, %sign3A_685, %sign3A_692 : i32
      %rem3A_694 = arith.remsi %add3A_676, %jit3A_677 : i32
      %ne3A_695 = arith.constant 0 : i32
      %ne3A_696 = arith.cmpi ne, %rem3A_694, %ne3A_695 : i32
      %and3A_697 = arith.andi %ne3A_693, %ne3A_696 : i1
      %sub3A_698 = arith.constant 1 : i32
      %sub3A_699 = arith.subi %div3A_678, %sub3A_698 : i32
      %select_n3A_700 = arith.select %and3A_697, %sub3A_699, %div3A_678 : i32
      %jit3A_701 = arith.constant 4 : i32
      %eq3A_702 = arith.constant 0 : i32
      %eq3A_703 = arith.cmpi eq, %jit3A_701, %eq3A_702 : i32
      %jit3A_704 = arith.constant 1 : i32
      %select_n3A_705 = arith.select %eq3A_703, %jit3A_704, %jit3A_701 : i32
      %rem3A_706 = arith.remsi %add3A_676, %select_n3A_705 : i32
      %ne3A_707 = arith.constant 0 : i32
      %ne3A_708 = arith.cmpi ne, %rem3A_706, %ne3A_707 : i32
      %lt3A_709 = arith.constant 0 : i32
      %lt3A_710 = arith.cmpi slt, %rem3A_706, %lt3A_709 : i32
      %lt3A_711 = arith.constant 0 : i32
      %lt3A_712 = arith.cmpi slt, %select_n3A_705, %lt3A_711 : i32
      %ne3A_713 = arith.xori %lt3A_710, %lt3A_712 : i1
      %and3A_714 = arith.andi %ne3A_713, %ne3A_708 : i1
      %add3A_715 = arith.addi %rem3A_706, %select_n3A_705 : i32
      %select_n3A_716 = arith.select %and3A_714, %add3A_715, %rem3A_706 : i32
      %mul3A_717 = arith.constant 32 : i32
      %mul3A_718 = arith.muli %select_n3A_716, %mul3A_717 : i32
      %add3A_719 = arith.addi %mul3A_2, %mul3A_718 : i32
      %dma_start3A_720 = arith.constant 0 : i32
      %dma_start3A_721 = tpu.memref_slice %arg4[%select_n3A_700, %add3A_719, %dma_start3A_720] : memref<50x4096x128xf32, #tpu.memory_space<hbm>> -> memref<1x32x128xf32, #tpu.memory_space<hbm>>
      %dma_start3A_722 = tpu.memref_squeeze %dma_start3A_721 : memref<1x32x128xf32, #tpu.memory_space<hbm>> -> memref<32x128xf32, #tpu.memory_space<hbm>>
      %dma_start3A_723 = arith.constant 0 : i32
      %dma_start3A_724 = tpu.memref_slice %arg4[%select_n3A_700, %add3A_719, %dma_start3A_723] : memref<50x4096x128xf32, #tpu.memory_space<hbm>> -> memref<1x32x128xf32, #tpu.memory_space<hbm>>
      %dma_start3A_725 = tpu.memref_squeeze %dma_start3A_724 : memref<1x32x128xf32, #tpu.memory_space<hbm>> -> memref<32x128xf32, #tpu.memory_space<hbm>>
      tpu.enqueue_dma source(%arg10 : memref<32x128xf32, #tpu.memory_space<vmem>>) target(%dma_start3A_725 : memref<32x128xf32, #tpu.memory_space<hbm>>) target_semaphore(%arg30 : memref<!tpu.dma_semaphore, #tpu.memory_space<semaphore_mem>>)
      %add3A_726 = arith.constant 4 : i32
      %add3A_727 = arith.addi %mul3A_334, %add3A_726 : i32
      %jit3A_728 = arith.constant 4 : i32
      %div3A_729 = arith.divsi %add3A_727, %jit3A_728 : i32
      %sign3A_730 = arith.constant 0 : i32
      %sign3A_731 = arith.cmpi sgt, %add3A_727, %sign3A_730 : i32
      %sign3A_732 = arith.extui %sign3A_731 : i1 to i32
      %sign3A_733 = arith.constant 0 : i32
      %sign3A_734 = arith.cmpi slt, %add3A_727, %sign3A_733 : i32
      %sign3A_735 = arith.extui %sign3A_734 : i1 to i32
      %sign3A_736 = arith.subi %sign3A_732, %sign3A_735 : i32
      %sign3A_737 = arith.constant 0 : i32
      %sign3A_738 = arith.cmpi sgt, %jit3A_728, %sign3A_737 : i32
      %sign3A_739 = arith.extui %sign3A_738 : i1 to i32
      %sign3A_740 = arith.constant 0 : i32
      %sign3A_741 = arith.cmpi slt, %jit3A_728, %sign3A_740 : i32
      %sign3A_742 = arith.extui %sign3A_741 : i1 to i32
      %sign3A_743 = arith.subi %sign3A_739, %sign3A_742 : i32
      %ne3A_744 = arith.cmpi ne, %sign3A_736, %sign3A_743 : i32
      %rem3A_745 = arith.remsi %add3A_727, %jit3A_728 : i32
      %ne3A_746 = arith.constant 0 : i32
      %ne3A_747 = arith.cmpi ne, %rem3A_745, %ne3A_746 : i32
      %and3A_748 = arith.andi %ne3A_744, %ne3A_747 : i1
      %sub3A_749 = arith.constant 1 : i32
      %sub3A_750 = arith.subi %div3A_729, %sub3A_749 : i32
      %select_n3A_751 = arith.select %and3A_748, %sub3A_750, %div3A_729 : i32
      %jit3A_752 = arith.constant 4 : i32
      %eq3A_753 = arith.constant 0 : i32
      %eq3A_754 = arith.cmpi eq, %jit3A_752, %eq3A_753 : i32
      %jit3A_755 = arith.constant 1 : i32
      %select_n3A_756 = arith.select %eq3A_754, %jit3A_755, %jit3A_752 : i32
      %rem3A_757 = arith.remsi %add3A_727, %select_n3A_756 : i32
      %ne3A_758 = arith.constant 0 : i32
      %ne3A_759 = arith.cmpi ne, %rem3A_757, %ne3A_758 : i32
      %lt3A_760 = arith.constant 0 : i32
      %lt3A_761 = arith.cmpi slt, %rem3A_757, %lt3A_760 : i32
      %lt3A_762 = arith.constant 0 : i32
      %lt3A_763 = arith.cmpi slt, %select_n3A_756, %lt3A_762 : i32
      %ne3A_764 = arith.xori %lt3A_761, %lt3A_763 : i1
      %and3A_765 = arith.andi %ne3A_764, %ne3A_759 : i1
      %add3A_766 = arith.addi %rem3A_757, %select_n3A_756 : i32
      %select_n3A_767 = arith.select %and3A_765, %add3A_766, %rem3A_757 : i32
      %mul3A_768 = arith.constant 32 : i32
      %mul3A_769 = arith.muli %select_n3A_767, %mul3A_768 : i32
      %dma_wait3A_770 = tpu.memref_slice %arg5[%select_n3A_751, %mul3A_769] : memref<50x128xi32, #tpu.memory_space<vmem>> -> memref<1x32xi32, #tpu.memory_space<vmem>>
      %dma_wait3A_771 = tpu.memref_squeeze %dma_wait3A_770 : memref<1x32xi32, #tpu.memory_space<vmem>> -> memref<32xi32, #tpu.memory_space<vmem>>
      %dma_wait3A_772 = arith.constant 0 : i32
      %dma_wait3A_773 = arith.constant 0 : i32
      %dma_wait3A_774 = tpu.memref_slice %arg6[%dma_wait3A_772, %dma_wait3A_773] : memref<10000x128xf32, #tpu.memory_space<vmem_shared>> -> memref<10000x128xf32, #tpu.memory_space<vmem_shared>>
      tpu.wait_indirect_dma semaphore(%arg21 : memref<!tpu.dma_semaphore, #tpu.memory_space<semaphore_mem>>) src(%dma_wait3A_774 : memref<10000x128xf32, #tpu.memory_space<vmem_shared>>) dst(%arg11 : memref<32x128xf32, #tpu.memory_space<vmem>>)
      %add3A_775 = arith.constant 4 : i32
      %add3A_776 = arith.addi %mul3A_334, %add3A_775 : i32
      %jit3A_777 = arith.constant 4 : i32
      %div3A_778 = arith.divsi %add3A_776, %jit3A_777 : i32
      %sign3A_779 = arith.constant 0 : i32
      %sign3A_780 = arith.cmpi sgt, %add3A_776, %sign3A_779 : i32
      %sign3A_781 = arith.extui %sign3A_780 : i1 to i32
      %sign3A_782 = arith.constant 0 : i32
      %sign3A_783 = arith.cmpi slt, %add3A_776, %sign3A_782 : i32
      %sign3A_784 = arith.extui %sign3A_783 : i1 to i32
      %sign3A_785 = arith.subi %sign3A_781, %sign3A_784 : i32
      %sign3A_786 = arith.constant 0 : i32
      %sign3A_787 = arith.cmpi sgt, %jit3A_777, %sign3A_786 : i32
      %sign3A_788 = arith.extui %sign3A_787 : i1 to i32
      %sign3A_789 = arith.constant 0 : i32
      %sign3A_790 = arith.cmpi slt, %jit3A_777, %sign3A_789 : i32
      %sign3A_791 = arith.extui %sign3A_790 : i1 to i32
      %sign3A_792 = arith.subi %sign3A_788, %sign3A_791 : i32
      %ne3A_793 = arith.cmpi ne, %sign3A_785, %sign3A_792 : i32
      %rem3A_794 = arith.remsi %add3A_776, %jit3A_777 : i32
      %ne3A_795 = arith.constant 0 : i32
      %ne3A_796 = arith.cmpi ne, %rem3A_794, %ne3A_795 : i32
      %and3A_797 = arith.andi %ne3A_793, %ne3A_796 : i1
      %sub3A_798 = arith.constant 1 : i32
      %sub3A_799 = arith.subi %div3A_778, %sub3A_798 : i32
      %select_n3A_800 = arith.select %and3A_797, %sub3A_799, %div3A_778 : i32
      %jit3A_801 = arith.constant 4 : i32
      %eq3A_802 = arith.constant 0 : i32
      %eq3A_803 = arith.cmpi eq, %jit3A_801, %eq3A_802 : i32
      %jit3A_804 = arith.constant 1 : i32
      %select_n3A_805 = arith.select %eq3A_803, %jit3A_804, %jit3A_801 : i32
      %rem3A_806 = arith.remsi %add3A_776, %select_n3A_805 : i32
      %ne3A_807 = arith.constant 0 : i32
      %ne3A_808 = arith.cmpi ne, %rem3A_806, %ne3A_807 : i32
      %lt3A_809 = arith.constant 0 : i32
      %lt3A_810 = arith.cmpi slt, %rem3A_806, %lt3A_809 : i32
      %lt3A_811 = arith.constant 0 : i32
      %lt3A_812 = arith.cmpi slt, %select_n3A_805, %lt3A_811 : i32
      %ne3A_813 = arith.xori %lt3A_810, %lt3A_812 : i1
      %and3A_814 = arith.andi %ne3A_813, %ne3A_808 : i1
      %add3A_815 = arith.addi %rem3A_806, %select_n3A_805 : i32
      %select_n3A_816 = arith.select %and3A_814, %add3A_815, %rem3A_806 : i32
      %mul3A_817 = arith.constant 32 : i32
      %mul3A_818 = arith.muli %select_n3A_816, %mul3A_817 : i32
      %add3A_819 = arith.addi %mul3A_2, %mul3A_818 : i32
      %dma_start3A_820 = arith.constant 0 : i32
      %dma_start3A_821 = tpu.memref_slice %arg4[%select_n3A_800, %add3A_819, %dma_start3A_820] : memref<50x4096x128xf32, #tpu.memory_space<hbm>> -> memref<1x32x128xf32, #tpu.memory_space<hbm>>
      %dma_start3A_822 = tpu.memref_squeeze %dma_start3A_821 : memref<1x32x128xf32, #tpu.memory_space<hbm>> -> memref<32x128xf32, #tpu.memory_space<hbm>>
      %dma_start3A_823 = arith.constant 0 : i32
      %dma_start3A_824 = tpu.memref_slice %arg4[%select_n3A_800, %add3A_819, %dma_start3A_823] : memref<50x4096x128xf32, #tpu.memory_space<hbm>> -> memref<1x32x128xf32, #tpu.memory_space<hbm>>
      %dma_start3A_825 = tpu.memref_squeeze %dma_start3A_824 : memref<1x32x128xf32, #tpu.memory_space<hbm>> -> memref<32x128xf32, #tpu.memory_space<hbm>>
      tpu.enqueue_dma source(%arg11 : memref<32x128xf32, #tpu.memory_space<vmem>>) target(%dma_start3A_825 : memref<32x128xf32, #tpu.memory_space<hbm>>) target_semaphore(%arg31 : memref<!tpu.dma_semaphore, #tpu.memory_space<semaphore_mem>>)
      %add3A_826 = arith.constant 5 : i32
      %add3A_827 = arith.addi %mul3A_334, %add3A_826 : i32
      %jit3A_828 = arith.constant 4 : i32
      %div3A_829 = arith.divsi %add3A_827, %jit3A_828 : i32
      %sign3A_830 = arith.constant 0 : i32
      %sign3A_831 = arith.cmpi sgt, %add3A_827, %sign3A_830 : i32
      %sign3A_832 = arith.extui %sign3A_831 : i1 to i32
      %sign3A_833 = arith.constant 0 : i32
      %sign3A_834 = arith.cmpi slt, %add3A_827, %sign3A_833 : i32
      %sign3A_835 = arith.extui %sign3A_834 : i1 to i32
      %sign3A_836 = arith.subi %sign3A_832, %sign3A_835 : i32
      %sign3A_837 = arith.constant 0 : i32
      %sign3A_838 = arith.cmpi sgt, %jit3A_828, %sign3A_837 : i32
      %sign3A_839 = arith.extui %sign3A_838 : i1 to i32
      %sign3A_840 = arith.constant 0 : i32
      %sign3A_841 = arith.cmpi slt, %jit3A_828, %sign3A_840 : i32
      %sign3A_842 = arith.extui %sign3A_841 : i1 to i32
      %sign3A_843 = arith.subi %sign3A_839, %sign3A_842 : i32
      %ne3A_844 = arith.cmpi ne, %sign3A_836, %sign3A_843 : i32
      %rem3A_845 = arith.remsi %add3A_827, %jit3A_828 : i32
      %ne3A_846 = arith.constant 0 : i32
      %ne3A_847 = arith.cmpi ne, %rem3A_845, %ne3A_846 : i32
      %and3A_848 = arith.andi %ne3A_844, %ne3A_847 : i1
      %sub3A_849 = arith.constant 1 : i32
      %sub3A_850 = arith.subi %div3A_829, %sub3A_849 : i32
      %select_n3A_851 = arith.select %and3A_848, %sub3A_850, %div3A_829 : i32
      %jit3A_852 = arith.constant 4 : i32
      %eq3A_853 = arith.constant 0 : i32
      %eq3A_854 = arith.cmpi eq, %jit3A_852, %eq3A_853 : i32
      %jit3A_855 = arith.constant 1 : i32
      %select_n3A_856 = arith.select %eq3A_854, %jit3A_855, %jit3A_852 : i32
      %rem3A_857 = arith.remsi %add3A_827, %select_n3A_856 : i32
      %ne3A_858 = arith.constant 0 : i32
      %ne3A_859 = arith.cmpi ne, %rem3A_857, %ne3A_858 : i32
      %lt3A_860 = arith.constant 0 : i32
      %lt3A_861 = arith.cmpi slt, %rem3A_857, %lt3A_860 : i32
      %lt3A_862 = arith.constant 0 : i32
      %lt3A_863 = arith.cmpi slt, %select_n3A_856, %lt3A_862 : i32
      %ne3A_864 = arith.xori %lt3A_861, %lt3A_863 : i1
      %and3A_865 = arith.andi %ne3A_864, %ne3A_859 : i1
      %add3A_866 = arith.addi %rem3A_857, %select_n3A_856 : i32
      %select_n3A_867 = arith.select %and3A_865, %add3A_866, %rem3A_857 : i32
      %mul3A_868 = arith.constant 32 : i32
      %mul3A_869 = arith.muli %select_n3A_867, %mul3A_868 : i32
      %dma_wait3A_870 = tpu.memref_slice %arg5[%select_n3A_851, %mul3A_869] : memref<50x128xi32, #tpu.memory_space<vmem>> -> memref<1x32xi32, #tpu.memory_space<vmem>>
      %dma_wait3A_871 = tpu.memref_squeeze %dma_wait3A_870 : memref<1x32xi32, #tpu.memory_space<vmem>> -> memref<32xi32, #tpu.memory_space<vmem>>
      %dma_wait3A_872 = arith.constant 0 : i32
      %dma_wait3A_873 = arith.constant 0 : i32
      %dma_wait3A_874 = tpu.memref_slice %arg6[%dma_wait3A_872, %dma_wait3A_873] : memref<10000x128xf32, #tpu.memory_space<vmem_shared>> -> memref<10000x128xf32, #tpu.memory_space<vmem_shared>>
      tpu.wait_indirect_dma semaphore(%arg22 : memref<!tpu.dma_semaphore, #tpu.memory_space<semaphore_mem>>) src(%dma_wait3A_874 : memref<10000x128xf32, #tpu.memory_space<vmem_shared>>) dst(%arg12 : memref<32x128xf32, #tpu.memory_space<vmem>>)
      %add3A_875 = arith.constant 5 : i32
      %add3A_876 = arith.addi %mul3A_334, %add3A_875 : i32
      %jit3A_877 = arith.constant 4 : i32
      %div3A_878 = arith.divsi %add3A_876, %jit3A_877 : i32
      %sign3A_879 = arith.constant 0 : i32
      %sign3A_880 = arith.cmpi sgt, %add3A_876, %sign3A_879 : i32
      %sign3A_881 = arith.extui %sign3A_880 : i1 to i32
      %sign3A_882 = arith.constant 0 : i32
      %sign3A_883 = arith.cmpi slt, %add3A_876, %sign3A_882 : i32
      %sign3A_884 = arith.extui %sign3A_883 : i1 to i32
      %sign3A_885 = arith.subi %sign3A_881, %sign3A_884 : i32
      %sign3A_886 = arith.constant 0 : i32
      %sign3A_887 = arith.cmpi sgt, %jit3A_877, %sign3A_886 : i32
      %sign3A_888 = arith.extui %sign3A_887 : i1 to i32
      %sign3A_889 = arith.constant 0 : i32
      %sign3A_890 = arith.cmpi slt, %jit3A_877, %sign3A_889 : i32
      %sign3A_891 = arith.extui %sign3A_890 : i1 to i32
      %sign3A_892 = arith.subi %sign3A_888, %sign3A_891 : i32
      %ne3A_893 = arith.cmpi ne, %sign3A_885, %sign3A_892 : i32
      %rem3A_894 = arith.remsi %add3A_876, %jit3A_877 : i32
      %ne3A_895 = arith.constant 0 : i32
      %ne3A_896 = arith.cmpi ne, %rem3A_894, %ne3A_895 : i32
      %and3A_897 = arith.andi %ne3A_893, %ne3A_896 : i1
      %sub3A_898 = arith.constant 1 : i32
      %sub3A_899 = arith.subi %div3A_878, %sub3A_898 : i32
      %select_n3A_900 = arith.select %and3A_897, %sub3A_899, %div3A_878 : i32
      %jit3A_901 = arith.constant 4 : i32
      %eq3A_902 = arith.constant 0 : i32
      %eq3A_903 = arith.cmpi eq, %jit3A_901, %eq3A_902 : i32
      %jit3A_904 = arith.constant 1 : i32
      %select_n3A_905 = arith.select %eq3A_903, %jit3A_904, %jit3A_901 : i32
      %rem3A_906 = arith.remsi %add3A_876, %select_n3A_905 : i32
      %ne3A_907 = arith.constant 0 : i32
      %ne3A_908 = arith.cmpi ne, %rem3A_906, %ne3A_907 : i32
      %lt3A_909 = arith.constant 0 : i32
      %lt3A_910 = arith.cmpi slt, %rem3A_906, %lt3A_909 : i32
      %lt3A_911 = arith.constant 0 : i32
      %lt3A_912 = arith.cmpi slt, %select_n3A_905, %lt3A_911 : i32
      %ne3A_913 = arith.xori %lt3A_910, %lt3A_912 : i1
      %and3A_914 = arith.andi %ne3A_913, %ne3A_908 : i1
      %add3A_915 = arith.addi %rem3A_906, %select_n3A_905 : i32
      %select_n3A_916 = arith.select %and3A_914, %add3A_915, %rem3A_906 : i32
      %mul3A_917 = arith.constant 32 : i32
      %mul3A_918 = arith.muli %select_n3A_916, %mul3A_917 : i32
      %add3A_919 = arith.addi %mul3A_2, %mul3A_918 : i32
      %dma_start3A_920 = arith.constant 0 : i32
      %dma_start3A_921 = tpu.memref_slice %arg4[%select_n3A_900, %add3A_919, %dma_start3A_920] : memref<50x4096x128xf32, #tpu.memory_space<hbm>> -> memref<1x32x128xf32, #tpu.memory_space<hbm>>
      %dma_start3A_922 = tpu.memref_squeeze %dma_start3A_921 : memref<1x32x128xf32, #tpu.memory_space<hbm>> -> memref<32x128xf32, #tpu.memory_space<hbm>>
      %dma_start3A_923 = arith.constant 0 : i32
      %dma_start3A_924 = tpu.memref_slice %arg4[%select_n3A_900, %add3A_919, %dma_start3A_923] : memref<50x4096x128xf32, #tpu.memory_space<hbm>> -> memref<1x32x128xf32, #tpu.memory_space<hbm>>
      %dma_start3A_925 = tpu.memref_squeeze %dma_start3A_924 : memref<1x32x128xf32, #tpu.memory_space<hbm>> -> memref<32x128xf32, #tpu.memory_space<hbm>>
      tpu.enqueue_dma source(%arg12 : memref<32x128xf32, #tpu.memory_space<vmem>>) target(%dma_start3A_925 : memref<32x128xf32, #tpu.memory_space<hbm>>) target_semaphore(%arg32 : memref<!tpu.dma_semaphore, #tpu.memory_space<semaphore_mem>>)
      %add3A_926 = arith.constant 6 : i32
      %add3A_927 = arith.addi %mul3A_334, %add3A_926 : i32
      %jit3A_928 = arith.constant 4 : i32
      %div3A_929 = arith.divsi %add3A_927, %jit3A_928 : i32
      %sign3A_930 = arith.constant 0 : i32
      %sign3A_931 = arith.cmpi sgt, %add3A_927, %sign3A_930 : i32
      %sign3A_932 = arith.extui %sign3A_931 : i1 to i32
      %sign3A_933 = arith.constant 0 : i32
      %sign3A_934 = arith.cmpi slt, %add3A_927, %sign3A_933 : i32
      %sign3A_935 = arith.extui %sign3A_934 : i1 to i32
      %sign3A_936 = arith.subi %sign3A_932, %sign3A_935 : i32
      %sign3A_937 = arith.constant 0 : i32
      %sign3A_938 = arith.cmpi sgt, %jit3A_928, %sign3A_937 : i32
      %sign3A_939 = arith.extui %sign3A_938 : i1 to i32
      %sign3A_940 = arith.constant 0 : i32
      %sign3A_941 = arith.cmpi slt, %jit3A_928, %sign3A_940 : i32
      %sign3A_942 = arith.extui %sign3A_941 : i1 to i32
      %sign3A_943 = arith.subi %sign3A_939, %sign3A_942 : i32
      %ne3A_944 = arith.cmpi ne, %sign3A_936, %sign3A_943 : i32
      %rem3A_945 = arith.remsi %add3A_927, %jit3A_928 : i32
      %ne3A_946 = arith.constant 0 : i32
      %ne3A_947 = arith.cmpi ne, %rem3A_945, %ne3A_946 : i32
      %and3A_948 = arith.andi %ne3A_944, %ne3A_947 : i1
      %sub3A_949 = arith.constant 1 : i32
      %sub3A_950 = arith.subi %div3A_929, %sub3A_949 : i32
      %select_n3A_951 = arith.select %and3A_948, %sub3A_950, %div3A_929 : i32
      %jit3A_952 = arith.constant 4 : i32
      %eq3A_953 = arith.constant 0 : i32
      %eq3A_954 = arith.cmpi eq, %jit3A_952, %eq3A_953 : i32
      %jit3A_955 = arith.constant 1 : i32
      %select_n3A_956 = arith.select %eq3A_954, %jit3A_955, %jit3A_952 : i32
      %rem3A_957 = arith.remsi %add3A_927, %select_n3A_956 : i32
      %ne3A_958 = arith.constant 0 : i32
      %ne3A_959 = arith.cmpi ne, %rem3A_957, %ne3A_958 : i32
      %lt3A_960 = arith.constant 0 : i32
      %lt3A_961 = arith.cmpi slt, %rem3A_957, %lt3A_960 : i32
      %lt3A_962 = arith.constant 0 : i32
      %lt3A_963 = arith.cmpi slt, %select_n3A_956, %lt3A_962 : i32
      %ne3A_964 = arith.xori %lt3A_961, %lt3A_963 : i1
      %and3A_965 = arith.andi %ne3A_964, %ne3A_959 : i1
      %add3A_966 = arith.addi %rem3A_957, %select_n3A_956 : i32
      %select_n3A_967 = arith.select %and3A_965, %add3A_966, %rem3A_957 : i32
      %mul3A_968 = arith.constant 32 : i32
      %mul3A_969 = arith.muli %select_n3A_967, %mul3A_968 : i32
      %dma_wait3A_970 = tpu.memref_slice %arg5[%select_n3A_951, %mul3A_969] : memref<50x128xi32, #tpu.memory_space<vmem>> -> memref<1x32xi32, #tpu.memory_space<vmem>>
      %dma_wait3A_971 = tpu.memref_squeeze %dma_wait3A_970 : memref<1x32xi32, #tpu.memory_space<vmem>> -> memref<32xi32, #tpu.memory_space<vmem>>
      %dma_wait3A_972 = arith.constant 0 : i32
      %dma_wait3A_973 = arith.constant 0 : i32
      %dma_wait3A_974 = tpu.memref_slice %arg6[%dma_wait3A_972, %dma_wait3A_973] : memref<10000x128xf32, #tpu.memory_space<vmem_shared>> -> memref<10000x128xf32, #tpu.memory_space<vmem_shared>>
      tpu.wait_indirect_dma semaphore(%arg23 : memref<!tpu.dma_semaphore, #tpu.memory_space<semaphore_mem>>) src(%dma_wait3A_974 : memref<10000x128xf32, #tpu.memory_space<vmem_shared>>) dst(%arg13 : memref<32x128xf32, #tpu.memory_space<vmem>>)
      %add3A_975 = arith.constant 6 : i32
      %add3A_976 = arith.addi %mul3A_334, %add3A_975 : i32
      %jit3A_977 = arith.constant 4 : i32
      %div3A_978 = arith.divsi %add3A_976, %jit3A_977 : i32
      %sign3A_979 = arith.constant 0 : i32
      %sign3A_980 = arith.cmpi sgt, %add3A_976, %sign3A_979 : i32
      %sign3A_981 = arith.extui %sign3A_980 : i1 to i32
      %sign3A_982 = arith.constant 0 : i32
      %sign3A_983 = arith.cmpi slt, %add3A_976, %sign3A_982 : i32
      %sign3A_984 = arith.extui %sign3A_983 : i1 to i32
      %sign3A_985 = arith.subi %sign3A_981, %sign3A_984 : i32
      %sign3A_986 = arith.constant 0 : i32
      %sign3A_987 = arith.cmpi sgt, %jit3A_977, %sign3A_986 : i32
      %sign3A_988 = arith.extui %sign3A_987 : i1 to i32
      %sign3A_989 = arith.constant 0 : i32
      %sign3A_990 = arith.cmpi slt, %jit3A_977, %sign3A_989 : i32
      %sign3A_991 = arith.extui %sign3A_990 : i1 to i32
      %sign3A_992 = arith.subi %sign3A_988, %sign3A_991 : i32
      %ne3A_993 = arith.cmpi ne, %sign3A_985, %sign3A_992 : i32
      %rem3A_994 = arith.remsi %add3A_976, %jit3A_977 : i32
      %ne3A_995 = arith.constant 0 : i32
      %ne3A_996 = arith.cmpi ne, %rem3A_994, %ne3A_995 : i32
      %and3A_997 = arith.andi %ne3A_993, %ne3A_996 : i1
      %sub3A_998 = arith.constant 1 : i32
      %sub3A_999 = arith.subi %div3A_978, %sub3A_998 : i32
      %select_n3A_1000 = arith.select %and3A_997, %sub3A_999, %div3A_978 : i32
      %jit3A_1001 = arith.constant 4 : i32
      %eq3A_1002 = arith.constant 0 : i32
      %eq3A_1003 = arith.cmpi eq, %jit3A_1001, %eq3A_1002 : i32
      %jit3A_1004 = arith.constant 1 : i32
      %select_n3A_1005 = arith.select %eq3A_1003, %jit3A_1004, %jit3A_1001 : i32
      %rem3A_1006 = arith.remsi %add3A_976, %select_n3A_1005 : i32
      %ne3A_1007 = arith.constant 0 : i32
      %ne3A_1008 = arith.cmpi ne, %rem3A_1006, %ne3A_1007 : i32
      %lt3A_1009 = arith.constant 0 : i32
      %lt3A_1010 = arith.cmpi slt, %rem3A_1006, %lt3A_1009 : i32
      %lt3A_1011 = arith.constant 0 : i32
      %lt3A_1012 = arith.cmpi slt, %select_n3A_1005, %lt3A_1011 : i32
      %ne3A_1013 = arith.xori %lt3A_1010, %lt3A_1012 : i1
      %and3A_1014 = arith.andi %ne3A_1013, %ne3A_1008 : i1
      %add3A_1015 = arith.addi %rem3A_1006, %select_n3A_1005 : i32
      %select_n3A_1016 = arith.select %and3A_1014, %add3A_1015, %rem3A_1006 : i32
      %mul3A_1017 = arith.constant 32 : i32
      %mul3A_1018 = arith.muli %select_n3A_1016, %mul3A_1017 : i32
      %add3A_1019 = arith.addi %mul3A_2, %mul3A_1018 : i32
      %dma_start3A_1020 = arith.constant 0 : i32
      %dma_start3A_1021 = tpu.memref_slice %arg4[%select_n3A_1000, %add3A_1019, %dma_start3A_1020] : memref<50x4096x128xf32, #tpu.memory_space<hbm>> -> memref<1x32x128xf32, #tpu.memory_space<hbm>>
      %dma_start3A_1022 = tpu.memref_squeeze %dma_start3A_1021 : memref<1x32x128xf32, #tpu.memory_space<hbm>> -> memref<32x128xf32, #tpu.memory_space<hbm>>
      %dma_start3A_1023 = arith.constant 0 : i32
      %dma_start3A_1024 = tpu.memref_slice %arg4[%select_n3A_1000, %add3A_1019, %dma_start3A_1023] : memref<50x4096x128xf32, #tpu.memory_space<hbm>> -> memref<1x32x128xf32, #tpu.memory_space<hbm>>
      %dma_start3A_1025 = tpu.memref_squeeze %dma_start3A_1024 : memref<1x32x128xf32, #tpu.memory_space<hbm>> -> memref<32x128xf32, #tpu.memory_space<hbm>>
      tpu.enqueue_dma source(%arg13 : memref<32x128xf32, #tpu.memory_space<vmem>>) target(%dma_start3A_1025 : memref<32x128xf32, #tpu.memory_space<hbm>>) target_semaphore(%arg33 : memref<!tpu.dma_semaphore, #tpu.memory_space<semaphore_mem>>)
      %add3A_1026 = arith.constant 7 : i32
      %add3A_1027 = arith.addi %mul3A_334, %add3A_1026 : i32
      %jit3A_1028 = arith.constant 4 : i32
      %div3A_1029 = arith.divsi %add3A_1027, %jit3A_1028 : i32
      %sign3A_1030 = arith.constant 0 : i32
      %sign3A_1031 = arith.cmpi sgt, %add3A_1027, %sign3A_1030 : i32
      %sign3A_1032 = arith.extui %sign3A_1031 : i1 to i32
      %sign3A_1033 = arith.constant 0 : i32
      %sign3A_1034 = arith.cmpi slt, %add3A_1027, %sign3A_1033 : i32
      %sign3A_1035 = arith.extui %sign3A_1034 : i1 to i32
      %sign3A_1036 = arith.subi %sign3A_1032, %sign3A_1035 : i32
      %sign3A_1037 = arith.constant 0 : i32
      %sign3A_1038 = arith.cmpi sgt, %jit3A_1028, %sign3A_1037 : i32
      %sign3A_1039 = arith.extui %sign3A_1038 : i1 to i32
      %sign3A_1040 = arith.constant 0 : i32
      %sign3A_1041 = arith.cmpi slt, %jit3A_1028, %sign3A_1040 : i32
      %sign3A_1042 = arith.extui %sign3A_1041 : i1 to i32
      %sign3A_1043 = arith.subi %sign3A_1039, %sign3A_1042 : i32
      %ne3A_1044 = arith.cmpi ne, %sign3A_1036, %sign3A_1043 : i32
      %rem3A_1045 = arith.remsi %add3A_1027, %jit3A_1028 : i32
      %ne3A_1046 = arith.constant 0 : i32
      %ne3A_1047 = arith.cmpi ne, %rem3A_1045, %ne3A_1046 : i32
      %and3A_1048 = arith.andi %ne3A_1044, %ne3A_1047 : i1
      %sub3A_1049 = arith.constant 1 : i32
      %sub3A_1050 = arith.subi %div3A_1029, %sub3A_1049 : i32
      %select_n3A_1051 = arith.select %and3A_1048, %sub3A_1050, %div3A_1029 : i32
      %jit3A_1052 = arith.constant 4 : i32
      %eq3A_1053 = arith.constant 0 : i32
      %eq3A_1054 = arith.cmpi eq, %jit3A_1052, %eq3A_1053 : i32
      %jit3A_1055 = arith.constant 1 : i32
      %select_n3A_1056 = arith.select %eq3A_1054, %jit3A_1055, %jit3A_1052 : i32
      %rem3A_1057 = arith.remsi %add3A_1027, %select_n3A_1056 : i32
      %ne3A_1058 = arith.constant 0 : i32
      %ne3A_1059 = arith.cmpi ne, %rem3A_1057, %ne3A_1058 : i32
      %lt3A_1060 = arith.constant 0 : i32
      %lt3A_1061 = arith.cmpi slt, %rem3A_1057, %lt3A_1060 : i32
      %lt3A_1062 = arith.constant 0 : i32
      %lt3A_1063 = arith.cmpi slt, %select_n3A_1056, %lt3A_1062 : i32
      %ne3A_1064 = arith.xori %lt3A_1061, %lt3A_1063 : i1
      %and3A_1065 = arith.andi %ne3A_1064, %ne3A_1059 : i1
      %add3A_1066 = arith.addi %rem3A_1057, %select_n3A_1056 : i32
      %select_n3A_1067 = arith.select %and3A_1065, %add3A_1066, %rem3A_1057 : i32
      %mul3A_1068 = arith.constant 32 : i32
      %mul3A_1069 = arith.muli %select_n3A_1067, %mul3A_1068 : i32
      %dma_wait3A_1070 = tpu.memref_slice %arg5[%select_n3A_1051, %mul3A_1069] : memref<50x128xi32, #tpu.memory_space<vmem>> -> memref<1x32xi32, #tpu.memory_space<vmem>>
      %dma_wait3A_1071 = tpu.memref_squeeze %dma_wait3A_1070 : memref<1x32xi32, #tpu.memory_space<vmem>> -> memref<32xi32, #tpu.memory_space<vmem>>
      %dma_wait3A_1072 = arith.constant 0 : i32
      %dma_wait3A_1073 = arith.constant 0 : i32
      %dma_wait3A_1074 = tpu.memref_slice %arg6[%dma_wait3A_1072, %dma_wait3A_1073] : memref<10000x128xf32, #tpu.memory_space<vmem_shared>> -> memref<10000x128xf32, #tpu.memory_space<vmem_shared>>
      tpu.wait_indirect_dma semaphore(%arg24 : memref<!tpu.dma_semaphore, #tpu.memory_space<semaphore_mem>>) src(%dma_wait3A_1074 : memref<10000x128xf32, #tpu.memory_space<vmem_shared>>) dst(%arg14 : memref<32x128xf32, #tpu.memory_space<vmem>>)
      %add3A_1075 = arith.constant 7 : i32
      %add3A_1076 = arith.addi %mul3A_334, %add3A_1075 : i32
      %jit3A_1077 = arith.constant 4 : i32
      %div3A_1078 = arith.divsi %add3A_1076, %jit3A_1077 : i32
      %sign3A_1079 = arith.constant 0 : i32
      %sign3A_1080 = arith.cmpi sgt, %add3A_1076, %sign3A_1079 : i32
      %sign3A_1081 = arith.extui %sign3A_1080 : i1 to i32
      %sign3A_1082 = arith.constant 0 : i32
      %sign3A_1083 = arith.cmpi slt, %add3A_1076, %sign3A_1082 : i32
      %sign3A_1084 = arith.extui %sign3A_1083 : i1 to i32
      %sign3A_1085 = arith.subi %sign3A_1081, %sign3A_1084 : i32
      %sign3A_1086 = arith.constant 0 : i32
      %sign3A_1087 = arith.cmpi sgt, %jit3A_1077, %sign3A_1086 : i32
      %sign3A_1088 = arith.extui %sign3A_1087 : i1 to i32
      %sign3A_1089 = arith.constant 0 : i32
      %sign3A_1090 = arith.cmpi slt, %jit3A_1077, %sign3A_1089 : i32
      %sign3A_1091 = arith.extui %sign3A_1090 : i1 to i32
      %sign3A_1092 = arith.subi %sign3A_1088, %sign3A_1091 : i32
      %ne3A_1093 = arith.cmpi ne, %sign3A_1085, %sign3A_1092 : i32
      %rem3A_1094 = arith.remsi %add3A_1076, %jit3A_1077 : i32
      %ne3A_1095 = arith.constant 0 : i32
      %ne3A_1096 = arith.cmpi ne, %rem3A_1094, %ne3A_1095 : i32
      %and3A_1097 = arith.andi %ne3A_1093, %ne3A_1096 : i1
      %sub3A_1098 = arith.constant 1 : i32
      %sub3A_1099 = arith.subi %div3A_1078, %sub3A_1098 : i32
      %select_n3A_1100 = arith.select %and3A_1097, %sub3A_1099, %div3A_1078 : i32
      %jit3A_1101 = arith.constant 4 : i32
      %eq3A_1102 = arith.constant 0 : i32
      %eq3A_1103 = arith.cmpi eq, %jit3A_1101, %eq3A_1102 : i32
      %jit3A_1104 = arith.constant 1 : i32
      %select_n3A_1105 = arith.select %eq3A_1103, %jit3A_1104, %jit3A_1101 : i32
      %rem3A_1106 = arith.remsi %add3A_1076, %select_n3A_1105 : i32
      %ne3A_1107 = arith.constant 0 : i32
      %ne3A_1108 = arith.cmpi ne, %rem3A_1106, %ne3A_1107 : i32
      %lt3A_1109 = arith.constant 0 : i32
      %lt3A_1110 = arith.cmpi slt, %rem3A_1106, %lt3A_1109 : i32
      %lt3A_1111 = arith.constant 0 : i32
      %lt3A_1112 = arith.cmpi slt, %select_n3A_1105, %lt3A_1111 : i32
      %ne3A_1113 = arith.xori %lt3A_1110, %lt3A_1112 : i1
      %and3A_1114 = arith.andi %ne3A_1113, %ne3A_1108 : i1
      %add3A_1115 = arith.addi %rem3A_1106, %select_n3A_1105 : i32
      %select_n3A_1116 = arith.select %and3A_1114, %add3A_1115, %rem3A_1106 : i32
      %mul3A_1117 = arith.constant 32 : i32
      %mul3A_1118 = arith.muli %select_n3A_1116, %mul3A_1117 : i32
      %add3A_1119 = arith.addi %mul3A_2, %mul3A_1118 : i32
      %dma_start3A_1120 = arith.constant 0 : i32
      %dma_start3A_1121 = tpu.memref_slice %arg4[%select_n3A_1100, %add3A_1119, %dma_start3A_1120] : memref<50x4096x128xf32, #tpu.memory_space<hbm>> -> memref<1x32x128xf32, #tpu.memory_space<hbm>>
      %dma_start3A_1122 = tpu.memref_squeeze %dma_start3A_1121 : memref<1x32x128xf32, #tpu.memory_space<hbm>> -> memref<32x128xf32, #tpu.memory_space<hbm>>
      %dma_start3A_1123 = arith.constant 0 : i32
      %dma_start3A_1124 = tpu.memref_slice %arg4[%select_n3A_1100, %add3A_1119, %dma_start3A_1123] : memref<50x4096x128xf32, #tpu.memory_space<hbm>> -> memref<1x32x128xf32, #tpu.memory_space<hbm>>
      %dma_start3A_1125 = tpu.memref_squeeze %dma_start3A_1124 : memref<1x32x128xf32, #tpu.memory_space<hbm>> -> memref<32x128xf32, #tpu.memory_space<hbm>>
      tpu.enqueue_dma source(%arg14 : memref<32x128xf32, #tpu.memory_space<vmem>>) target(%dma_start3A_1125 : memref<32x128xf32, #tpu.memory_space<hbm>>) target_semaphore(%arg34 : memref<!tpu.dma_semaphore, #tpu.memory_space<semaphore_mem>>)
      %add3A_1126 = arith.constant 8 : i32
      %add3A_1127 = arith.addi %mul3A_334, %add3A_1126 : i32
      %jit3A_1128 = arith.constant 4 : i32
      %div3A_1129 = arith.divsi %add3A_1127, %jit3A_1128 : i32
      %sign3A_1130 = arith.constant 0 : i32
      %sign3A_1131 = arith.cmpi sgt, %add3A_1127, %sign3A_1130 : i32
      %sign3A_1132 = arith.extui %sign3A_1131 : i1 to i32
      %sign3A_1133 = arith.constant 0 : i32
      %sign3A_1134 = arith.cmpi slt, %add3A_1127, %sign3A_1133 : i32
      %sign3A_1135 = arith.extui %sign3A_1134 : i1 to i32
      %sign3A_1136 = arith.subi %sign3A_1132, %sign3A_1135 : i32
      %sign3A_1137 = arith.constant 0 : i32
      %sign3A_1138 = arith.cmpi sgt, %jit3A_1128, %sign3A_1137 : i32
      %sign3A_1139 = arith.extui %sign3A_1138 : i1 to i32
      %sign3A_1140 = arith.constant 0 : i32
      %sign3A_1141 = arith.cmpi slt, %jit3A_1128, %sign3A_1140 : i32
      %sign3A_1142 = arith.extui %sign3A_1141 : i1 to i32
      %sign3A_1143 = arith.subi %sign3A_1139, %sign3A_1142 : i32
      %ne3A_1144 = arith.cmpi ne, %sign3A_1136, %sign3A_1143 : i32
      %rem3A_1145 = arith.remsi %add3A_1127, %jit3A_1128 : i32
      %ne3A_1146 = arith.constant 0 : i32
      %ne3A_1147 = arith.cmpi ne, %rem3A_1145, %ne3A_1146 : i32
      %and3A_1148 = arith.andi %ne3A_1144, %ne3A_1147 : i1
      %sub3A_1149 = arith.constant 1 : i32
      %sub3A_1150 = arith.subi %div3A_1129, %sub3A_1149 : i32
      %select_n3A_1151 = arith.select %and3A_1148, %sub3A_1150, %div3A_1129 : i32
      %jit3A_1152 = arith.constant 4 : i32
      %eq3A_1153 = arith.constant 0 : i32
      %eq3A_1154 = arith.cmpi eq, %jit3A_1152, %eq3A_1153 : i32
      %jit3A_1155 = arith.constant 1 : i32
      %select_n3A_1156 = arith.select %eq3A_1154, %jit3A_1155, %jit3A_1152 : i32
      %rem3A_1157 = arith.remsi %add3A_1127, %select_n3A_1156 : i32
      %ne3A_1158 = arith.constant 0 : i32
      %ne3A_1159 = arith.cmpi ne, %rem3A_1157, %ne3A_1158 : i32
      %lt3A_1160 = arith.constant 0 : i32
      %lt3A_1161 = arith.cmpi slt, %rem3A_1157, %lt3A_1160 : i32
      %lt3A_1162 = arith.constant 0 : i32
      %lt3A_1163 = arith.cmpi slt, %select_n3A_1156, %lt3A_1162 : i32
      %ne3A_1164 = arith.xori %lt3A_1161, %lt3A_1163 : i1
      %and3A_1165 = arith.andi %ne3A_1164, %ne3A_1159 : i1
      %add3A_1166 = arith.addi %rem3A_1157, %select_n3A_1156 : i32
      %select_n3A_1167 = arith.select %and3A_1165, %add3A_1166, %rem3A_1157 : i32
      %mul3A_1168 = arith.constant 32 : i32
      %mul3A_1169 = arith.muli %select_n3A_1167, %mul3A_1168 : i32
      %dma_wait3A_1170 = tpu.memref_slice %arg5[%select_n3A_1151, %mul3A_1169] : memref<50x128xi32, #tpu.memory_space<vmem>> -> memref<1x32xi32, #tpu.memory_space<vmem>>
      %dma_wait3A_1171 = tpu.memref_squeeze %dma_wait3A_1170 : memref<1x32xi32, #tpu.memory_space<vmem>> -> memref<32xi32, #tpu.memory_space<vmem>>
      %dma_wait3A_1172 = arith.constant 0 : i32
      %dma_wait3A_1173 = arith.constant 0 : i32
      %dma_wait3A_1174 = tpu.memref_slice %arg6[%dma_wait3A_1172, %dma_wait3A_1173] : memref<10000x128xf32, #tpu.memory_space<vmem_shared>> -> memref<10000x128xf32, #tpu.memory_space<vmem_shared>>
      tpu.wait_indirect_dma semaphore(%arg25 : memref<!tpu.dma_semaphore, #tpu.memory_space<semaphore_mem>>) src(%dma_wait3A_1174 : memref<10000x128xf32, #tpu.memory_space<vmem_shared>>) dst(%arg15 : memref<32x128xf32, #tpu.memory_space<vmem>>)
      %add3A_1175 = arith.constant 8 : i32
      %add3A_1176 = arith.addi %mul3A_334, %add3A_1175 : i32
      %jit3A_1177 = arith.constant 4 : i32
      %div3A_1178 = arith.divsi %add3A_1176, %jit3A_1177 : i32
      %sign3A_1179 = arith.constant 0 : i32
      %sign3A_1180 = arith.cmpi sgt, %add3A_1176, %sign3A_1179 : i32
      %sign3A_1181 = arith.extui %sign3A_1180 : i1 to i32
      %sign3A_1182 = arith.constant 0 : i32
      %sign3A_1183 = arith.cmpi slt, %add3A_1176, %sign3A_1182 : i32
      %sign3A_1184 = arith.extui %sign3A_1183 : i1 to i32
      %sign3A_1185 = arith.subi %sign3A_1181, %sign3A_1184 : i32
      %sign3A_1186 = arith.constant 0 : i32
      %sign3A_1187 = arith.cmpi sgt, %jit3A_1177, %sign3A_1186 : i32
      %sign3A_1188 = arith.extui %sign3A_1187 : i1 to i32
      %sign3A_1189 = arith.constant 0 : i32
      %sign3A_1190 = arith.cmpi slt, %jit3A_1177, %sign3A_1189 : i32
      %sign3A_1191 = arith.extui %sign3A_1190 : i1 to i32
      %sign3A_1192 = arith.subi %sign3A_1188, %sign3A_1191 : i32
      %ne3A_1193 = arith.cmpi ne, %sign3A_1185, %sign3A_1192 : i32
      %rem3A_1194 = arith.remsi %add3A_1176, %jit3A_1177 : i32
      %ne3A_1195 = arith.constant 0 : i32
      %ne3A_1196 = arith.cmpi ne, %rem3A_1194, %ne3A_1195 : i32
      %and3A_1197 = arith.andi %ne3A_1193, %ne3A_1196 : i1
      %sub3A_1198 = arith.constant 1 : i32
      %sub3A_1199 = arith.subi %div3A_1178, %sub3A_1198 : i32
      %select_n3A_1200 = arith.select %and3A_1197, %sub3A_1199, %div3A_1178 : i32
      %jit3A_1201 = arith.constant 4 : i32
      %eq3A_1202 = arith.constant 0 : i32
      %eq3A_1203 = arith.cmpi eq, %jit3A_1201, %eq3A_1202 : i32
      %jit3A_1204 = arith.constant 1 : i32
      %select_n3A_1205 = arith.select %eq3A_1203, %jit3A_1204, %jit3A_1201 : i32
      %rem3A_1206 = arith.remsi %add3A_1176, %select_n3A_1205 : i32
      %ne3A_1207 = arith.constant 0 : i32
      %ne3A_1208 = arith.cmpi ne, %rem3A_1206, %ne3A_1207 : i32
      %lt3A_1209 = arith.constant 0 : i32
      %lt3A_1210 = arith.cmpi slt, %rem3A_1206, %lt3A_1209 : i32
      %lt3A_1211 = arith.constant 0 : i32
      %lt3A_1212 = arith.cmpi slt, %select_n3A_1205, %lt3A_1211 : i32
      %ne3A_1213 = arith.xori %lt3A_1210, %lt3A_1212 : i1
      %and3A_1214 = arith.andi %ne3A_1213, %ne3A_1208 : i1
      %add3A_1215 = arith.addi %rem3A_1206, %select_n3A_1205 : i32
      %select_n3A_1216 = arith.select %and3A_1214, %add3A_1215, %rem3A_1206 : i32
      %mul3A_1217 = arith.constant 32 : i32
      %mul3A_1218 = arith.muli %select_n3A_1216, %mul3A_1217 : i32
      %add3A_1219 = arith.addi %mul3A_2, %mul3A_1218 : i32
      %dma_start3A_1220 = arith.constant 0 : i32
      %dma_start3A_1221 = tpu.memref_slice %arg4[%select_n3A_1200, %add3A_1219, %dma_start3A_1220] : memref<50x4096x128xf32, #tpu.memory_space<hbm>> -> memref<1x32x128xf32, #tpu.memory_space<hbm>>
      %dma_start3A_1222 = tpu.memref_squeeze %dma_start3A_1221 : memref<1x32x128xf32, #tpu.memory_space<hbm>> -> memref<32x128xf32, #tpu.memory_space<hbm>>
      %dma_start3A_1223 = arith.constant 0 : i32
      %dma_start3A_1224 = tpu.memref_slice %arg4[%select_n3A_1200, %add3A_1219, %dma_start3A_1223] : memref<50x4096x128xf32, #tpu.memory_space<hbm>> -> memref<1x32x128xf32, #tpu.memory_space<hbm>>
      %dma_start3A_1225 = tpu.memref_squeeze %dma_start3A_1224 : memref<1x32x128xf32, #tpu.memory_space<hbm>> -> memref<32x128xf32, #tpu.memory_space<hbm>>
      tpu.enqueue_dma source(%arg15 : memref<32x128xf32, #tpu.memory_space<vmem>>) target(%dma_start3A_1225 : memref<32x128xf32, #tpu.memory_space<hbm>>) target_semaphore(%arg35 : memref<!tpu.dma_semaphore, #tpu.memory_space<semaphore_mem>>)
      %add3A_1226 = arith.constant 9 : i32
      %add3A_1227 = arith.addi %mul3A_334, %add3A_1226 : i32
      %jit3A_1228 = arith.constant 4 : i32
      %div3A_1229 = arith.divsi %add3A_1227, %jit3A_1228 : i32
      %sign3A_1230 = arith.constant 0 : i32
      %sign3A_1231 = arith.cmpi sgt, %add3A_1227, %sign3A_1230 : i32
      %sign3A_1232 = arith.extui %sign3A_1231 : i1 to i32
      %sign3A_1233 = arith.constant 0 : i32
      %sign3A_1234 = arith.cmpi slt, %add3A_1227, %sign3A_1233 : i32
      %sign3A_1235 = arith.extui %sign3A_1234 : i1 to i32
      %sign3A_1236 = arith.subi %sign3A_1232, %sign3A_1235 : i32
      %sign3A_1237 = arith.constant 0 : i32
      %sign3A_1238 = arith.cmpi sgt, %jit3A_1228, %sign3A_1237 : i32
      %sign3A_1239 = arith.extui %sign3A_1238 : i1 to i32
      %sign3A_1240 = arith.constant 0 : i32
      %sign3A_1241 = arith.cmpi slt, %jit3A_1228, %sign3A_1240 : i32
      %sign3A_1242 = arith.extui %sign3A_1241 : i1 to i32
      %sign3A_1243 = arith.subi %sign3A_1239, %sign3A_1242 : i32
      %ne3A_1244 = arith.cmpi ne, %sign3A_1236, %sign3A_1243 : i32
      %rem3A_1245 = arith.remsi %add3A_1227, %jit3A_1228 : i32
      %ne3A_1246 = arith.constant 0 : i32
      %ne3A_1247 = arith.cmpi ne, %rem3A_1245, %ne3A_1246 : i32
      %and3A_1248 = arith.andi %ne3A_1244, %ne3A_1247 : i1
      %sub3A_1249 = arith.constant 1 : i32
      %sub3A_1250 = arith.subi %div3A_1229, %sub3A_1249 : i32
      %select_n3A_1251 = arith.select %and3A_1248, %sub3A_1250, %div3A_1229 : i32
      %jit3A_1252 = arith.constant 4 : i32
      %eq3A_1253 = arith.constant 0 : i32
      %eq3A_1254 = arith.cmpi eq, %jit3A_1252, %eq3A_1253 : i32
      %jit3A_1255 = arith.constant 1 : i32
      %select_n3A_1256 = arith.select %eq3A_1254, %jit3A_1255, %jit3A_1252 : i32
      %rem3A_1257 = arith.remsi %add3A_1227, %select_n3A_1256 : i32
      %ne3A_1258 = arith.constant 0 : i32
      %ne3A_1259 = arith.cmpi ne, %rem3A_1257, %ne3A_1258 : i32
      %lt3A_1260 = arith.constant 0 : i32
      %lt3A_1261 = arith.cmpi slt, %rem3A_1257, %lt3A_1260 : i32
      %lt3A_1262 = arith.constant 0 : i32
      %lt3A_1263 = arith.cmpi slt, %select_n3A_1256, %lt3A_1262 : i32
      %ne3A_1264 = arith.xori %lt3A_1261, %lt3A_1263 : i1
      %and3A_1265 = arith.andi %ne3A_1264, %ne3A_1259 : i1
      %add3A_1266 = arith.addi %rem3A_1257, %select_n3A_1256 : i32
      %select_n3A_1267 = arith.select %and3A_1265, %add3A_1266, %rem3A_1257 : i32
      %mul3A_1268 = arith.constant 32 : i32
      %mul3A_1269 = arith.muli %select_n3A_1267, %mul3A_1268 : i32
      %dma_wait3A_1270 = tpu.memref_slice %arg5[%select_n3A_1251, %mul3A_1269] : memref<50x128xi32, #tpu.memory_space<vmem>> -> memref<1x32xi32, #tpu.memory_space<vmem>>
      %dma_wait3A_1271 = tpu.memref_squeeze %dma_wait3A_1270 : memref<1x32xi32, #tpu.memory_space<vmem>> -> memref<32xi32, #tpu.memory_space<vmem>>
      %dma_wait3A_1272 = arith.constant 0 : i32
      %dma_wait3A_1273 = arith.constant 0 : i32
      %dma_wait3A_1274 = tpu.memref_slice %arg6[%dma_wait3A_1272, %dma_wait3A_1273] : memref<10000x128xf32, #tpu.memory_space<vmem_shared>> -> memref<10000x128xf32, #tpu.memory_space<vmem_shared>>
      tpu.wait_indirect_dma semaphore(%arg26 : memref<!tpu.dma_semaphore, #tpu.memory_space<semaphore_mem>>) src(%dma_wait3A_1274 : memref<10000x128xf32, #tpu.memory_space<vmem_shared>>) dst(%arg16 : memref<32x128xf32, #tpu.memory_space<vmem>>)
      %add3A_1275 = arith.constant 9 : i32
      %add3A_1276 = arith.addi %mul3A_334, %add3A_1275 : i32
      %jit3A_1277 = arith.constant 4 : i32
      %div3A_1278 = arith.divsi %add3A_1276, %jit3A_1277 : i32
      %sign3A_1279 = arith.constant 0 : i32
      %sign3A_1280 = arith.cmpi sgt, %add3A_1276, %sign3A_1279 : i32
      %sign3A_1281 = arith.extui %sign3A_1280 : i1 to i32
      %sign3A_1282 = arith.constant 0 : i32
      %sign3A_1283 = arith.cmpi slt, %add3A_1276, %sign3A_1282 : i32
      %sign3A_1284 = arith.extui %sign3A_1283 : i1 to i32
      %sign3A_1285 = arith.subi %sign3A_1281, %sign3A_1284 : i32
      %sign3A_1286 = arith.constant 0 : i32
      %sign3A_1287 = arith.cmpi sgt, %jit3A_1277, %sign3A_1286 : i32
      %sign3A_1288 = arith.extui %sign3A_1287 : i1 to i32
      %sign3A_1289 = arith.constant 0 : i32
      %sign3A_1290 = arith.cmpi slt, %jit3A_1277, %sign3A_1289 : i32
      %sign3A_1291 = arith.extui %sign3A_1290 : i1 to i32
      %sign3A_1292 = arith.subi %sign3A_1288, %sign3A_1291 : i32
      %ne3A_1293 = arith.cmpi ne, %sign3A_1285, %sign3A_1292 : i32
      %rem3A_1294 = arith.remsi %add3A_1276, %jit3A_1277 : i32
      %ne3A_1295 = arith.constant 0 : i32
      %ne3A_1296 = arith.cmpi ne, %rem3A_1294, %ne3A_1295 : i32
      %and3A_1297 = arith.andi %ne3A_1293, %ne3A_1296 : i1
      %sub3A_1298 = arith.constant 1 : i32
      %sub3A_1299 = arith.subi %div3A_1278, %sub3A_1298 : i32
      %select_n3A_1300 = arith.select %and3A_1297, %sub3A_1299, %div3A_1278 : i32
      %jit3A_1301 = arith.constant 4 : i32
      %eq3A_1302 = arith.constant 0 : i32
      %eq3A_1303 = arith.cmpi eq, %jit3A_1301, %eq3A_1302 : i32
      %jit3A_1304 = arith.constant 1 : i32
      %select_n3A_1305 = arith.select %eq3A_1303, %jit3A_1304, %jit3A_1301 : i32
      %rem3A_1306 = arith.remsi %add3A_1276, %select_n3A_1305 : i32
      %ne3A_1307 = arith.constant 0 : i32
      %ne3A_1308 = arith.cmpi ne, %rem3A_1306, %ne3A_1307 : i32
      %lt3A_1309 = arith.constant 0 : i32
      %lt3A_1310 = arith.cmpi slt, %rem3A_1306, %lt3A_1309 : i32
      %lt3A_1311 = arith.constant 0 : i32
      %lt3A_1312 = arith.cmpi slt, %select_n3A_1305, %lt3A_1311 : i32
      %ne3A_1313 = arith.xori %lt3A_1310, %lt3A_1312 : i1
      %and3A_1314 = arith.andi %ne3A_1313, %ne3A_1308 : i1
      %add3A_1315 = arith.addi %rem3A_1306, %select_n3A_1305 : i32
      %select_n3A_1316 = arith.select %and3A_1314, %add3A_1315, %rem3A_1306 : i32
      %mul3A_1317 = arith.constant 32 : i32
      %mul3A_1318 = arith.muli %select_n3A_1316, %mul3A_1317 : i32
      %add3A_1319 = arith.addi %mul3A_2, %mul3A_1318 : i32
      %dma_start3A_1320 = arith.constant 0 : i32
      %dma_start3A_1321 = tpu.memref_slice %arg4[%select_n3A_1300, %add3A_1319, %dma_start3A_1320] : memref<50x4096x128xf32, #tpu.memory_space<hbm>> -> memref<1x32x128xf32, #tpu.memory_space<hbm>>
      %dma_start3A_1322 = tpu.memref_squeeze %dma_start3A_1321 : memref<1x32x128xf32, #tpu.memory_space<hbm>> -> memref<32x128xf32, #tpu.memory_space<hbm>>
      %dma_start3A_1323 = arith.constant 0 : i32
      %dma_start3A_1324 = tpu.memref_slice %arg4[%select_n3A_1300, %add3A_1319, %dma_start3A_1323] : memref<50x4096x128xf32, #tpu.memory_space<hbm>> -> memref<1x32x128xf32, #tpu.memory_space<hbm>>
      %dma_start3A_1325 = tpu.memref_squeeze %dma_start3A_1324 : memref<1x32x128xf32, #tpu.memory_space<hbm>> -> memref<32x128xf32, #tpu.memory_space<hbm>>
      tpu.enqueue_dma source(%arg16 : memref<32x128xf32, #tpu.memory_space<vmem>>) target(%dma_start3A_1325 : memref<32x128xf32, #tpu.memory_space<hbm>>) target_semaphore(%arg36 : memref<!tpu.dma_semaphore, #tpu.memory_space<semaphore_mem>>)
      %add3A_1326 = arith.constant 0 : i32
      %add3A_1327 = arith.addi %mul3A_334, %add3A_1326 : i32
      %jit3A_1328 = arith.constant 4 : i32
      %div3A_1329 = arith.divsi %add3A_1327, %jit3A_1328 : i32
      %sign3A_1330 = arith.constant 0 : i32
      %sign3A_1331 = arith.cmpi sgt, %add3A_1327, %sign3A_1330 : i32
      %sign3A_1332 = arith.extui %sign3A_1331 : i1 to i32
      %sign3A_1333 = arith.constant 0 : i32
      %sign3A_1334 = arith.cmpi slt, %add3A_1327, %sign3A_1333 : i32
      %sign3A_1335 = arith.extui %sign3A_1334 : i1 to i32
      %sign3A_1336 = arith.subi %sign3A_1332, %sign3A_1335 : i32
      %sign3A_1337 = arith.constant 0 : i32
      %sign3A_1338 = arith.cmpi sgt, %jit3A_1328, %sign3A_1337 : i32
      %sign3A_1339 = arith.extui %sign3A_1338 : i1 to i32
      %sign3A_1340 = arith.constant 0 : i32
      %sign3A_1341 = arith.cmpi slt, %jit3A_1328, %sign3A_1340 : i32
      %sign3A_1342 = arith.extui %sign3A_1341 : i1 to i32
      %sign3A_1343 = arith.subi %sign3A_1339, %sign3A_1342 : i32
      %ne3A_1344 = arith.cmpi ne, %sign3A_1336, %sign3A_1343 : i32
      %rem3A_1345 = arith.remsi %add3A_1327, %jit3A_1328 : i32
      %ne3A_1346 = arith.constant 0 : i32
      %ne3A_1347 = arith.cmpi ne, %rem3A_1345, %ne3A_1346 : i32
      %and3A_1348 = arith.andi %ne3A_1344, %ne3A_1347 : i1
      %sub3A_1349 = arith.constant 1 : i32
      %sub3A_1350 = arith.subi %div3A_1329, %sub3A_1349 : i32
      %select_n3A_1351 = arith.select %and3A_1348, %sub3A_1350, %div3A_1329 : i32
      %jit3A_1352 = arith.constant 4 : i32
      %eq3A_1353 = arith.constant 0 : i32
      %eq3A_1354 = arith.cmpi eq, %jit3A_1352, %eq3A_1353 : i32
      %jit3A_1355 = arith.constant 1 : i32
      %select_n3A_1356 = arith.select %eq3A_1354, %jit3A_1355, %jit3A_1352 : i32
      %rem3A_1357 = arith.remsi %add3A_1327, %select_n3A_1356 : i32
      %ne3A_1358 = arith.constant 0 : i32
      %ne3A_1359 = arith.cmpi ne, %rem3A_1357, %ne3A_1358 : i32
      %lt3A_1360 = arith.constant 0 : i32
      %lt3A_1361 = arith.cmpi slt, %rem3A_1357, %lt3A_1360 : i32
      %lt3A_1362 = arith.constant 0 : i32
      %lt3A_1363 = arith.cmpi slt, %select_n3A_1356, %lt3A_1362 : i32
      %ne3A_1364 = arith.xori %lt3A_1361, %lt3A_1363 : i1
      %and3A_1365 = arith.andi %ne3A_1364, %ne3A_1359 : i1
      %add3A_1366 = arith.addi %rem3A_1357, %select_n3A_1356 : i32
      %select_n3A_1367 = arith.select %and3A_1365, %add3A_1366, %rem3A_1357 : i32
      %mul3A_1368 = arith.constant 32 : i32
      %mul3A_1369 = arith.muli %select_n3A_1367, %mul3A_1368 : i32
      %add3A_1370 = arith.addi %mul3A_2, %mul3A_1369 : i32
      %dma_wait3A_1371 = arith.constant 0 : i32
      %dma_wait3A_1372 = tpu.memref_slice %arg4[%select_n3A_1351, %add3A_1370, %dma_wait3A_1371] : memref<50x4096x128xf32, #tpu.memory_space<hbm>> -> memref<1x32x128xf32, #tpu.memory_space<hbm>>
      %dma_wait3A_1373 = tpu.memref_squeeze %dma_wait3A_1372 : memref<1x32x128xf32, #tpu.memory_space<hbm>> -> memref<32x128xf32, #tpu.memory_space<hbm>>
      %dma_wait3A_1374 = arith.constant 0 : i32
      %dma_wait3A_1375 = tpu.memref_slice %arg4[%select_n3A_1351, %add3A_1370, %dma_wait3A_1374] : memref<50x4096x128xf32, #tpu.memory_space<hbm>> -> memref<1x32x128xf32, #tpu.memory_space<hbm>>
      %dma_wait3A_1376 = tpu.memref_squeeze %dma_wait3A_1375 : memref<1x32x128xf32, #tpu.memory_space<hbm>> -> memref<32x128xf32, #tpu.memory_space<hbm>>
      tpu.wait_dma2 semaphore(%arg27 : memref<!tpu.dma_semaphore, #tpu.memory_space<semaphore_mem>>) src(%arg7 : memref<32x128xf32, #tpu.memory_space<vmem>>) dst(%dma_wait3A_1376 : memref<32x128xf32, #tpu.memory_space<hbm>>)
      %add3A_1377 = arith.constant 10 : i32
      %add3A_1378 = arith.addi %mul3A_334, %add3A_1377 : i32
      %add3A_1379 = arith.constant 0 : i32
      %add3A_1380 = arith.addi %add3A_1378, %add3A_1379 : i32
      %jit3A_1381 = arith.constant 4 : i32
      %div3A_1382 = arith.divsi %add3A_1380, %jit3A_1381 : i32
      %sign3A_1383 = arith.constant 0 : i32
      %sign3A_1384 = arith.cmpi sgt, %add3A_1380, %sign3A_1383 : i32
      %sign3A_1385 = arith.extui %sign3A_1384 : i1 to i32
      %sign3A_1386 = arith.constant 0 : i32
      %sign3A_1387 = arith.cmpi slt, %add3A_1380, %sign3A_1386 : i32
      %sign3A_1388 = arith.extui %sign3A_1387 : i1 to i32
      %sign3A_1389 = arith.subi %sign3A_1385, %sign3A_1388 : i32
      %sign3A_1390 = arith.constant 0 : i32
      %sign3A_1391 = arith.cmpi sgt, %jit3A_1381, %sign3A_1390 : i32
      %sign3A_1392 = arith.extui %sign3A_1391 : i1 to i32
      %sign3A_1393 = arith.constant 0 : i32
      %sign3A_1394 = arith.cmpi slt, %jit3A_1381, %sign3A_1393 : i32
      %sign3A_1395 = arith.extui %sign3A_1394 : i1 to i32
      %sign3A_1396 = arith.subi %sign3A_1392, %sign3A_1395 : i32
      %ne3A_1397 = arith.cmpi ne, %sign3A_1389, %sign3A_1396 : i32
      %rem3A_1398 = arith.remsi %add3A_1380, %jit3A_1381 : i32
      %ne3A_1399 = arith.constant 0 : i32
      %ne3A_1400 = arith.cmpi ne, %rem3A_1398, %ne3A_1399 : i32
      %and3A_1401 = arith.andi %ne3A_1397, %ne3A_1400 : i1
      %sub3A_1402 = arith.constant 1 : i32
      %sub3A_1403 = arith.subi %div3A_1382, %sub3A_1402 : i32
      %select_n3A_1404 = arith.select %and3A_1401, %sub3A_1403, %div3A_1382 : i32
      %jit3A_1405 = arith.constant 4 : i32
      %eq3A_1406 = arith.constant 0 : i32
      %eq3A_1407 = arith.cmpi eq, %jit3A_1405, %eq3A_1406 : i32
      %jit3A_1408 = arith.constant 1 : i32
      %select_n3A_1409 = arith.select %eq3A_1407, %jit3A_1408, %jit3A_1405 : i32
      %rem3A_1410 = arith.remsi %add3A_1380, %select_n3A_1409 : i32
      %ne3A_1411 = arith.constant 0 : i32
      %ne3A_1412 = arith.cmpi ne, %rem3A_1410, %ne3A_1411 : i32
      %lt3A_1413 = arith.constant 0 : i32
      %lt3A_1414 = arith.cmpi slt, %rem3A_1410, %lt3A_1413 : i32
      %lt3A_1415 = arith.constant 0 : i32
      %lt3A_1416 = arith.cmpi slt, %select_n3A_1409, %lt3A_1415 : i32
      %ne3A_1417 = arith.xori %lt3A_1414, %lt3A_1416 : i1
      %and3A_1418 = arith.andi %ne3A_1417, %ne3A_1412 : i1
      %add3A_1419 = arith.addi %rem3A_1410, %select_n3A_1409 : i32
      %select_n3A_1420 = arith.select %and3A_1418, %add3A_1419, %rem3A_1410 : i32
      %mul3A_1421 = arith.constant 32 : i32
      %mul3A_1422 = arith.muli %select_n3A_1420, %mul3A_1421 : i32
      %dma_start3A_1423 = tpu.memref_slice %arg5[%select_n3A_1404, %mul3A_1422] : memref<50x128xi32, #tpu.memory_space<vmem>> -> memref<1x32xi32, #tpu.memory_space<vmem>>
      %dma_start3A_1424 = tpu.memref_squeeze %dma_start3A_1423 : memref<1x32xi32, #tpu.memory_space<vmem>> -> memref<32xi32, #tpu.memory_space<vmem>>
      %dma_start3A_1425 = arith.constant 0 : i32
      %dma_start3A_1426 = arith.constant 0 : i32
      %dma_start3A_1427 = tpu.memref_slice %arg6[%dma_start3A_1425, %dma_start3A_1426] : memref<10000x128xf32, #tpu.memory_space<vmem_shared>> -> memref<10000x128xf32, #tpu.memory_space<vmem_shared>>
      tpu.enqueue_indirect_dma source(%dma_start3A_1427 : memref<10000x128xf32, #tpu.memory_space<vmem_shared>>) target(%arg7 : memref<32x128xf32, #tpu.memory_space<vmem>>) offsets(%dma_start3A_1424 : memref<32xi32, #tpu.memory_space<vmem>>) semaphore(%arg17 : memref<!tpu.dma_semaphore, #tpu.memory_space<semaphore_mem>>)
      %add3A_1428 = arith.constant 1 : i32
      %add3A_1429 = arith.addi %mul3A_334, %add3A_1428 : i32
      %jit3A_1430 = arith.constant 4 : i32
      %div3A_1431 = arith.divsi %add3A_1429, %jit3A_1430 : i32
      %sign3A_1432 = arith.constant 0 : i32
      %sign3A_1433 = arith.cmpi sgt, %add3A_1429, %sign3A_1432 : i32
      %sign3A_1434 = arith.extui %sign3A_1433 : i1 to i32
      %sign3A_1435 = arith.constant 0 : i32
      %sign3A_1436 = arith.cmpi slt, %add3A_1429, %sign3A_1435 : i32
      %sign3A_1437 = arith.extui %sign3A_1436 : i1 to i32
      %sign3A_1438 = arith.subi %sign3A_1434, %sign3A_1437 : i32
      %sign3A_1439 = arith.constant 0 : i32
      %sign3A_1440 = arith.cmpi sgt, %jit3A_1430, %sign3A_1439 : i32
      %sign3A_1441 = arith.extui %sign3A_1440 : i1 to i32
      %sign3A_1442 = arith.constant 0 : i32
      %sign3A_1443 = arith.cmpi slt, %jit3A_1430, %sign3A_1442 : i32
      %sign3A_1444 = arith.extui %sign3A_1443 : i1 to i32
      %sign3A_1445 = arith.subi %sign3A_1441, %sign3A_1444 : i32
      %ne3A_1446 = arith.cmpi ne, %sign3A_1438, %sign3A_1445 : i32
      %rem3A_1447 = arith.remsi %add3A_1429, %jit3A_1430 : i32
      %ne3A_1448 = arith.constant 0 : i32
      %ne3A_1449 = arith.cmpi ne, %rem3A_1447, %ne3A_1448 : i32
      %and3A_1450 = arith.andi %ne3A_1446, %ne3A_1449 : i1
      %sub3A_1451 = arith.constant 1 : i32
      %sub3A_1452 = arith.subi %div3A_1431, %sub3A_1451 : i32
      %select_n3A_1453 = arith.select %and3A_1450, %sub3A_1452, %div3A_1431 : i32
      %jit3A_1454 = arith.constant 4 : i32
      %eq3A_1455 = arith.constant 0 : i32
      %eq3A_1456 = arith.cmpi eq, %jit3A_1454, %eq3A_1455 : i32
      %jit3A_1457 = arith.constant 1 : i32
      %select_n3A_1458 = arith.select %eq3A_1456, %jit3A_1457, %jit3A_1454 : i32
      %rem3A_1459 = arith.remsi %add3A_1429, %select_n3A_1458 : i32
      %ne3A_1460 = arith.constant 0 : i32
      %ne3A_1461 = arith.cmpi ne, %rem3A_1459, %ne3A_1460 : i32
      %lt3A_1462 = arith.constant 0 : i32
      %lt3A_1463 = arith.cmpi slt, %rem3A_1459, %lt3A_1462 : i32
      %lt3A_1464 = arith.constant 0 : i32
      %lt3A_1465 = arith.cmpi slt, %select_n3A_1458, %lt3A_1464 : i32
      %ne3A_1466 = arith.xori %lt3A_1463, %lt3A_1465 : i1
      %and3A_1467 = arith.andi %ne3A_1466, %ne3A_1461 : i1
      %add3A_1468 = arith.addi %rem3A_1459, %select_n3A_1458 : i32
      %select_n3A_1469 = arith.select %and3A_1467, %add3A_1468, %rem3A_1459 : i32
      %mul3A_1470 = arith.constant 32 : i32
      %mul3A_1471 = arith.muli %select_n3A_1469, %mul3A_1470 : i32
      %add3A_1472 = arith.addi %mul3A_2, %mul3A_1471 : i32
      %dma_wait3A_1473 = arith.constant 0 : i32
      %dma_wait3A_1474 = tpu.memref_slice %arg4[%select_n3A_1453, %add3A_1472, %dma_wait3A_1473] : memref<50x4096x128xf32, #tpu.memory_space<hbm>> -> memref<1x32x128xf32, #tpu.memory_space<hbm>>
      %dma_wait3A_1475 = tpu.memref_squeeze %dma_wait3A_1474 : memref<1x32x128xf32, #tpu.memory_space<hbm>> -> memref<32x128xf32, #tpu.memory_space<hbm>>
      %dma_wait3A_1476 = arith.constant 0 : i32
      %dma_wait3A_1477 = tpu.memref_slice %arg4[%select_n3A_1453, %add3A_1472, %dma_wait3A_1476] : memref<50x4096x128xf32, #tpu.memory_space<hbm>> -> memref<1x32x128xf32, #tpu.memory_space<hbm>>
      %dma_wait3A_1478 = tpu.memref_squeeze %dma_wait3A_1477 : memref<1x32x128xf32, #tpu.memory_space<hbm>> -> memref<32x128xf32, #tpu.memory_space<hbm>>
      tpu.wait_dma2 semaphore(%arg28 : memref<!tpu.dma_semaphore, #tpu.memory_space<semaphore_mem>>) src(%arg8 : memref<32x128xf32, #tpu.memory_space<vmem>>) dst(%dma_wait3A_1478 : memref<32x128xf32, #tpu.memory_space<hbm>>)
      %add3A_1479 = arith.constant 10 : i32
      %add3A_1480 = arith.addi %mul3A_334, %add3A_1479 : i32
      %add3A_1481 = arith.constant 1 : i32
      %add3A_1482 = arith.addi %add3A_1480, %add3A_1481 : i32
      %jit3A_1483 = arith.constant 4 : i32
      %div3A_1484 = arith.divsi %add3A_1482, %jit3A_1483 : i32
      %sign3A_1485 = arith.constant 0 : i32
      %sign3A_1486 = arith.cmpi sgt, %add3A_1482, %sign3A_1485 : i32
      %sign3A_1487 = arith.extui %sign3A_1486 : i1 to i32
      %sign3A_1488 = arith.constant 0 : i32
      %sign3A_1489 = arith.cmpi slt, %add3A_1482, %sign3A_1488 : i32
      %sign3A_1490 = arith.extui %sign3A_1489 : i1 to i32
      %sign3A_1491 = arith.subi %sign3A_1487, %sign3A_1490 : i32
      %sign3A_1492 = arith.constant 0 : i32
      %sign3A_1493 = arith.cmpi sgt, %jit3A_1483, %sign3A_1492 : i32
      %sign3A_1494 = arith.extui %sign3A_1493 : i1 to i32
      %sign3A_1495 = arith.constant 0 : i32
      %sign3A_1496 = arith.cmpi slt, %jit3A_1483, %sign3A_1495 : i32
      %sign3A_1497 = arith.extui %sign3A_1496 : i1 to i32
      %sign3A_1498 = arith.subi %sign3A_1494, %sign3A_1497 : i32
      %ne3A_1499 = arith.cmpi ne, %sign3A_1491, %sign3A_1498 : i32
      %rem3A_1500 = arith.remsi %add3A_1482, %jit3A_1483 : i32
      %ne3A_1501 = arith.constant 0 : i32
      %ne3A_1502 = arith.cmpi ne, %rem3A_1500, %ne3A_1501 : i32
      %and3A_1503 = arith.andi %ne3A_1499, %ne3A_1502 : i1
      %sub3A_1504 = arith.constant 1 : i32
      %sub3A_1505 = arith.subi %div3A_1484, %sub3A_1504 : i32
      %select_n3A_1506 = arith.select %and3A_1503, %sub3A_1505, %div3A_1484 : i32
      %jit3A_1507 = arith.constant 4 : i32
      %eq3A_1508 = arith.constant 0 : i32
      %eq3A_1509 = arith.cmpi eq, %jit3A_1507, %eq3A_1508 : i32
      %jit3A_1510 = arith.constant 1 : i32
      %select_n3A_1511 = arith.select %eq3A_1509, %jit3A_1510, %jit3A_1507 : i32
      %rem3A_1512 = arith.remsi %add3A_1482, %select_n3A_1511 : i32
      %ne3A_1513 = arith.constant 0 : i32
      %ne3A_1514 = arith.cmpi ne, %rem3A_1512, %ne3A_1513 : i32
      %lt3A_1515 = arith.constant 0 : i32
      %lt3A_1516 = arith.cmpi slt, %rem3A_1512, %lt3A_1515 : i32
      %lt3A_1517 = arith.constant 0 : i32
      %lt3A_1518 = arith.cmpi slt, %select_n3A_1511, %lt3A_1517 : i32
      %ne3A_1519 = arith.xori %lt3A_1516, %lt3A_1518 : i1
      %and3A_1520 = arith.andi %ne3A_1519, %ne3A_1514 : i1
      %add3A_1521 = arith.addi %rem3A_1512, %select_n3A_1511 : i32
      %select_n3A_1522 = arith.select %and3A_1520, %add3A_1521, %rem3A_1512 : i32
      %mul3A_1523 = arith.constant 32 : i32
      %mul3A_1524 = arith.muli %select_n3A_1522, %mul3A_1523 : i32
      %dma_start3A_1525 = tpu.memref_slice %arg5[%select_n3A_1506, %mul3A_1524] : memref<50x128xi32, #tpu.memory_space<vmem>> -> memref<1x32xi32, #tpu.memory_space<vmem>>
      %dma_start3A_1526 = tpu.memref_squeeze %dma_start3A_1525 : memref<1x32xi32, #tpu.memory_space<vmem>> -> memref<32xi32, #tpu.memory_space<vmem>>
      %dma_start3A_1527 = arith.constant 0 : i32
      %dma_start3A_1528 = arith.constant 0 : i32
      %dma_start3A_1529 = tpu.memref_slice %arg6[%dma_start3A_1527, %dma_start3A_1528] : memref<10000x128xf32, #tpu.memory_space<vmem_shared>> -> memref<10000x128xf32, #tpu.memory_space<vmem_shared>>
      tpu.enqueue_indirect_dma source(%dma_start3A_1529 : memref<10000x128xf32, #tpu.memory_space<vmem_shared>>) target(%arg8 : memref<32x128xf32, #tpu.memory_space<vmem>>) offsets(%dma_start3A_1526 : memref<32xi32, #tpu.memory_space<vmem>>) semaphore(%arg18 : memref<!tpu.dma_semaphore, #tpu.memory_space<semaphore_mem>>)
      %add3A_1530 = arith.constant 2 : i32
      %add3A_1531 = arith.addi %mul3A_334, %add3A_1530 : i32
      %jit3A_1532 = arith.constant 4 : i32
      %div3A_1533 = arith.divsi %add3A_1531, %jit3A_1532 : i32
      %sign3A_1534 = arith.constant 0 : i32
      %sign3A_1535 = arith.cmpi sgt, %add3A_1531, %sign3A_1534 : i32
      %sign3A_1536 = arith.extui %sign3A_1535 : i1 to i32
      %sign3A_1537 = arith.constant 0 : i32
      %sign3A_1538 = arith.cmpi slt, %add3A_1531, %sign3A_1537 : i32
      %sign3A_1539 = arith.extui %sign3A_1538 : i1 to i32
      %sign3A_1540 = arith.subi %sign3A_1536, %sign3A_1539 : i32
      %sign3A_1541 = arith.constant 0 : i32
      %sign3A_1542 = arith.cmpi sgt, %jit3A_1532, %sign3A_1541 : i32
      %sign3A_1543 = arith.extui %sign3A_1542 : i1 to i32
      %sign3A_1544 = arith.constant 0 : i32
      %sign3A_1545 = arith.cmpi slt, %jit3A_1532, %sign3A_1544 : i32
      %sign3A_1546 = arith.extui %sign3A_1545 : i1 to i32
      %sign3A_1547 = arith.subi %sign3A_1543, %sign3A_1546 : i32
      %ne3A_1548 = arith.cmpi ne, %sign3A_1540, %sign3A_1547 : i32
      %rem3A_1549 = arith.remsi %add3A_1531, %jit3A_1532 : i32
      %ne3A_1550 = arith.constant 0 : i32
      %ne3A_1551 = arith.cmpi ne, %rem3A_1549, %ne3A_1550 : i32
      %and3A_1552 = arith.andi %ne3A_1548, %ne3A_1551 : i1
      %sub3A_1553 = arith.constant 1 : i32
      %sub3A_1554 = arith.subi %div3A_1533, %sub3A_1553 : i32
      %select_n3A_1555 = arith.select %and3A_1552, %sub3A_1554, %div3A_1533 : i32
      %jit3A_1556 = arith.constant 4 : i32
      %eq3A_1557 = arith.constant 0 : i32
      %eq3A_1558 = arith.cmpi eq, %jit3A_1556, %eq3A_1557 : i32
      %jit3A_1559 = arith.constant 1 : i32
      %select_n3A_1560 = arith.select %eq3A_1558, %jit3A_1559, %jit3A_1556 : i32
      %rem3A_1561 = arith.remsi %add3A_1531, %select_n3A_1560 : i32
      %ne3A_1562 = arith.constant 0 : i32
      %ne3A_1563 = arith.cmpi ne, %rem3A_1561, %ne3A_1562 : i32
      %lt3A_1564 = arith.constant 0 : i32
      %lt3A_1565 = arith.cmpi slt, %rem3A_1561, %lt3A_1564 : i32
      %lt3A_1566 = arith.constant 0 : i32
      %lt3A_1567 = arith.cmpi slt, %select_n3A_1560, %lt3A_1566 : i32
      %ne3A_1568 = arith.xori %lt3A_1565, %lt3A_1567 : i1
      %and3A_1569 = arith.andi %ne3A_1568, %ne3A_1563 : i1
      %add3A_1570 = arith.addi %rem3A_1561, %select_n3A_1560 : i32
      %select_n3A_1571 = arith.select %and3A_1569, %add3A_1570, %rem3A_1561 : i32
      %mul3A_1572 = arith.constant 32 : i32
      %mul3A_1573 = arith.muli %select_n3A_1571, %mul3A_1572 : i32
      %add3A_1574 = arith.addi %mul3A_2, %mul3A_1573 : i32
      %dma_wait3A_1575 = arith.constant 0 : i32
      %dma_wait3A_1576 = tpu.memref_slice %arg4[%select_n3A_1555, %add3A_1574, %dma_wait3A_1575] : memref<50x4096x128xf32, #tpu.memory_space<hbm>> -> memref<1x32x128xf32, #tpu.memory_space<hbm>>
      %dma_wait3A_1577 = tpu.memref_squeeze %dma_wait3A_1576 : memref<1x32x128xf32, #tpu.memory_space<hbm>> -> memref<32x128xf32, #tpu.memory_space<hbm>>
      %dma_wait3A_1578 = arith.constant 0 : i32
      %dma_wait3A_1579 = tpu.memref_slice %arg4[%select_n3A_1555, %add3A_1574, %dma_wait3A_1578] : memref<50x4096x128xf32, #tpu.memory_space<hbm>> -> memref<1x32x128xf32, #tpu.memory_space<hbm>>
      %dma_wait3A_1580 = tpu.memref_squeeze %dma_wait3A_1579 : memref<1x32x128xf32, #tpu.memory_space<hbm>> -> memref<32x128xf32, #tpu.memory_space<hbm>>
      tpu.wait_dma2 semaphore(%arg29 : memref<!tpu.dma_semaphore, #tpu.memory_space<semaphore_mem>>) src(%arg9 : memref<32x128xf32, #tpu.memory_space<vmem>>) dst(%dma_wait3A_1580 : memref<32x128xf32, #tpu.memory_space<hbm>>)
      %add3A_1581 = arith.constant 10 : i32
      %add3A_1582 = arith.addi %mul3A_334, %add3A_1581 : i32
      %add3A_1583 = arith.constant 2 : i32
      %add3A_1584 = arith.addi %add3A_1582, %add3A_1583 : i32
      %jit3A_1585 = arith.constant 4 : i32
      %div3A_1586 = arith.divsi %add3A_1584, %jit3A_1585 : i32
      %sign3A_1587 = arith.constant 0 : i32
      %sign3A_1588 = arith.cmpi sgt, %add3A_1584, %sign3A_1587 : i32
      %sign3A_1589 = arith.extui %sign3A_1588 : i1 to i32
      %sign3A_1590 = arith.constant 0 : i32
      %sign3A_1591 = arith.cmpi slt, %add3A_1584, %sign3A_1590 : i32
      %sign3A_1592 = arith.extui %sign3A_1591 : i1 to i32
      %sign3A_1593 = arith.subi %sign3A_1589, %sign3A_1592 : i32
      %sign3A_1594 = arith.constant 0 : i32
      %sign3A_1595 = arith.cmpi sgt, %jit3A_1585, %sign3A_1594 : i32
      %sign3A_1596 = arith.extui %sign3A_1595 : i1 to i32
      %sign3A_1597 = arith.constant 0 : i32
      %sign3A_1598 = arith.cmpi slt, %jit3A_1585, %sign3A_1597 : i32
      %sign3A_1599 = arith.extui %sign3A_1598 : i1 to i32
      %sign3A_1600 = arith.subi %sign3A_1596, %sign3A_1599 : i32
      %ne3A_1601 = arith.cmpi ne, %sign3A_1593, %sign3A_1600 : i32
      %rem3A_1602 = arith.remsi %add3A_1584, %jit3A_1585 : i32
      %ne3A_1603 = arith.constant 0 : i32
      %ne3A_1604 = arith.cmpi ne, %rem3A_1602, %ne3A_1603 : i32
      %and3A_1605 = arith.andi %ne3A_1601, %ne3A_1604 : i1
      %sub3A_1606 = arith.constant 1 : i32
      %sub3A_1607 = arith.subi %div3A_1586, %sub3A_1606 : i32
      %select_n3A_1608 = arith.select %and3A_1605, %sub3A_1607, %div3A_1586 : i32
      %jit3A_1609 = arith.constant 4 : i32
      %eq3A_1610 = arith.constant 0 : i32
      %eq3A_1611 = arith.cmpi eq, %jit3A_1609, %eq3A_1610 : i32
      %jit3A_1612 = arith.constant 1 : i32
      %select_n3A_1613 = arith.select %eq3A_1611, %jit3A_1612, %jit3A_1609 : i32
      %rem3A_1614 = arith.remsi %add3A_1584, %select_n3A_1613 : i32
      %ne3A_1615 = arith.constant 0 : i32
      %ne3A_1616 = arith.cmpi ne, %rem3A_1614, %ne3A_1615 : i32
      %lt3A_1617 = arith.constant 0 : i32
      %lt3A_1618 = arith.cmpi slt, %rem3A_1614, %lt3A_1617 : i32
      %lt3A_1619 = arith.constant 0 : i32
      %lt3A_1620 = arith.cmpi slt, %select_n3A_1613, %lt3A_1619 : i32
      %ne3A_1621 = arith.xori %lt3A_1618, %lt3A_1620 : i1
      %and3A_1622 = arith.andi %ne3A_1621, %ne3A_1616 : i1
      %add3A_1623 = arith.addi %rem3A_1614, %select_n3A_1613 : i32
      %select_n3A_1624 = arith.select %and3A_1622, %add3A_1623, %rem3A_1614 : i32
      %mul3A_1625 = arith.constant 32 : i32
      %mul3A_1626 = arith.muli %select_n3A_1624, %mul3A_1625 : i32
      %dma_start3A_1627 = tpu.memref_slice %arg5[%select_n3A_1608, %mul3A_1626] : memref<50x128xi32, #tpu.memory_space<vmem>> -> memref<1x32xi32, #tpu.memory_space<vmem>>
      %dma_start3A_1628 = tpu.memref_squeeze %dma_start3A_1627 : memref<1x32xi32, #tpu.memory_space<vmem>> -> memref<32xi32, #tpu.memory_space<vmem>>
      %dma_start3A_1629 = arith.constant 0 : i32
      %dma_start3A_1630 = arith.constant 0 : i32
      %dma_start3A_1631 = tpu.memref_slice %arg6[%dma_start3A_1629, %dma_start3A_1630] : memref<10000x128xf32, #tpu.memory_space<vmem_shared>> -> memref<10000x128xf32, #tpu.memory_space<vmem_shared>>
      tpu.enqueue_indirect_dma source(%dma_start3A_1631 : memref<10000x128xf32, #tpu.memory_space<vmem_shared>>) target(%arg9 : memref<32x128xf32, #tpu.memory_space<vmem>>) offsets(%dma_start3A_1628 : memref<32xi32, #tpu.memory_space<vmem>>) semaphore(%arg19 : memref<!tpu.dma_semaphore, #tpu.memory_space<semaphore_mem>>)
      %add3A_1632 = arith.constant 3 : i32
      %add3A_1633 = arith.addi %mul3A_334, %add3A_1632 : i32
      %jit3A_1634 = arith.constant 4 : i32
      %div3A_1635 = arith.divsi %add3A_1633, %jit3A_1634 : i32
      %sign3A_1636 = arith.constant 0 : i32
      %sign3A_1637 = arith.cmpi sgt, %add3A_1633, %sign3A_1636 : i32
      %sign3A_1638 = arith.extui %sign3A_1637 : i1 to i32
      %sign3A_1639 = arith.constant 0 : i32
      %sign3A_1640 = arith.cmpi slt, %add3A_1633, %sign3A_1639 : i32
      %sign3A_1641 = arith.extui %sign3A_1640 : i1 to i32
      %sign3A_1642 = arith.subi %sign3A_1638, %sign3A_1641 : i32
      %sign3A_1643 = arith.constant 0 : i32
      %sign3A_1644 = arith.cmpi sgt, %jit3A_1634, %sign3A_1643 : i32
      %sign3A_1645 = arith.extui %sign3A_1644 : i1 to i32
      %sign3A_1646 = arith.constant 0 : i32
      %sign3A_1647 = arith.cmpi slt, %jit3A_1634, %sign3A_1646 : i32
      %sign3A_1648 = arith.extui %sign3A_1647 : i1 to i32
      %sign3A_1649 = arith.subi %sign3A_1645, %sign3A_1648 : i32
      %ne3A_1650 = arith.cmpi ne, %sign3A_1642, %sign3A_1649 : i32
      %rem3A_1651 = arith.remsi %add3A_1633, %jit3A_1634 : i32
      %ne3A_1652 = arith.constant 0 : i32
      %ne3A_1653 = arith.cmpi ne, %rem3A_1651, %ne3A_1652 : i32
      %and3A_1654 = arith.andi %ne3A_1650, %ne3A_1653 : i1
      %sub3A_1655 = arith.constant 1 : i32
      %sub3A_1656 = arith.subi %div3A_1635, %sub3A_1655 : i32
      %select_n3A_1657 = arith.select %and3A_1654, %sub3A_1656, %div3A_1635 : i32
      %jit3A_1658 = arith.constant 4 : i32
      %eq3A_1659 = arith.constant 0 : i32
      %eq3A_1660 = arith.cmpi eq, %jit3A_1658, %eq3A_1659 : i32
      %jit3A_1661 = arith.constant 1 : i32
      %select_n3A_1662 = arith.select %eq3A_1660, %jit3A_1661, %jit3A_1658 : i32
      %rem3A_1663 = arith.remsi %add3A_1633, %select_n3A_1662 : i32
      %ne3A_1664 = arith.constant 0 : i32
      %ne3A_1665 = arith.cmpi ne, %rem3A_1663, %ne3A_1664 : i32
      %lt3A_1666 = arith.constant 0 : i32
      %lt3A_1667 = arith.cmpi slt, %rem3A_1663, %lt3A_1666 : i32
      %lt3A_1668 = arith.constant 0 : i32
      %lt3A_1669 = arith.cmpi slt, %select_n3A_1662, %lt3A_1668 : i32
      %ne3A_1670 = arith.xori %lt3A_1667, %lt3A_1669 : i1
      %and3A_1671 = arith.andi %ne3A_1670, %ne3A_1665 : i1
      %add3A_1672 = arith.addi %rem3A_1663, %select_n3A_1662 : i32
      %select_n3A_1673 = arith.select %and3A_1671, %add3A_1672, %rem3A_1663 : i32
      %mul3A_1674 = arith.constant 32 : i32
      %mul3A_1675 = arith.muli %select_n3A_1673, %mul3A_1674 : i32
      %add3A_1676 = arith.addi %mul3A_2, %mul3A_1675 : i32
      %dma_wait3A_1677 = arith.constant 0 : i32
      %dma_wait3A_1678 = tpu.memref_slice %arg4[%select_n3A_1657, %add3A_1676, %dma_wait3A_1677] : memref<50x4096x128xf32, #tpu.memory_space<hbm>> -> memref<1x32x128xf32, #tpu.memory_space<hbm>>
      %dma_wait3A_1679 = tpu.memref_squeeze %dma_wait3A_1678 : memref<1x32x128xf32, #tpu.memory_space<hbm>> -> memref<32x128xf32, #tpu.memory_space<hbm>>
      %dma_wait3A_1680 = arith.constant 0 : i32
      %dma_wait3A_1681 = tpu.memref_slice %arg4[%select_n3A_1657, %add3A_1676, %dma_wait3A_1680] : memref<50x4096x128xf32, #tpu.memory_space<hbm>> -> memref<1x32x128xf32, #tpu.memory_space<hbm>>
      %dma_wait3A_1682 = tpu.memref_squeeze %dma_wait3A_1681 : memref<1x32x128xf32, #tpu.memory_space<hbm>> -> memref<32x128xf32, #tpu.memory_space<hbm>>
      tpu.wait_dma2 semaphore(%arg30 : memref<!tpu.dma_semaphore, #tpu.memory_space<semaphore_mem>>) src(%arg10 : memref<32x128xf32, #tpu.memory_space<vmem>>) dst(%dma_wait3A_1682 : memref<32x128xf32, #tpu.memory_space<hbm>>)
      %add3A_1683 = arith.constant 10 : i32
      %add3A_1684 = arith.addi %mul3A_334, %add3A_1683 : i32
      %add3A_1685 = arith.constant 3 : i32
      %add3A_1686 = arith.addi %add3A_1684, %add3A_1685 : i32
      %jit3A_1687 = arith.constant 4 : i32
      %div3A_1688 = arith.divsi %add3A_1686, %jit3A_1687 : i32
      %sign3A_1689 = arith.constant 0 : i32
      %sign3A_1690 = arith.cmpi sgt, %add3A_1686, %sign3A_1689 : i32
      %sign3A_1691 = arith.extui %sign3A_1690 : i1 to i32
      %sign3A_1692 = arith.constant 0 : i32
      %sign3A_1693 = arith.cmpi slt, %add3A_1686, %sign3A_1692 : i32
      %sign3A_1694 = arith.extui %sign3A_1693 : i1 to i32
      %sign3A_1695 = arith.subi %sign3A_1691, %sign3A_1694 : i32
      %sign3A_1696 = arith.constant 0 : i32
      %sign3A_1697 = arith.cmpi sgt, %jit3A_1687, %sign3A_1696 : i32
      %sign3A_1698 = arith.extui %sign3A_1697 : i1 to i32
      %sign3A_1699 = arith.constant 0 : i32
      %sign3A_1700 = arith.cmpi slt, %jit3A_1687, %sign3A_1699 : i32
      %sign3A_1701 = arith.extui %sign3A_1700 : i1 to i32
      %sign3A_1702 = arith.subi %sign3A_1698, %sign3A_1701 : i32
      %ne3A_1703 = arith.cmpi ne, %sign3A_1695, %sign3A_1702 : i32
      %rem3A_1704 = arith.remsi %add3A_1686, %jit3A_1687 : i32
      %ne3A_1705 = arith.constant 0 : i32
      %ne3A_1706 = arith.cmpi ne, %rem3A_1704, %ne3A_1705 : i32
      %and3A_1707 = arith.andi %ne3A_1703, %ne3A_1706 : i1
      %sub3A_1708 = arith.constant 1 : i32
      %sub3A_1709 = arith.subi %div3A_1688, %sub3A_1708 : i32
      %select_n3A_1710 = arith.select %and3A_1707, %sub3A_1709, %div3A_1688 : i32
      %jit3A_1711 = arith.constant 4 : i32
      %eq3A_1712 = arith.constant 0 : i32
      %eq3A_1713 = arith.cmpi eq, %jit3A_1711, %eq3A_1712 : i32
      %jit3A_1714 = arith.constant 1 : i32
      %select_n3A_1715 = arith.select %eq3A_1713, %jit3A_1714, %jit3A_1711 : i32
      %rem3A_1716 = arith.remsi %add3A_1686, %select_n3A_1715 : i32
      %ne3A_1717 = arith.constant 0 : i32
      %ne3A_1718 = arith.cmpi ne, %rem3A_1716, %ne3A_1717 : i32
      %lt3A_1719 = arith.constant 0 : i32
      %lt3A_1720 = arith.cmpi slt, %rem3A_1716, %lt3A_1719 : i32
      %lt3A_1721 = arith.constant 0 : i32
      %lt3A_1722 = arith.cmpi slt, %select_n3A_1715, %lt3A_1721 : i32
      %ne3A_1723 = arith.xori %lt3A_1720, %lt3A_1722 : i1
      %and3A_1724 = arith.andi %ne3A_1723, %ne3A_1718 : i1
      %add3A_1725 = arith.addi %rem3A_1716, %select_n3A_1715 : i32
      %select_n3A_1726 = arith.select %and3A_1724, %add3A_1725, %rem3A_1716 : i32
      %mul3A_1727 = arith.constant 32 : i32
      %mul3A_1728 = arith.muli %select_n3A_1726, %mul3A_1727 : i32
      %dma_start3A_1729 = tpu.memref_slice %arg5[%select_n3A_1710, %mul3A_1728] : memref<50x128xi32, #tpu.memory_space<vmem>> -> memref<1x32xi32, #tpu.memory_space<vmem>>
      %dma_start3A_1730 = tpu.memref_squeeze %dma_start3A_1729 : memref<1x32xi32, #tpu.memory_space<vmem>> -> memref<32xi32, #tpu.memory_space<vmem>>
      %dma_start3A_1731 = arith.constant 0 : i32
      %dma_start3A_1732 = arith.constant 0 : i32
      %dma_start3A_1733 = tpu.memref_slice %arg6[%dma_start3A_1731, %dma_start3A_1732] : memref<10000x128xf32, #tpu.memory_space<vmem_shared>> -> memref<10000x128xf32, #tpu.memory_space<vmem_shared>>
      tpu.enqueue_indirect_dma source(%dma_start3A_1733 : memref<10000x128xf32, #tpu.memory_space<vmem_shared>>) target(%arg10 : memref<32x128xf32, #tpu.memory_space<vmem>>) offsets(%dma_start3A_1730 : memref<32xi32, #tpu.memory_space<vmem>>) semaphore(%arg20 : memref<!tpu.dma_semaphore, #tpu.memory_space<semaphore_mem>>)
      %add3A_1734 = arith.constant 4 : i32
      %add3A_1735 = arith.addi %mul3A_334, %add3A_1734 : i32
      %jit3A_1736 = arith.constant 4 : i32
      %div3A_1737 = arith.divsi %add3A_1735, %jit3A_1736 : i32
      %sign3A_1738 = arith.constant 0 : i32
      %sign3A_1739 = arith.cmpi sgt, %add3A_1735, %sign3A_1738 : i32
      %sign3A_1740 = arith.extui %sign3A_1739 : i1 to i32
      %sign3A_1741 = arith.constant 0 : i32
      %sign3A_1742 = arith.cmpi slt, %add3A_1735, %sign3A_1741 : i32
      %sign3A_1743 = arith.extui %sign3A_1742 : i1 to i32
      %sign3A_1744 = arith.subi %sign3A_1740, %sign3A_1743 : i32
      %sign3A_1745 = arith.constant 0 : i32
      %sign3A_1746 = arith.cmpi sgt, %jit3A_1736, %sign3A_1745 : i32
      %sign3A_1747 = arith.extui %sign3A_1746 : i1 to i32
      %sign3A_1748 = arith.constant 0 : i32
      %sign3A_1749 = arith.cmpi slt, %jit3A_1736, %sign3A_1748 : i32
      %sign3A_1750 = arith.extui %sign3A_1749 : i1 to i32
      %sign3A_1751 = arith.subi %sign3A_1747, %sign3A_1750 : i32
      %ne3A_1752 = arith.cmpi ne, %sign3A_1744, %sign3A_1751 : i32
      %rem3A_1753 = arith.remsi %add3A_1735, %jit3A_1736 : i32
      %ne3A_1754 = arith.constant 0 : i32
      %ne3A_1755 = arith.cmpi ne, %rem3A_1753, %ne3A_1754 : i32
      %and3A_1756 = arith.andi %ne3A_1752, %ne3A_1755 : i1
      %sub3A_1757 = arith.constant 1 : i32
      %sub3A_1758 = arith.subi %div3A_1737, %sub3A_1757 : i32
      %select_n3A_1759 = arith.select %and3A_1756, %sub3A_1758, %div3A_1737 : i32
      %jit3A_1760 = arith.constant 4 : i32
      %eq3A_1761 = arith.constant 0 : i32
      %eq3A_1762 = arith.cmpi eq, %jit3A_1760, %eq3A_1761 : i32
      %jit3A_1763 = arith.constant 1 : i32
      %select_n3A_1764 = arith.select %eq3A_1762, %jit3A_1763, %jit3A_1760 : i32
      %rem3A_1765 = arith.remsi %add3A_1735, %select_n3A_1764 : i32
      %ne3A_1766 = arith.constant 0 : i32
      %ne3A_1767 = arith.cmpi ne, %rem3A_1765, %ne3A_1766 : i32
      %lt3A_1768 = arith.constant 0 : i32
      %lt3A_1769 = arith.cmpi slt, %rem3A_1765, %lt3A_1768 : i32
      %lt3A_1770 = arith.constant 0 : i32
      %lt3A_1771 = arith.cmpi slt, %select_n3A_1764, %lt3A_1770 : i32
      %ne3A_1772 = arith.xori %lt3A_1769, %lt3A_1771 : i1
      %and3A_1773 = arith.andi %ne3A_1772, %ne3A_1767 : i1
      %add3A_1774 = arith.addi %rem3A_1765, %select_n3A_1764 : i32
      %select_n3A_1775 = arith.select %and3A_1773, %add3A_1774, %rem3A_1765 : i32
      %mul3A_1776 = arith.constant 32 : i32
      %mul3A_1777 = arith.muli %select_n3A_1775, %mul3A_1776 : i32
      %add3A_1778 = arith.addi %mul3A_2, %mul3A_1777 : i32
      %dma_wait3A_1779 = arith.constant 0 : i32
      %dma_wait3A_1780 = tpu.memref_slice %arg4[%select_n3A_1759, %add3A_1778, %dma_wait3A_1779] : memref<50x4096x128xf32, #tpu.memory_space<hbm>> -> memref<1x32x128xf32, #tpu.memory_space<hbm>>
      %dma_wait3A_1781 = tpu.memref_squeeze %dma_wait3A_1780 : memref<1x32x128xf32, #tpu.memory_space<hbm>> -> memref<32x128xf32, #tpu.memory_space<hbm>>
      %dma_wait3A_1782 = arith.constant 0 : i32
      %dma_wait3A_1783 = tpu.memref_slice %arg4[%select_n3A_1759, %add3A_1778, %dma_wait3A_1782] : memref<50x4096x128xf32, #tpu.memory_space<hbm>> -> memref<1x32x128xf32, #tpu.memory_space<hbm>>
      %dma_wait3A_1784 = tpu.memref_squeeze %dma_wait3A_1783 : memref<1x32x128xf32, #tpu.memory_space<hbm>> -> memref<32x128xf32, #tpu.memory_space<hbm>>
      tpu.wait_dma2 semaphore(%arg31 : memref<!tpu.dma_semaphore, #tpu.memory_space<semaphore_mem>>) src(%arg11 : memref<32x128xf32, #tpu.memory_space<vmem>>) dst(%dma_wait3A_1784 : memref<32x128xf32, #tpu.memory_space<hbm>>)
      %add3A_1785 = arith.constant 10 : i32
      %add3A_1786 = arith.addi %mul3A_334, %add3A_1785 : i32
      %add3A_1787 = arith.constant 4 : i32
      %add3A_1788 = arith.addi %add3A_1786, %add3A_1787 : i32
      %jit3A_1789 = arith.constant 4 : i32
      %div3A_1790 = arith.divsi %add3A_1788, %jit3A_1789 : i32
      %sign3A_1791 = arith.constant 0 : i32
      %sign3A_1792 = arith.cmpi sgt, %add3A_1788, %sign3A_1791 : i32
      %sign3A_1793 = arith.extui %sign3A_1792 : i1 to i32
      %sign3A_1794 = arith.constant 0 : i32
      %sign3A_1795 = arith.cmpi slt, %add3A_1788, %sign3A_1794 : i32
      %sign3A_1796 = arith.extui %sign3A_1795 : i1 to i32
      %sign3A_1797 = arith.subi %sign3A_1793, %sign3A_1796 : i32
      %sign3A_1798 = arith.constant 0 : i32
      %sign3A_1799 = arith.cmpi sgt, %jit3A_1789, %sign3A_1798 : i32
      %sign3A_1800 = arith.extui %sign3A_1799 : i1 to i32
      %sign3A_1801 = arith.constant 0 : i32
      %sign3A_1802 = arith.cmpi slt, %jit3A_1789, %sign3A_1801 : i32
      %sign3A_1803 = arith.extui %sign3A_1802 : i1 to i32
      %sign3A_1804 = arith.subi %sign3A_1800, %sign3A_1803 : i32
      %ne3A_1805 = arith.cmpi ne, %sign3A_1797, %sign3A_1804 : i32
      %rem3A_1806 = arith.remsi %add3A_1788, %jit3A_1789 : i32
      %ne3A_1807 = arith.constant 0 : i32
      %ne3A_1808 = arith.cmpi ne, %rem3A_1806, %ne3A_1807 : i32
      %and3A_1809 = arith.andi %ne3A_1805, %ne3A_1808 : i1
      %sub3A_1810 = arith.constant 1 : i32
      %sub3A_1811 = arith.subi %div3A_1790, %sub3A_1810 : i32
      %select_n3A_1812 = arith.select %and3A_1809, %sub3A_1811, %div3A_1790 : i32
      %jit3A_1813 = arith.constant 4 : i32
      %eq3A_1814 = arith.constant 0 : i32
      %eq3A_1815 = arith.cmpi eq, %jit3A_1813, %eq3A_1814 : i32
      %jit3A_1816 = arith.constant 1 : i32
      %select_n3A_1817 = arith.select %eq3A_1815, %jit3A_1816, %jit3A_1813 : i32
      %rem3A_1818 = arith.remsi %add3A_1788, %select_n3A_1817 : i32
      %ne3A_1819 = arith.constant 0 : i32
      %ne3A_1820 = arith.cmpi ne, %rem3A_1818, %ne3A_1819 : i32
      %lt3A_1821 = arith.constant 0 : i32
      %lt3A_1822 = arith.cmpi slt, %rem3A_1818, %lt3A_1821 : i32
      %lt3A_1823 = arith.constant 0 : i32
      %lt3A_1824 = arith.cmpi slt, %select_n3A_1817, %lt3A_1823 : i32
      %ne3A_1825 = arith.xori %lt3A_1822, %lt3A_1824 : i1
      %and3A_1826 = arith.andi %ne3A_1825, %ne3A_1820 : i1
      %add3A_1827 = arith.addi %rem3A_1818, %select_n3A_1817 : i32
      %select_n3A_1828 = arith.select %and3A_1826, %add3A_1827, %rem3A_1818 : i32
      %mul3A_1829 = arith.constant 32 : i32
      %mul3A_1830 = arith.muli %select_n3A_1828, %mul3A_1829 : i32
      %dma_start3A_1831 = tpu.memref_slice %arg5[%select_n3A_1812, %mul3A_1830] : memref<50x128xi32, #tpu.memory_space<vmem>> -> memref<1x32xi32, #tpu.memory_space<vmem>>
      %dma_start3A_1832 = tpu.memref_squeeze %dma_start3A_1831 : memref<1x32xi32, #tpu.memory_space<vmem>> -> memref<32xi32, #tpu.memory_space<vmem>>
      %dma_start3A_1833 = arith.constant 0 : i32
      %dma_start3A_1834 = arith.constant 0 : i32
      %dma_start3A_1835 = tpu.memref_slice %arg6[%dma_start3A_1833, %dma_start3A_1834] : memref<10000x128xf32, #tpu.memory_space<vmem_shared>> -> memref<10000x128xf32, #tpu.memory_space<vmem_shared>>
      tpu.enqueue_indirect_dma source(%dma_start3A_1835 : memref<10000x128xf32, #tpu.memory_space<vmem_shared>>) target(%arg11 : memref<32x128xf32, #tpu.memory_space<vmem>>) offsets(%dma_start3A_1832 : memref<32xi32, #tpu.memory_space<vmem>>) semaphore(%arg21 : memref<!tpu.dma_semaphore, #tpu.memory_space<semaphore_mem>>)
      %add3A_1836 = arith.constant 5 : i32
      %add3A_1837 = arith.addi %mul3A_334, %add3A_1836 : i32
      %jit3A_1838 = arith.constant 4 : i32
      %div3A_1839 = arith.divsi %add3A_1837, %jit3A_1838 : i32
      %sign3A_1840 = arith.constant 0 : i32
      %sign3A_1841 = arith.cmpi sgt, %add3A_1837, %sign3A_1840 : i32
      %sign3A_1842 = arith.extui %sign3A_1841 : i1 to i32
      %sign3A_1843 = arith.constant 0 : i32
      %sign3A_1844 = arith.cmpi slt, %add3A_1837, %sign3A_1843 : i32
      %sign3A_1845 = arith.extui %sign3A_1844 : i1 to i32
      %sign3A_1846 = arith.subi %sign3A_1842, %sign3A_1845 : i32
      %sign3A_1847 = arith.constant 0 : i32
      %sign3A_1848 = arith.cmpi sgt, %jit3A_1838, %sign3A_1847 : i32
      %sign3A_1849 = arith.extui %sign3A_1848 : i1 to i32
      %sign3A_1850 = arith.constant 0 : i32
      %sign3A_1851 = arith.cmpi slt, %jit3A_1838, %sign3A_1850 : i32
      %sign3A_1852 = arith.extui %sign3A_1851 : i1 to i32
      %sign3A_1853 = arith.subi %sign3A_1849, %sign3A_1852 : i32
      %ne3A_1854 = arith.cmpi ne, %sign3A_1846, %sign3A_1853 : i32
      %rem3A_1855 = arith.remsi %add3A_1837, %jit3A_1838 : i32
      %ne3A_1856 = arith.constant 0 : i32
      %ne3A_1857 = arith.cmpi ne, %rem3A_1855, %ne3A_1856 : i32
      %and3A_1858 = arith.andi %ne3A_1854, %ne3A_1857 : i1
      %sub3A_1859 = arith.constant 1 : i32
      %sub3A_1860 = arith.subi %div3A_1839, %sub3A_1859 : i32
      %select_n3A_1861 = arith.select %and3A_1858, %sub3A_1860, %div3A_1839 : i32
      %jit3A_1862 = arith.constant 4 : i32
      %eq3A_1863 = arith.constant 0 : i32
      %eq3A_1864 = arith.cmpi eq, %jit3A_1862, %eq3A_1863 : i32
      %jit3A_1865 = arith.constant 1 : i32
      %select_n3A_1866 = arith.select %eq3A_1864, %jit3A_1865, %jit3A_1862 : i32
      %rem3A_1867 = arith.remsi %add3A_1837, %select_n3A_1866 : i32
      %ne3A_1868 = arith.constant 0 : i32
      %ne3A_1869 = arith.cmpi ne, %rem3A_1867, %ne3A_1868 : i32
      %lt3A_1870 = arith.constant 0 : i32
      %lt3A_1871 = arith.cmpi slt, %rem3A_1867, %lt3A_1870 : i32
      %lt3A_1872 = arith.constant 0 : i32
      %lt3A_1873 = arith.cmpi slt, %select_n3A_1866, %lt3A_1872 : i32
      %ne3A_1874 = arith.xori %lt3A_1871, %lt3A_1873 : i1
      %and3A_1875 = arith.andi %ne3A_1874, %ne3A_1869 : i1
      %add3A_1876 = arith.addi %rem3A_1867, %select_n3A_1866 : i32
      %select_n3A_1877 = arith.select %and3A_1875, %add3A_1876, %rem3A_1867 : i32
      %mul3A_1878 = arith.constant 32 : i32
      %mul3A_1879 = arith.muli %select_n3A_1877, %mul3A_1878 : i32
      %add3A_1880 = arith.addi %mul3A_2, %mul3A_1879 : i32
      %dma_wait3A_1881 = arith.constant 0 : i32
      %dma_wait3A_1882 = tpu.memref_slice %arg4[%select_n3A_1861, %add3A_1880, %dma_wait3A_1881] : memref<50x4096x128xf32, #tpu.memory_space<hbm>> -> memref<1x32x128xf32, #tpu.memory_space<hbm>>
      %dma_wait3A_1883 = tpu.memref_squeeze %dma_wait3A_1882 : memref<1x32x128xf32, #tpu.memory_space<hbm>> -> memref<32x128xf32, #tpu.memory_space<hbm>>
      %dma_wait3A_1884 = arith.constant 0 : i32
      %dma_wait3A_1885 = tpu.memref_slice %arg4[%select_n3A_1861, %add3A_1880, %dma_wait3A_1884] : memref<50x4096x128xf32, #tpu.memory_space<hbm>> -> memref<1x32x128xf32, #tpu.memory_space<hbm>>
      %dma_wait3A_1886 = tpu.memref_squeeze %dma_wait3A_1885 : memref<1x32x128xf32, #tpu.memory_space<hbm>> -> memref<32x128xf32, #tpu.memory_space<hbm>>
      tpu.wait_dma2 semaphore(%arg32 : memref<!tpu.dma_semaphore, #tpu.memory_space<semaphore_mem>>) src(%arg12 : memref<32x128xf32, #tpu.memory_space<vmem>>) dst(%dma_wait3A_1886 : memref<32x128xf32, #tpu.memory_space<hbm>>)
      %add3A_1887 = arith.constant 10 : i32
      %add3A_1888 = arith.addi %mul3A_334, %add3A_1887 : i32
      %add3A_1889 = arith.constant 5 : i32
      %add3A_1890 = arith.addi %add3A_1888, %add3A_1889 : i32
      %jit3A_1891 = arith.constant 4 : i32
      %div3A_1892 = arith.divsi %add3A_1890, %jit3A_1891 : i32
      %sign3A_1893 = arith.constant 0 : i32
      %sign3A_1894 = arith.cmpi sgt, %add3A_1890, %sign3A_1893 : i32
      %sign3A_1895 = arith.extui %sign3A_1894 : i1 to i32
      %sign3A_1896 = arith.constant 0 : i32
      %sign3A_1897 = arith.cmpi slt, %add3A_1890, %sign3A_1896 : i32
      %sign3A_1898 = arith.extui %sign3A_1897 : i1 to i32
      %sign3A_1899 = arith.subi %sign3A_1895, %sign3A_1898 : i32
      %sign3A_1900 = arith.constant 0 : i32
      %sign3A_1901 = arith.cmpi sgt, %jit3A_1891, %sign3A_1900 : i32
      %sign3A_1902 = arith.extui %sign3A_1901 : i1 to i32
      %sign3A_1903 = arith.constant 0 : i32
      %sign3A_1904 = arith.cmpi slt, %jit3A_1891, %sign3A_1903 : i32
      %sign3A_1905 = arith.extui %sign3A_1904 : i1 to i32
      %sign3A_1906 = arith.subi %sign3A_1902, %sign3A_1905 : i32
      %ne3A_1907 = arith.cmpi ne, %sign3A_1899, %sign3A_1906 : i32
      %rem3A_1908 = arith.remsi %add3A_1890, %jit3A_1891 : i32
      %ne3A_1909 = arith.constant 0 : i32
      %ne3A_1910 = arith.cmpi ne, %rem3A_1908, %ne3A_1909 : i32
      %and3A_1911 = arith.andi %ne3A_1907, %ne3A_1910 : i1
      %sub3A_1912 = arith.constant 1 : i32
      %sub3A_1913 = arith.subi %div3A_1892, %sub3A_1912 : i32
      %select_n3A_1914 = arith.select %and3A_1911, %sub3A_1913, %div3A_1892 : i32
      %jit3A_1915 = arith.constant 4 : i32
      %eq3A_1916 = arith.constant 0 : i32
      %eq3A_1917 = arith.cmpi eq, %jit3A_1915, %eq3A_1916 : i32
      %jit3A_1918 = arith.constant 1 : i32
      %select_n3A_1919 = arith.select %eq3A_1917, %jit3A_1918, %jit3A_1915 : i32
      %rem3A_1920 = arith.remsi %add3A_1890, %select_n3A_1919 : i32
      %ne3A_1921 = arith.constant 0 : i32
      %ne3A_1922 = arith.cmpi ne, %rem3A_1920, %ne3A_1921 : i32
      %lt3A_1923 = arith.constant 0 : i32
      %lt3A_1924 = arith.cmpi slt, %rem3A_1920, %lt3A_1923 : i32
      %lt3A_1925 = arith.constant 0 : i32
      %lt3A_1926 = arith.cmpi slt, %select_n3A_1919, %lt3A_1925 : i32
      %ne3A_1927 = arith.xori %lt3A_1924, %lt3A_1926 : i1
      %and3A_1928 = arith.andi %ne3A_1927, %ne3A_1922 : i1
      %add3A_1929 = arith.addi %rem3A_1920, %select_n3A_1919 : i32
      %select_n3A_1930 = arith.select %and3A_1928, %add3A_1929, %rem3A_1920 : i32
      %mul3A_1931 = arith.constant 32 : i32
      %mul3A_1932 = arith.muli %select_n3A_1930, %mul3A_1931 : i32
      %dma_start3A_1933 = tpu.memref_slice %arg5[%select_n3A_1914, %mul3A_1932] : memref<50x128xi32, #tpu.memory_space<vmem>> -> memref<1x32xi32, #tpu.memory_space<vmem>>
      %dma_start3A_1934 = tpu.memref_squeeze %dma_start3A_1933 : memref<1x32xi32, #tpu.memory_space<vmem>> -> memref<32xi32, #tpu.memory_space<vmem>>
      %dma_start3A_1935 = arith.constant 0 : i32
      %dma_start3A_1936 = arith.constant 0 : i32
      %dma_start3A_1937 = tpu.memref_slice %arg6[%dma_start3A_1935, %dma_start3A_1936] : memref<10000x128xf32, #tpu.memory_space<vmem_shared>> -> memref<10000x128xf32, #tpu.memory_space<vmem_shared>>
      tpu.enqueue_indirect_dma source(%dma_start3A_1937 : memref<10000x128xf32, #tpu.memory_space<vmem_shared>>) target(%arg12 : memref<32x128xf32, #tpu.memory_space<vmem>>) offsets(%dma_start3A_1934 : memref<32xi32, #tpu.memory_space<vmem>>) semaphore(%arg22 : memref<!tpu.dma_semaphore, #tpu.memory_space<semaphore_mem>>)
      %add3A_1938 = arith.constant 6 : i32
      %add3A_1939 = arith.addi %mul3A_334, %add3A_1938 : i32
      %jit3A_1940 = arith.constant 4 : i32
      %div3A_1941 = arith.divsi %add3A_1939, %jit3A_1940 : i32
      %sign3A_1942 = arith.constant 0 : i32
      %sign3A_1943 = arith.cmpi sgt, %add3A_1939, %sign3A_1942 : i32
      %sign3A_1944 = arith.extui %sign3A_1943 : i1 to i32
      %sign3A_1945 = arith.constant 0 : i32
      %sign3A_1946 = arith.cmpi slt, %add3A_1939, %sign3A_1945 : i32
      %sign3A_1947 = arith.extui %sign3A_1946 : i1 to i32
      %sign3A_1948 = arith.subi %sign3A_1944, %sign3A_1947 : i32
      %sign3A_1949 = arith.constant 0 : i32
      %sign3A_1950 = arith.cmpi sgt, %jit3A_1940, %sign3A_1949 : i32
      %sign3A_1951 = arith.extui %sign3A_1950 : i1 to i32
      %sign3A_1952 = arith.constant 0 : i32
      %sign3A_1953 = arith.cmpi slt, %jit3A_1940, %sign3A_1952 : i32
      %sign3A_1954 = arith.extui %sign3A_1953 : i1 to i32
      %sign3A_1955 = arith.subi %sign3A_1951, %sign3A_1954 : i32
      %ne3A_1956 = arith.cmpi ne, %sign3A_1948, %sign3A_1955 : i32
      %rem3A_1957 = arith.remsi %add3A_1939, %jit3A_1940 : i32
      %ne3A_1958 = arith.constant 0 : i32
      %ne3A_1959 = arith.cmpi ne, %rem3A_1957, %ne3A_1958 : i32
      %and3A_1960 = arith.andi %ne3A_1956, %ne3A_1959 : i1
      %sub3A_1961 = arith.constant 1 : i32
      %sub3A_1962 = arith.subi %div3A_1941, %sub3A_1961 : i32
      %select_n3A_1963 = arith.select %and3A_1960, %sub3A_1962, %div3A_1941 : i32
      %jit3A_1964 = arith.constant 4 : i32
      %eq3A_1965 = arith.constant 0 : i32
      %eq3A_1966 = arith.cmpi eq, %jit3A_1964, %eq3A_1965 : i32
      %jit3A_1967 = arith.constant 1 : i32
      %select_n3A_1968 = arith.select %eq3A_1966, %jit3A_1967, %jit3A_1964 : i32
      %rem3A_1969 = arith.remsi %add3A_1939, %select_n3A_1968 : i32
      %ne3A_1970 = arith.constant 0 : i32
      %ne3A_1971 = arith.cmpi ne, %rem3A_1969, %ne3A_1970 : i32
      %lt3A_1972 = arith.constant 0 : i32
      %lt3A_1973 = arith.cmpi slt, %rem3A_1969, %lt3A_1972 : i32
      %lt3A_1974 = arith.constant 0 : i32
      %lt3A_1975 = arith.cmpi slt, %select_n3A_1968, %lt3A_1974 : i32
      %ne3A_1976 = arith.xori %lt3A_1973, %lt3A_1975 : i1
      %and3A_1977 = arith.andi %ne3A_1976, %ne3A_1971 : i1
      %add3A_1978 = arith.addi %rem3A_1969, %select_n3A_1968 : i32
      %select_n3A_1979 = arith.select %and3A_1977, %add3A_1978, %rem3A_1969 : i32
      %mul3A_1980 = arith.constant 32 : i32
      %mul3A_1981 = arith.muli %select_n3A_1979, %mul3A_1980 : i32
      %add3A_1982 = arith.addi %mul3A_2, %mul3A_1981 : i32
      %dma_wait3A_1983 = arith.constant 0 : i32
      %dma_wait3A_1984 = tpu.memref_slice %arg4[%select_n3A_1963, %add3A_1982, %dma_wait3A_1983] : memref<50x4096x128xf32, #tpu.memory_space<hbm>> -> memref<1x32x128xf32, #tpu.memory_space<hbm>>
      %dma_wait3A_1985 = tpu.memref_squeeze %dma_wait3A_1984 : memref<1x32x128xf32, #tpu.memory_space<hbm>> -> memref<32x128xf32, #tpu.memory_space<hbm>>
      %dma_wait3A_1986 = arith.constant 0 : i32
      %dma_wait3A_1987 = tpu.memref_slice %arg4[%select_n3A_1963, %add3A_1982, %dma_wait3A_1986] : memref<50x4096x128xf32, #tpu.memory_space<hbm>> -> memref<1x32x128xf32, #tpu.memory_space<hbm>>
      %dma_wait3A_1988 = tpu.memref_squeeze %dma_wait3A_1987 : memref<1x32x128xf32, #tpu.memory_space<hbm>> -> memref<32x128xf32, #tpu.memory_space<hbm>>
      tpu.wait_dma2 semaphore(%arg33 : memref<!tpu.dma_semaphore, #tpu.memory_space<semaphore_mem>>) src(%arg13 : memref<32x128xf32, #tpu.memory_space<vmem>>) dst(%dma_wait3A_1988 : memref<32x128xf32, #tpu.memory_space<hbm>>)
      %add3A_1989 = arith.constant 10 : i32
      %add3A_1990 = arith.addi %mul3A_334, %add3A_1989 : i32
      %add3A_1991 = arith.constant 6 : i32
      %add3A_1992 = arith.addi %add3A_1990, %add3A_1991 : i32
      %jit3A_1993 = arith.constant 4 : i32
      %div3A_1994 = arith.divsi %add3A_1992, %jit3A_1993 : i32
      %sign3A_1995 = arith.constant 0 : i32
      %sign3A_1996 = arith.cmpi sgt, %add3A_1992, %sign3A_1995 : i32
      %sign3A_1997 = arith.extui %sign3A_1996 : i1 to i32
      %sign3A_1998 = arith.constant 0 : i32
      %sign3A_1999 = arith.cmpi slt, %add3A_1992, %sign3A_1998 : i32
      %sign3A_2000 = arith.extui %sign3A_1999 : i1 to i32
      %sign3A_2001 = arith.subi %sign3A_1997, %sign3A_2000 : i32
      %sign3A_2002 = arith.constant 0 : i32
      %sign3A_2003 = arith.cmpi sgt, %jit3A_1993, %sign3A_2002 : i32
      %sign3A_2004 = arith.extui %sign3A_2003 : i1 to i32
      %sign3A_2005 = arith.constant 0 : i32
      %sign3A_2006 = arith.cmpi slt, %jit3A_1993, %sign3A_2005 : i32
      %sign3A_2007 = arith.extui %sign3A_2006 : i1 to i32
      %sign3A_2008 = arith.subi %sign3A_2004, %sign3A_2007 : i32
      %ne3A_2009 = arith.cmpi ne, %sign3A_2001, %sign3A_2008 : i32
      %rem3A_2010 = arith.remsi %add3A_1992, %jit3A_1993 : i32
      %ne3A_2011 = arith.constant 0 : i32
      %ne3A_2012 = arith.cmpi ne, %rem3A_2010, %ne3A_2011 : i32
      %and3A_2013 = arith.andi %ne3A_2009, %ne3A_2012 : i1
      %sub3A_2014 = arith.constant 1 : i32
      %sub3A_2015 = arith.subi %div3A_1994, %sub3A_2014 : i32
      %select_n3A_2016 = arith.select %and3A_2013, %sub3A_2015, %div3A_1994 : i32
      %jit3A_2017 = arith.constant 4 : i32
      %eq3A_2018 = arith.constant 0 : i32
      %eq3A_2019 = arith.cmpi eq, %jit3A_2017, %eq3A_2018 : i32
      %jit3A_2020 = arith.constant 1 : i32
      %select_n3A_2021 = arith.select %eq3A_2019, %jit3A_2020, %jit3A_2017 : i32
      %rem3A_2022 = arith.remsi %add3A_1992, %select_n3A_2021 : i32
      %ne3A_2023 = arith.constant 0 : i32
      %ne3A_2024 = arith.cmpi ne, %rem3A_2022, %ne3A_2023 : i32
      %lt3A_2025 = arith.constant 0 : i32
      %lt3A_2026 = arith.cmpi slt, %rem3A_2022, %lt3A_2025 : i32
      %lt3A_2027 = arith.constant 0 : i32
      %lt3A_2028 = arith.cmpi slt, %select_n3A_2021, %lt3A_2027 : i32
      %ne3A_2029 = arith.xori %lt3A_2026, %lt3A_2028 : i1
      %and3A_2030 = arith.andi %ne3A_2029, %ne3A_2024 : i1
      %add3A_2031 = arith.addi %rem3A_2022, %select_n3A_2021 : i32
      %select_n3A_2032 = arith.select %and3A_2030, %add3A_2031, %rem3A_2022 : i32
      %mul3A_2033 = arith.constant 32 : i32
      %mul3A_2034 = arith.muli %select_n3A_2032, %mul3A_2033 : i32
      %dma_start3A_2035 = tpu.memref_slice %arg5[%select_n3A_2016, %mul3A_2034] : memref<50x128xi32, #tpu.memory_space<vmem>> -> memref<1x32xi32, #tpu.memory_space<vmem>>
      %dma_start3A_2036 = tpu.memref_squeeze %dma_start3A_2035 : memref<1x32xi32, #tpu.memory_space<vmem>> -> memref<32xi32, #tpu.memory_space<vmem>>
      %dma_start3A_2037 = arith.constant 0 : i32
      %dma_start3A_2038 = arith.constant 0 : i32
      %dma_start3A_2039 = tpu.memref_slice %arg6[%dma_start3A_2037, %dma_start3A_2038] : memref<10000x128xf32, #tpu.memory_space<vmem_shared>> -> memref<10000x128xf32, #tpu.memory_space<vmem_shared>>
      tpu.enqueue_indirect_dma source(%dma_start3A_2039 : memref<10000x128xf32, #tpu.memory_space<vmem_shared>>) target(%arg13 : memref<32x128xf32, #tpu.memory_space<vmem>>) offsets(%dma_start3A_2036 : memref<32xi32, #tpu.memory_space<vmem>>) semaphore(%arg23 : memref<!tpu.dma_semaphore, #tpu.memory_space<semaphore_mem>>)
      %add3A_2040 = arith.constant 7 : i32
      %add3A_2041 = arith.addi %mul3A_334, %add3A_2040 : i32
      %jit3A_2042 = arith.constant 4 : i32
      %div3A_2043 = arith.divsi %add3A_2041, %jit3A_2042 : i32
      %sign3A_2044 = arith.constant 0 : i32
      %sign3A_2045 = arith.cmpi sgt, %add3A_2041, %sign3A_2044 : i32
      %sign3A_2046 = arith.extui %sign3A_2045 : i1 to i32
      %sign3A_2047 = arith.constant 0 : i32
      %sign3A_2048 = arith.cmpi slt, %add3A_2041, %sign3A_2047 : i32
      %sign3A_2049 = arith.extui %sign3A_2048 : i1 to i32
      %sign3A_2050 = arith.subi %sign3A_2046, %sign3A_2049 : i32
      %sign3A_2051 = arith.constant 0 : i32
      %sign3A_2052 = arith.cmpi sgt, %jit3A_2042, %sign3A_2051 : i32
      %sign3A_2053 = arith.extui %sign3A_2052 : i1 to i32
      %sign3A_2054 = arith.constant 0 : i32
      %sign3A_2055 = arith.cmpi slt, %jit3A_2042, %sign3A_2054 : i32
      %sign3A_2056 = arith.extui %sign3A_2055 : i1 to i32
      %sign3A_2057 = arith.subi %sign3A_2053, %sign3A_2056 : i32
      %ne3A_2058 = arith.cmpi ne, %sign3A_2050, %sign3A_2057 : i32
      %rem3A_2059 = arith.remsi %add3A_2041, %jit3A_2042 : i32
      %ne3A_2060 = arith.constant 0 : i32
      %ne3A_2061 = arith.cmpi ne, %rem3A_2059, %ne3A_2060 : i32
      %and3A_2062 = arith.andi %ne3A_2058, %ne3A_2061 : i1
      %sub3A_2063 = arith.constant 1 : i32
      %sub3A_2064 = arith.subi %div3A_2043, %sub3A_2063 : i32
      %select_n3A_2065 = arith.select %and3A_2062, %sub3A_2064, %div3A_2043 : i32
      %jit3A_2066 = arith.constant 4 : i32
      %eq3A_2067 = arith.constant 0 : i32
      %eq3A_2068 = arith.cmpi eq, %jit3A_2066, %eq3A_2067 : i32
      %jit3A_2069 = arith.constant 1 : i32
      %select_n3A_2070 = arith.select %eq3A_2068, %jit3A_2069, %jit3A_2066 : i32
      %rem3A_2071 = arith.remsi %add3A_2041, %select_n3A_2070 : i32
      %ne3A_2072 = arith.constant 0 : i32
      %ne3A_2073 = arith.cmpi ne, %rem3A_2071, %ne3A_2072 : i32
      %lt3A_2074 = arith.constant 0 : i32
      %lt3A_2075 = arith.cmpi slt, %rem3A_2071, %lt3A_2074 : i32
      %lt3A_2076 = arith.constant 0 : i32
      %lt3A_2077 = arith.cmpi slt, %select_n3A_2070, %lt3A_2076 : i32
      %ne3A_2078 = arith.xori %lt3A_2075, %lt3A_2077 : i1
      %and3A_2079 = arith.andi %ne3A_2078, %ne3A_2073 : i1
      %add3A_2080 = arith.addi %rem3A_2071, %select_n3A_2070 : i32
      %select_n3A_2081 = arith.select %and3A_2079, %add3A_2080, %rem3A_2071 : i32
      %mul3A_2082 = arith.constant 32 : i32
      %mul3A_2083 = arith.muli %select_n3A_2081, %mul3A_2082 : i32
      %add3A_2084 = arith.addi %mul3A_2, %mul3A_2083 : i32
      %dma_wait3A_2085 = arith.constant 0 : i32
      %dma_wait3A_2086 = tpu.memref_slice %arg4[%select_n3A_2065, %add3A_2084, %dma_wait3A_2085] : memref<50x4096x128xf32, #tpu.memory_space<hbm>> -> memref<1x32x128xf32, #tpu.memory_space<hbm>>
      %dma_wait3A_2087 = tpu.memref_squeeze %dma_wait3A_2086 : memref<1x32x128xf32, #tpu.memory_space<hbm>> -> memref<32x128xf32, #tpu.memory_space<hbm>>
      %dma_wait3A_2088 = arith.constant 0 : i32
      %dma_wait3A_2089 = tpu.memref_slice %arg4[%select_n3A_2065, %add3A_2084, %dma_wait3A_2088] : memref<50x4096x128xf32, #tpu.memory_space<hbm>> -> memref<1x32x128xf32, #tpu.memory_space<hbm>>
      %dma_wait3A_2090 = tpu.memref_squeeze %dma_wait3A_2089 : memref<1x32x128xf32, #tpu.memory_space<hbm>> -> memref<32x128xf32, #tpu.memory_space<hbm>>
      tpu.wait_dma2 semaphore(%arg34 : memref<!tpu.dma_semaphore, #tpu.memory_space<semaphore_mem>>) src(%arg14 : memref<32x128xf32, #tpu.memory_space<vmem>>) dst(%dma_wait3A_2090 : memref<32x128xf32, #tpu.memory_space<hbm>>)
      %add3A_2091 = arith.constant 10 : i32
      %add3A_2092 = arith.addi %mul3A_334, %add3A_2091 : i32
      %add3A_2093 = arith.constant 7 : i32
      %add3A_2094 = arith.addi %add3A_2092, %add3A_2093 : i32
      %jit3A_2095 = arith.constant 4 : i32
      %div3A_2096 = arith.divsi %add3A_2094, %jit3A_2095 : i32
      %sign3A_2097 = arith.constant 0 : i32
      %sign3A_2098 = arith.cmpi sgt, %add3A_2094, %sign3A_2097 : i32
      %sign3A_2099 = arith.extui %sign3A_2098 : i1 to i32
      %sign3A_2100 = arith.constant 0 : i32
      %sign3A_2101 = arith.cmpi slt, %add3A_2094, %sign3A_2100 : i32
      %sign3A_2102 = arith.extui %sign3A_2101 : i1 to i32
      %sign3A_2103 = arith.subi %sign3A_2099, %sign3A_2102 : i32
      %sign3A_2104 = arith.constant 0 : i32
      %sign3A_2105 = arith.cmpi sgt, %jit3A_2095, %sign3A_2104 : i32
      %sign3A_2106 = arith.extui %sign3A_2105 : i1 to i32
      %sign3A_2107 = arith.constant 0 : i32
      %sign3A_2108 = arith.cmpi slt, %jit3A_2095, %sign3A_2107 : i32
      %sign3A_2109 = arith.extui %sign3A_2108 : i1 to i32
      %sign3A_2110 = arith.subi %sign3A_2106, %sign3A_2109 : i32
      %ne3A_2111 = arith.cmpi ne, %sign3A_2103, %sign3A_2110 : i32
      %rem3A_2112 = arith.remsi %add3A_2094, %jit3A_2095 : i32
      %ne3A_2113 = arith.constant 0 : i32
      %ne3A_2114 = arith.cmpi ne, %rem3A_2112, %ne3A_2113 : i32
      %and3A_2115 = arith.andi %ne3A_2111, %ne3A_2114 : i1
      %sub3A_2116 = arith.constant 1 : i32
      %sub3A_2117 = arith.subi %div3A_2096, %sub3A_2116 : i32
      %select_n3A_2118 = arith.select %and3A_2115, %sub3A_2117, %div3A_2096 : i32
      %jit3A_2119 = arith.constant 4 : i32
      %eq3A_2120 = arith.constant 0 : i32
      %eq3A_2121 = arith.cmpi eq, %jit3A_2119, %eq3A_2120 : i32
      %jit3A_2122 = arith.constant 1 : i32
      %select_n3A_2123 = arith.select %eq3A_2121, %jit3A_2122, %jit3A_2119 : i32
      %rem3A_2124 = arith.remsi %add3A_2094, %select_n3A_2123 : i32
      %ne3A_2125 = arith.constant 0 : i32
      %ne3A_2126 = arith.cmpi ne, %rem3A_2124, %ne3A_2125 : i32
      %lt3A_2127 = arith.constant 0 : i32
      %lt3A_2128 = arith.cmpi slt, %rem3A_2124, %lt3A_2127 : i32
      %lt3A_2129 = arith.constant 0 : i32
      %lt3A_2130 = arith.cmpi slt, %select_n3A_2123, %lt3A_2129 : i32
      %ne3A_2131 = arith.xori %lt3A_2128, %lt3A_2130 : i1
      %and3A_2132 = arith.andi %ne3A_2131, %ne3A_2126 : i1
      %add3A_2133 = arith.addi %rem3A_2124, %select_n3A_2123 : i32
      %select_n3A_2134 = arith.select %and3A_2132, %add3A_2133, %rem3A_2124 : i32
      %mul3A_2135 = arith.constant 32 : i32
      %mul3A_2136 = arith.muli %select_n3A_2134, %mul3A_2135 : i32
      %dma_start3A_2137 = tpu.memref_slice %arg5[%select_n3A_2118, %mul3A_2136] : memref<50x128xi32, #tpu.memory_space<vmem>> -> memref<1x32xi32, #tpu.memory_space<vmem>>
      %dma_start3A_2138 = tpu.memref_squeeze %dma_start3A_2137 : memref<1x32xi32, #tpu.memory_space<vmem>> -> memref<32xi32, #tpu.memory_space<vmem>>
      %dma_start3A_2139 = arith.constant 0 : i32
      %dma_start3A_2140 = arith.constant 0 : i32
      %dma_start3A_2141 = tpu.memref_slice %arg6[%dma_start3A_2139, %dma_start3A_2140] : memref<10000x128xf32, #tpu.memory_space<vmem_shared>> -> memref<10000x128xf32, #tpu.memory_space<vmem_shared>>
      tpu.enqueue_indirect_dma source(%dma_start3A_2141 : memref<10000x128xf32, #tpu.memory_space<vmem_shared>>) target(%arg14 : memref<32x128xf32, #tpu.memory_space<vmem>>) offsets(%dma_start3A_2138 : memref<32xi32, #tpu.memory_space<vmem>>) semaphore(%arg24 : memref<!tpu.dma_semaphore, #tpu.memory_space<semaphore_mem>>)
      %add3A_2142 = arith.constant 8 : i32
      %add3A_2143 = arith.addi %mul3A_334, %add3A_2142 : i32
      %jit3A_2144 = arith.constant 4 : i32
      %div3A_2145 = arith.divsi %add3A_2143, %jit3A_2144 : i32
      %sign3A_2146 = arith.constant 0 : i32
      %sign3A_2147 = arith.cmpi sgt, %add3A_2143, %sign3A_2146 : i32
      %sign3A_2148 = arith.extui %sign3A_2147 : i1 to i32
      %sign3A_2149 = arith.constant 0 : i32
      %sign3A_2150 = arith.cmpi slt, %add3A_2143, %sign3A_2149 : i32
      %sign3A_2151 = arith.extui %sign3A_2150 : i1 to i32
      %sign3A_2152 = arith.subi %sign3A_2148, %sign3A_2151 : i32
      %sign3A_2153 = arith.constant 0 : i32
      %sign3A_2154 = arith.cmpi sgt, %jit3A_2144, %sign3A_2153 : i32
      %sign3A_2155 = arith.extui %sign3A_2154 : i1 to i32
      %sign3A_2156 = arith.constant 0 : i32
      %sign3A_2157 = arith.cmpi slt, %jit3A_2144, %sign3A_2156 : i32
      %sign3A_2158 = arith.extui %sign3A_2157 : i1 to i32
      %sign3A_2159 = arith.subi %sign3A_2155, %sign3A_2158 : i32
      %ne3A_2160 = arith.cmpi ne, %sign3A_2152, %sign3A_2159 : i32
      %rem3A_2161 = arith.remsi %add3A_2143, %jit3A_2144 : i32
      %ne3A_2162 = arith.constant 0 : i32
      %ne3A_2163 = arith.cmpi ne, %rem3A_2161, %ne3A_2162 : i32
      %and3A_2164 = arith.andi %ne3A_2160, %ne3A_2163 : i1
      %sub3A_2165 = arith.constant 1 : i32
      %sub3A_2166 = arith.subi %div3A_2145, %sub3A_2165 : i32
      %select_n3A_2167 = arith.select %and3A_2164, %sub3A_2166, %div3A_2145 : i32
      %jit3A_2168 = arith.constant 4 : i32
      %eq3A_2169 = arith.constant 0 : i32
      %eq3A_2170 = arith.cmpi eq, %jit3A_2168, %eq3A_2169 : i32
      %jit3A_2171 = arith.constant 1 : i32
      %select_n3A_2172 = arith.select %eq3A_2170, %jit3A_2171, %jit3A_2168 : i32
      %rem3A_2173 = arith.remsi %add3A_2143, %select_n3A_2172 : i32
      %ne3A_2174 = arith.constant 0 : i32
      %ne3A_2175 = arith.cmpi ne, %rem3A_2173, %ne3A_2174 : i32
      %lt3A_2176 = arith.constant 0 : i32
      %lt3A_2177 = arith.cmpi slt, %rem3A_2173, %lt3A_2176 : i32
      %lt3A_2178 = arith.constant 0 : i32
      %lt3A_2179 = arith.cmpi slt, %select_n3A_2172, %lt3A_2178 : i32
      %ne3A_2180 = arith.xori %lt3A_2177, %lt3A_2179 : i1
      %and3A_2181 = arith.andi %ne3A_2180, %ne3A_2175 : i1
      %add3A_2182 = arith.addi %rem3A_2173, %select_n3A_2172 : i32
      %select_n3A_2183 = arith.select %and3A_2181, %add3A_2182, %rem3A_2173 : i32
      %mul3A_2184 = arith.constant 32 : i32
      %mul3A_2185 = arith.muli %select_n3A_2183, %mul3A_2184 : i32
      %add3A_2186 = arith.addi %mul3A_2, %mul3A_2185 : i32
      %dma_wait3A_2187 = arith.constant 0 : i32
      %dma_wait3A_2188 = tpu.memref_slice %arg4[%select_n3A_2167, %add3A_2186, %dma_wait3A_2187] : memref<50x4096x128xf32, #tpu.memory_space<hbm>> -> memref<1x32x128xf32, #tpu.memory_space<hbm>>
      %dma_wait3A_2189 = tpu.memref_squeeze %dma_wait3A_2188 : memref<1x32x128xf32, #tpu.memory_space<hbm>> -> memref<32x128xf32, #tpu.memory_space<hbm>>
      %dma_wait3A_2190 = arith.constant 0 : i32
      %dma_wait3A_2191 = tpu.memref_slice %arg4[%select_n3A_2167, %add3A_2186, %dma_wait3A_2190] : memref<50x4096x128xf32, #tpu.memory_space<hbm>> -> memref<1x32x128xf32, #tpu.memory_space<hbm>>
      %dma_wait3A_2192 = tpu.memref_squeeze %dma_wait3A_2191 : memref<1x32x128xf32, #tpu.memory_space<hbm>> -> memref<32x128xf32, #tpu.memory_space<hbm>>
      tpu.wait_dma2 semaphore(%arg35 : memref<!tpu.dma_semaphore, #tpu.memory_space<semaphore_mem>>) src(%arg15 : memref<32x128xf32, #tpu.memory_space<vmem>>) dst(%dma_wait3A_2192 : memref<32x128xf32, #tpu.memory_space<hbm>>)
      %add3A_2193 = arith.constant 10 : i32
      %add3A_2194 = arith.addi %mul3A_334, %add3A_2193 : i32
      %add3A_2195 = arith.constant 8 : i32
      %add3A_2196 = arith.addi %add3A_2194, %add3A_2195 : i32
      %jit3A_2197 = arith.constant 4 : i32
      %div3A_2198 = arith.divsi %add3A_2196, %jit3A_2197 : i32
      %sign3A_2199 = arith.constant 0 : i32
      %sign3A_2200 = arith.cmpi sgt, %add3A_2196, %sign3A_2199 : i32
      %sign3A_2201 = arith.extui %sign3A_2200 : i1 to i32
      %sign3A_2202 = arith.constant 0 : i32
      %sign3A_2203 = arith.cmpi slt, %add3A_2196, %sign3A_2202 : i32
      %sign3A_2204 = arith.extui %sign3A_2203 : i1 to i32
      %sign3A_2205 = arith.subi %sign3A_2201, %sign3A_2204 : i32
      %sign3A_2206 = arith.constant 0 : i32
      %sign3A_2207 = arith.cmpi sgt, %jit3A_2197, %sign3A_2206 : i32
      %sign3A_2208 = arith.extui %sign3A_2207 : i1 to i32
      %sign3A_2209 = arith.constant 0 : i32
      %sign3A_2210 = arith.cmpi slt, %jit3A_2197, %sign3A_2209 : i32
      %sign3A_2211 = arith.extui %sign3A_2210 : i1 to i32
      %sign3A_2212 = arith.subi %sign3A_2208, %sign3A_2211 : i32
      %ne3A_2213 = arith.cmpi ne, %sign3A_2205, %sign3A_2212 : i32
      %rem3A_2214 = arith.remsi %add3A_2196, %jit3A_2197 : i32
      %ne3A_2215 = arith.constant 0 : i32
      %ne3A_2216 = arith.cmpi ne, %rem3A_2214, %ne3A_2215 : i32
      %and3A_2217 = arith.andi %ne3A_2213, %ne3A_2216 : i1
      %sub3A_2218 = arith.constant 1 : i32
      %sub3A_2219 = arith.subi %div3A_2198, %sub3A_2218 : i32
      %select_n3A_2220 = arith.select %and3A_2217, %sub3A_2219, %div3A_2198 : i32
      %jit3A_2221 = arith.constant 4 : i32
      %eq3A_2222 = arith.constant 0 : i32
      %eq3A_2223 = arith.cmpi eq, %jit3A_2221, %eq3A_2222 : i32
      %jit3A_2224 = arith.constant 1 : i32
      %select_n3A_2225 = arith.select %eq3A_2223, %jit3A_2224, %jit3A_2221 : i32
      %rem3A_2226 = arith.remsi %add3A_2196, %select_n3A_2225 : i32
      %ne3A_2227 = arith.constant 0 : i32
      %ne3A_2228 = arith.cmpi ne, %rem3A_2226, %ne3A_2227 : i32
      %lt3A_2229 = arith.constant 0 : i32
      %lt3A_2230 = arith.cmpi slt, %rem3A_2226, %lt3A_2229 : i32
      %lt3A_2231 = arith.constant 0 : i32
      %lt3A_2232 = arith.cmpi slt, %select_n3A_2225, %lt3A_2231 : i32
      %ne3A_2233 = arith.xori %lt3A_2230, %lt3A_2232 : i1
      %and3A_2234 = arith.andi %ne3A_2233, %ne3A_2228 : i1
      %add3A_2235 = arith.addi %rem3A_2226, %select_n3A_2225 : i32
      %select_n3A_2236 = arith.select %and3A_2234, %add3A_2235, %rem3A_2226 : i32
      %mul3A_2237 = arith.constant 32 : i32
      %mul3A_2238 = arith.muli %select_n3A_2236, %mul3A_2237 : i32
      %dma_start3A_2239 = tpu.memref_slice %arg5[%select_n3A_2220, %mul3A_2238] : memref<50x128xi32, #tpu.memory_space<vmem>> -> memref<1x32xi32, #tpu.memory_space<vmem>>
      %dma_start3A_2240 = tpu.memref_squeeze %dma_start3A_2239 : memref<1x32xi32, #tpu.memory_space<vmem>> -> memref<32xi32, #tpu.memory_space<vmem>>
      %dma_start3A_2241 = arith.constant 0 : i32
      %dma_start3A_2242 = arith.constant 0 : i32
      %dma_start3A_2243 = tpu.memref_slice %arg6[%dma_start3A_2241, %dma_start3A_2242] : memref<10000x128xf32, #tpu.memory_space<vmem_shared>> -> memref<10000x128xf32, #tpu.memory_space<vmem_shared>>
      tpu.enqueue_indirect_dma source(%dma_start3A_2243 : memref<10000x128xf32, #tpu.memory_space<vmem_shared>>) target(%arg15 : memref<32x128xf32, #tpu.memory_space<vmem>>) offsets(%dma_start3A_2240 : memref<32xi32, #tpu.memory_space<vmem>>) semaphore(%arg25 : memref<!tpu.dma_semaphore, #tpu.memory_space<semaphore_mem>>)
      %add3A_2244 = arith.constant 9 : i32
      %add3A_2245 = arith.addi %mul3A_334, %add3A_2244 : i32
      %jit3A_2246 = arith.constant 4 : i32
      %div3A_2247 = arith.divsi %add3A_2245, %jit3A_2246 : i32
      %sign3A_2248 = arith.constant 0 : i32
      %sign3A_2249 = arith.cmpi sgt, %add3A_2245, %sign3A_2248 : i32
      %sign3A_2250 = arith.extui %sign3A_2249 : i1 to i32
      %sign3A_2251 = arith.constant 0 : i32
      %sign3A_2252 = arith.cmpi slt, %add3A_2245, %sign3A_2251 : i32
      %sign3A_2253 = arith.extui %sign3A_2252 : i1 to i32
      %sign3A_2254 = arith.subi %sign3A_2250, %sign3A_2253 : i32
      %sign3A_2255 = arith.constant 0 : i32
      %sign3A_2256 = arith.cmpi sgt, %jit3A_2246, %sign3A_2255 : i32
      %sign3A_2257 = arith.extui %sign3A_2256 : i1 to i32
      %sign3A_2258 = arith.constant 0 : i32
      %sign3A_2259 = arith.cmpi slt, %jit3A_2246, %sign3A_2258 : i32
      %sign3A_2260 = arith.extui %sign3A_2259 : i1 to i32
      %sign3A_2261 = arith.subi %sign3A_2257, %sign3A_2260 : i32
      %ne3A_2262 = arith.cmpi ne, %sign3A_2254, %sign3A_2261 : i32
      %rem3A_2263 = arith.remsi %add3A_2245, %jit3A_2246 : i32
      %ne3A_2264 = arith.constant 0 : i32
      %ne3A_2265 = arith.cmpi ne, %rem3A_2263, %ne3A_2264 : i32
      %and3A_2266 = arith.andi %ne3A_2262, %ne3A_2265 : i1
      %sub3A_2267 = arith.constant 1 : i32
      %sub3A_2268 = arith.subi %div3A_2247, %sub3A_2267 : i32
      %select_n3A_2269 = arith.select %and3A_2266, %sub3A_2268, %div3A_2247 : i32
      %jit3A_2270 = arith.constant 4 : i32
      %eq3A_2271 = arith.constant 0 : i32
      %eq3A_2272 = arith.cmpi eq, %jit3A_2270, %eq3A_2271 : i32
      %jit3A_2273 = arith.constant 1 : i32
      %select_n3A_2274 = arith.select %eq3A_2272, %jit3A_2273, %jit3A_2270 : i32
      %rem3A_2275 = arith.remsi %add3A_2245, %select_n3A_2274 : i32
      %ne3A_2276 = arith.constant 0 : i32
      %ne3A_2277 = arith.cmpi ne, %rem3A_2275, %ne3A_2276 : i32
      %lt3A_2278 = arith.constant 0 : i32
      %lt3A_2279 = arith.cmpi slt, %rem3A_2275, %lt3A_2278 : i32
      %lt3A_2280 = arith.constant 0 : i32
      %lt3A_2281 = arith.cmpi slt, %select_n3A_2274, %lt3A_2280 : i32
      %ne3A_2282 = arith.xori %lt3A_2279, %lt3A_2281 : i1
      %and3A_2283 = arith.andi %ne3A_2282, %ne3A_2277 : i1
      %add3A_2284 = arith.addi %rem3A_2275, %select_n3A_2274 : i32
      %select_n3A_2285 = arith.select %and3A_2283, %add3A_2284, %rem3A_2275 : i32
      %mul3A_2286 = arith.constant 32 : i32
      %mul3A_2287 = arith.muli %select_n3A_2285, %mul3A_2286 : i32
      %add3A_2288 = arith.addi %mul3A_2, %mul3A_2287 : i32
      %dma_wait3A_2289 = arith.constant 0 : i32
      %dma_wait3A_2290 = tpu.memref_slice %arg4[%select_n3A_2269, %add3A_2288, %dma_wait3A_2289] : memref<50x4096x128xf32, #tpu.memory_space<hbm>> -> memref<1x32x128xf32, #tpu.memory_space<hbm>>
      %dma_wait3A_2291 = tpu.memref_squeeze %dma_wait3A_2290 : memref<1x32x128xf32, #tpu.memory_space<hbm>> -> memref<32x128xf32, #tpu.memory_space<hbm>>
      %dma_wait3A_2292 = arith.constant 0 : i32
      %dma_wait3A_2293 = tpu.memref_slice %arg4[%select_n3A_2269, %add3A_2288, %dma_wait3A_2292] : memref<50x4096x128xf32, #tpu.memory_space<hbm>> -> memref<1x32x128xf32, #tpu.memory_space<hbm>>
      %dma_wait3A_2294 = tpu.memref_squeeze %dma_wait3A_2293 : memref<1x32x128xf32, #tpu.memory_space<hbm>> -> memref<32x128xf32, #tpu.memory_space<hbm>>
      tpu.wait_dma2 semaphore(%arg36 : memref<!tpu.dma_semaphore, #tpu.memory_space<semaphore_mem>>) src(%arg16 : memref<32x128xf32, #tpu.memory_space<vmem>>) dst(%dma_wait3A_2294 : memref<32x128xf32, #tpu.memory_space<hbm>>)
      %add3A_2295 = arith.constant 10 : i32
      %add3A_2296 = arith.addi %mul3A_334, %add3A_2295 : i32
      %add3A_2297 = arith.constant 9 : i32
      %add3A_2298 = arith.addi %add3A_2296, %add3A_2297 : i32
      %jit3A_2299 = arith.constant 4 : i32
      %div3A_2300 = arith.divsi %add3A_2298, %jit3A_2299 : i32
      %sign3A_2301 = arith.constant 0 : i32
      %sign3A_2302 = arith.cmpi sgt, %add3A_2298, %sign3A_2301 : i32
      %sign3A_2303 = arith.extui %sign3A_2302 : i1 to i32
      %sign3A_2304 = arith.constant 0 : i32
      %sign3A_2305 = arith.cmpi slt, %add3A_2298, %sign3A_2304 : i32
      %sign3A_2306 = arith.extui %sign3A_2305 : i1 to i32
      %sign3A_2307 = arith.subi %sign3A_2303, %sign3A_2306 : i32
      %sign3A_2308 = arith.constant 0 : i32
      %sign3A_2309 = arith.cmpi sgt, %jit3A_2299, %sign3A_2308 : i32
      %sign3A_2310 = arith.extui %sign3A_2309 : i1 to i32
      %sign3A_2311 = arith.constant 0 : i32
      %sign3A_2312 = arith.cmpi slt, %jit3A_2299, %sign3A_2311 : i32
      %sign3A_2313 = arith.extui %sign3A_2312 : i1 to i32
      %sign3A_2314 = arith.subi %sign3A_2310, %sign3A_2313 : i32
      %ne3A_2315 = arith.cmpi ne, %sign3A_2307, %sign3A_2314 : i32
      %rem3A_2316 = arith.remsi %add3A_2298, %jit3A_2299 : i32
      %ne3A_2317 = arith.constant 0 : i32
      %ne3A_2318 = arith.cmpi ne, %rem3A_2316, %ne3A_2317 : i32
      %and3A_2319 = arith.andi %ne3A_2315, %ne3A_2318 : i1
      %sub3A_2320 = arith.constant 1 : i32
      %sub3A_2321 = arith.subi %div3A_2300, %sub3A_2320 : i32
      %select_n3A_2322 = arith.select %and3A_2319, %sub3A_2321, %div3A_2300 : i32
      %jit3A_2323 = arith.constant 4 : i32
      %eq3A_2324 = arith.constant 0 : i32
      %eq3A_2325 = arith.cmpi eq, %jit3A_2323, %eq3A_2324 : i32
      %jit3A_2326 = arith.constant 1 : i32
      %select_n3A_2327 = arith.select %eq3A_2325, %jit3A_2326, %jit3A_2323 : i32
      %rem3A_2328 = arith.remsi %add3A_2298, %select_n3A_2327 : i32
      %ne3A_2329 = arith.constant 0 : i32
      %ne3A_2330 = arith.cmpi ne, %rem3A_2328, %ne3A_2329 : i32
      %lt3A_2331 = arith.constant 0 : i32
      %lt3A_2332 = arith.cmpi slt, %rem3A_2328, %lt3A_2331 : i32
      %lt3A_2333 = arith.constant 0 : i32
      %lt3A_2334 = arith.cmpi slt, %select_n3A_2327, %lt3A_2333 : i32
      %ne3A_2335 = arith.xori %lt3A_2332, %lt3A_2334 : i1
      %and3A_2336 = arith.andi %ne3A_2335, %ne3A_2330 : i1
      %add3A_2337 = arith.addi %rem3A_2328, %select_n3A_2327 : i32
      %select_n3A_2338 = arith.select %and3A_2336, %add3A_2337, %rem3A_2328 : i32
      %mul3A_2339 = arith.constant 32 : i32
      %mul3A_2340 = arith.muli %select_n3A_2338, %mul3A_2339 : i32
      %dma_start3A_2341 = tpu.memref_slice %arg5[%select_n3A_2322, %mul3A_2340] : memref<50x128xi32, #tpu.memory_space<vmem>> -> memref<1x32xi32, #tpu.memory_space<vmem>>
      %dma_start3A_2342 = tpu.memref_squeeze %dma_start3A_2341 : memref<1x32xi32, #tpu.memory_space<vmem>> -> memref<32xi32, #tpu.memory_space<vmem>>
      %dma_start3A_2343 = arith.constant 0 : i32
      %dma_start3A_2344 = arith.constant 0 : i32
      %dma_start3A_2345 = tpu.memref_slice %arg6[%dma_start3A_2343, %dma_start3A_2344] : memref<10000x128xf32, #tpu.memory_space<vmem_shared>> -> memref<10000x128xf32, #tpu.memory_space<vmem_shared>>
      tpu.enqueue_indirect_dma source(%dma_start3A_2345 : memref<10000x128xf32, #tpu.memory_space<vmem_shared>>) target(%arg16 : memref<32x128xf32, #tpu.memory_space<vmem>>) offsets(%dma_start3A_2342 : memref<32xi32, #tpu.memory_space<vmem>>) semaphore(%arg26 : memref<!tpu.dma_semaphore, #tpu.memory_space<semaphore_mem>>)
    }
    %scan3A_82 = arith.constant 19 : i32
    %dma_wait3A = arith.constant 47 : i32
    %dma_wait3A_83 = arith.constant 64 : i32
    %dma_wait3A_84 = tpu.memref_slice %arg5[%dma_wait3A, %dma_wait3A_83] : memref<50x128xi32, #tpu.memory_space<vmem>> -> memref<1x32xi32, #tpu.memory_space<vmem>>
    %dma_wait3A_85 = tpu.memref_squeeze %dma_wait3A_84 : memref<1x32xi32, #tpu.memory_space<vmem>> -> memref<32xi32, #tpu.memory_space<vmem>>
    %dma_wait3A_86 = arith.constant 0 : i32
    %dma_wait3A_87 = arith.constant 0 : i32
    %dma_wait3A_88 = tpu.memref_slice %arg6[%dma_wait3A_86, %dma_wait3A_87] : memref<10000x128xf32, #tpu.memory_space<vmem_shared>> -> memref<10000x128xf32, #tpu.memory_space<vmem_shared>>
    tpu.wait_indirect_dma semaphore(%arg17 : memref<!tpu.dma_semaphore, #tpu.memory_space<semaphore_mem>>) src(%dma_wait3A_88 : memref<10000x128xf32, #tpu.memory_space<vmem_shared>>) dst(%arg7 : memref<32x128xf32, #tpu.memory_space<vmem>>)
    %add3A_89 = arith.constant 64 : i32
    %add3A_90 = arith.addi %mul3A_2, %add3A_89 : i32
    %dma_start3A_91 = arith.constant 47 : i32
    %dma_start3A_92 = arith.constant 0 : i32
    %dma_start3A_93 = tpu.memref_slice %arg4[%dma_start3A_91, %add3A_90, %dma_start3A_92] : memref<50x4096x128xf32, #tpu.memory_space<hbm>> -> memref<1x32x128xf32, #tpu.memory_space<hbm>>
    %dma_start3A_94 = tpu.memref_squeeze %dma_start3A_93 : memref<1x32x128xf32, #tpu.memory_space<hbm>> -> memref<32x128xf32, #tpu.memory_space<hbm>>
    %dma_start3A_95 = arith.constant 0 : i32
    %dma_start3A_96 = tpu.memref_slice %arg4[%dma_start3A_91, %add3A_90, %dma_start3A_95] : memref<50x4096x128xf32, #tpu.memory_space<hbm>> -> memref<1x32x128xf32, #tpu.memory_space<hbm>>
    %dma_start3A_97 = tpu.memref_squeeze %dma_start3A_96 : memref<1x32x128xf32, #tpu.memory_space<hbm>> -> memref<32x128xf32, #tpu.memory_space<hbm>>
    tpu.enqueue_dma source(%arg7 : memref<32x128xf32, #tpu.memory_space<vmem>>) target(%dma_start3A_97 : memref<32x128xf32, #tpu.memory_space<hbm>>) target_semaphore(%arg27 : memref<!tpu.dma_semaphore, #tpu.memory_space<semaphore_mem>>)
    %dma_wait3A_98 = arith.constant 47 : i32
    %dma_wait3A_99 = arith.constant 96 : i32
    %dma_wait3A_100 = tpu.memref_slice %arg5[%dma_wait3A_98, %dma_wait3A_99] : memref<50x128xi32, #tpu.memory_space<vmem>> -> memref<1x32xi32, #tpu.memory_space<vmem>>
    %dma_wait3A_101 = tpu.memref_squeeze %dma_wait3A_100 : memref<1x32xi32, #tpu.memory_space<vmem>> -> memref<32xi32, #tpu.memory_space<vmem>>
    %dma_wait3A_102 = arith.constant 0 : i32
    %dma_wait3A_103 = arith.constant 0 : i32
    %dma_wait3A_104 = tpu.memref_slice %arg6[%dma_wait3A_102, %dma_wait3A_103] : memref<10000x128xf32, #tpu.memory_space<vmem_shared>> -> memref<10000x128xf32, #tpu.memory_space<vmem_shared>>
    tpu.wait_indirect_dma semaphore(%arg18 : memref<!tpu.dma_semaphore, #tpu.memory_space<semaphore_mem>>) src(%dma_wait3A_104 : memref<10000x128xf32, #tpu.memory_space<vmem_shared>>) dst(%arg8 : memref<32x128xf32, #tpu.memory_space<vmem>>)
    %add3A_105 = arith.constant 96 : i32
    %add3A_106 = arith.addi %mul3A_2, %add3A_105 : i32
    %dma_start3A_107 = arith.constant 47 : i32
    %dma_start3A_108 = arith.constant 0 : i32
    %dma_start3A_109 = tpu.memref_slice %arg4[%dma_start3A_107, %add3A_106, %dma_start3A_108] : memref<50x4096x128xf32, #tpu.memory_space<hbm>> -> memref<1x32x128xf32, #tpu.memory_space<hbm>>
    %dma_start3A_110 = tpu.memref_squeeze %dma_start3A_109 : memref<1x32x128xf32, #tpu.memory_space<hbm>> -> memref<32x128xf32, #tpu.memory_space<hbm>>
    %dma_start3A_111 = arith.constant 0 : i32
    %dma_start3A_112 = tpu.memref_slice %arg4[%dma_start3A_107, %add3A_106, %dma_start3A_111] : memref<50x4096x128xf32, #tpu.memory_space<hbm>> -> memref<1x32x128xf32, #tpu.memory_space<hbm>>
    %dma_start3A_113 = tpu.memref_squeeze %dma_start3A_112 : memref<1x32x128xf32, #tpu.memory_space<hbm>> -> memref<32x128xf32, #tpu.memory_space<hbm>>
    tpu.enqueue_dma source(%arg8 : memref<32x128xf32, #tpu.memory_space<vmem>>) target(%dma_start3A_113 : memref<32x128xf32, #tpu.memory_space<hbm>>) target_semaphore(%arg28 : memref<!tpu.dma_semaphore, #tpu.memory_space<semaphore_mem>>)
    %dma_wait3A_114 = arith.constant 48 : i32
    %dma_wait3A_115 = arith.constant 0 : i32
    %dma_wait3A_116 = tpu.memref_slice %arg5[%dma_wait3A_114, %dma_wait3A_115] : memref<50x128xi32, #tpu.memory_space<vmem>> -> memref<1x32xi32, #tpu.memory_space<vmem>>
    %dma_wait3A_117 = tpu.memref_squeeze %dma_wait3A_116 : memref<1x32xi32, #tpu.memory_space<vmem>> -> memref<32xi32, #tpu.memory_space<vmem>>
    %dma_wait3A_118 = arith.constant 0 : i32
    %dma_wait3A_119 = arith.constant 0 : i32
    %dma_wait3A_120 = tpu.memref_slice %arg6[%dma_wait3A_118, %dma_wait3A_119] : memref<10000x128xf32, #tpu.memory_space<vmem_shared>> -> memref<10000x128xf32, #tpu.memory_space<vmem_shared>>
    tpu.wait_indirect_dma semaphore(%arg19 : memref<!tpu.dma_semaphore, #tpu.memory_space<semaphore_mem>>) src(%dma_wait3A_120 : memref<10000x128xf32, #tpu.memory_space<vmem_shared>>) dst(%arg9 : memref<32x128xf32, #tpu.memory_space<vmem>>)
    %add3A_121 = arith.constant 0 : i32
    %add3A_122 = arith.addi %mul3A_2, %add3A_121 : i32
    %dma_start3A_123 = arith.constant 48 : i32
    %dma_start3A_124 = arith.constant 0 : i32
    %dma_start3A_125 = tpu.memref_slice %arg4[%dma_start3A_123, %add3A_122, %dma_start3A_124] : memref<50x4096x128xf32, #tpu.memory_space<hbm>> -> memref<1x32x128xf32, #tpu.memory_space<hbm>>
    %dma_start3A_126 = tpu.memref_squeeze %dma_start3A_125 : memref<1x32x128xf32, #tpu.memory_space<hbm>> -> memref<32x128xf32, #tpu.memory_space<hbm>>
    %dma_start3A_127 = arith.constant 0 : i32
    %dma_start3A_128 = tpu.memref_slice %arg4[%dma_start3A_123, %add3A_122, %dma_start3A_127] : memref<50x4096x128xf32, #tpu.memory_space<hbm>> -> memref<1x32x128xf32, #tpu.memory_space<hbm>>
    %dma_start3A_129 = tpu.memref_squeeze %dma_start3A_128 : memref<1x32x128xf32, #tpu.memory_space<hbm>> -> memref<32x128xf32, #tpu.memory_space<hbm>>
    tpu.enqueue_dma source(%arg9 : memref<32x128xf32, #tpu.memory_space<vmem>>) target(%dma_start3A_129 : memref<32x128xf32, #tpu.memory_space<hbm>>) target_semaphore(%arg29 : memref<!tpu.dma_semaphore, #tpu.memory_space<semaphore_mem>>)
    %dma_wait3A_130 = arith.constant 48 : i32
    %dma_wait3A_131 = arith.constant 32 : i32
    %dma_wait3A_132 = tpu.memref_slice %arg5[%dma_wait3A_130, %dma_wait3A_131] : memref<50x128xi32, #tpu.memory_space<vmem>> -> memref<1x32xi32, #tpu.memory_space<vmem>>
    %dma_wait3A_133 = tpu.memref_squeeze %dma_wait3A_132 : memref<1x32xi32, #tpu.memory_space<vmem>> -> memref<32xi32, #tpu.memory_space<vmem>>
    %dma_wait3A_134 = arith.constant 0 : i32
    %dma_wait3A_135 = arith.constant 0 : i32
    %dma_wait3A_136 = tpu.memref_slice %arg6[%dma_wait3A_134, %dma_wait3A_135] : memref<10000x128xf32, #tpu.memory_space<vmem_shared>> -> memref<10000x128xf32, #tpu.memory_space<vmem_shared>>
    tpu.wait_indirect_dma semaphore(%arg20 : memref<!tpu.dma_semaphore, #tpu.memory_space<semaphore_mem>>) src(%dma_wait3A_136 : memref<10000x128xf32, #tpu.memory_space<vmem_shared>>) dst(%arg10 : memref<32x128xf32, #tpu.memory_space<vmem>>)
    %add3A_137 = arith.constant 32 : i32
    %add3A_138 = arith.addi %mul3A_2, %add3A_137 : i32
    %dma_start3A_139 = arith.constant 48 : i32
    %dma_start3A_140 = arith.constant 0 : i32
    %dma_start3A_141 = tpu.memref_slice %arg4[%dma_start3A_139, %add3A_138, %dma_start3A_140] : memref<50x4096x128xf32, #tpu.memory_space<hbm>> -> memref<1x32x128xf32, #tpu.memory_space<hbm>>
    %dma_start3A_142 = tpu.memref_squeeze %dma_start3A_141 : memref<1x32x128xf32, #tpu.memory_space<hbm>> -> memref<32x128xf32, #tpu.memory_space<hbm>>
    %dma_start3A_143 = arith.constant 0 : i32
    %dma_start3A_144 = tpu.memref_slice %arg4[%dma_start3A_139, %add3A_138, %dma_start3A_143] : memref<50x4096x128xf32, #tpu.memory_space<hbm>> -> memref<1x32x128xf32, #tpu.memory_space<hbm>>
    %dma_start3A_145 = tpu.memref_squeeze %dma_start3A_144 : memref<1x32x128xf32, #tpu.memory_space<hbm>> -> memref<32x128xf32, #tpu.memory_space<hbm>>
    tpu.enqueue_dma source(%arg10 : memref<32x128xf32, #tpu.memory_space<vmem>>) target(%dma_start3A_145 : memref<32x128xf32, #tpu.memory_space<hbm>>) target_semaphore(%arg30 : memref<!tpu.dma_semaphore, #tpu.memory_space<semaphore_mem>>)
    %dma_wait3A_146 = arith.constant 48 : i32
    %dma_wait3A_147 = arith.constant 64 : i32
    %dma_wait3A_148 = tpu.memref_slice %arg5[%dma_wait3A_146, %dma_wait3A_147] : memref<50x128xi32, #tpu.memory_space<vmem>> -> memref<1x32xi32, #tpu.memory_space<vmem>>
    %dma_wait3A_149 = tpu.memref_squeeze %dma_wait3A_148 : memref<1x32xi32, #tpu.memory_space<vmem>> -> memref<32xi32, #tpu.memory_space<vmem>>
    %dma_wait3A_150 = arith.constant 0 : i32
    %dma_wait3A_151 = arith.constant 0 : i32
    %dma_wait3A_152 = tpu.memref_slice %arg6[%dma_wait3A_150, %dma_wait3A_151] : memref<10000x128xf32, #tpu.memory_space<vmem_shared>> -> memref<10000x128xf32, #tpu.memory_space<vmem_shared>>
    tpu.wait_indirect_dma semaphore(%arg21 : memref<!tpu.dma_semaphore, #tpu.memory_space<semaphore_mem>>) src(%dma_wait3A_152 : memref<10000x128xf32, #tpu.memory_space<vmem_shared>>) dst(%arg11 : memref<32x128xf32, #tpu.memory_space<vmem>>)
    %add3A_153 = arith.constant 64 : i32
    %add3A_154 = arith.addi %mul3A_2, %add3A_153 : i32
    %dma_start3A_155 = arith.constant 48 : i32
    %dma_start3A_156 = arith.constant 0 : i32
    %dma_start3A_157 = tpu.memref_slice %arg4[%dma_start3A_155, %add3A_154, %dma_start3A_156] : memref<50x4096x128xf32, #tpu.memory_space<hbm>> -> memref<1x32x128xf32, #tpu.memory_space<hbm>>
    %dma_start3A_158 = tpu.memref_squeeze %dma_start3A_157 : memref<1x32x128xf32, #tpu.memory_space<hbm>> -> memref<32x128xf32, #tpu.memory_space<hbm>>
    %dma_start3A_159 = arith.constant 0 : i32
    %dma_start3A_160 = tpu.memref_slice %arg4[%dma_start3A_155, %add3A_154, %dma_start3A_159] : memref<50x4096x128xf32, #tpu.memory_space<hbm>> -> memref<1x32x128xf32, #tpu.memory_space<hbm>>
    %dma_start3A_161 = tpu.memref_squeeze %dma_start3A_160 : memref<1x32x128xf32, #tpu.memory_space<hbm>> -> memref<32x128xf32, #tpu.memory_space<hbm>>
    tpu.enqueue_dma source(%arg11 : memref<32x128xf32, #tpu.memory_space<vmem>>) target(%dma_start3A_161 : memref<32x128xf32, #tpu.memory_space<hbm>>) target_semaphore(%arg31 : memref<!tpu.dma_semaphore, #tpu.memory_space<semaphore_mem>>)
    %dma_wait3A_162 = arith.constant 48 : i32
    %dma_wait3A_163 = arith.constant 96 : i32
    %dma_wait3A_164 = tpu.memref_slice %arg5[%dma_wait3A_162, %dma_wait3A_163] : memref<50x128xi32, #tpu.memory_space<vmem>> -> memref<1x32xi32, #tpu.memory_space<vmem>>
    %dma_wait3A_165 = tpu.memref_squeeze %dma_wait3A_164 : memref<1x32xi32, #tpu.memory_space<vmem>> -> memref<32xi32, #tpu.memory_space<vmem>>
    %dma_wait3A_166 = arith.constant 0 : i32
    %dma_wait3A_167 = arith.constant 0 : i32
    %dma_wait3A_168 = tpu.memref_slice %arg6[%dma_wait3A_166, %dma_wait3A_167] : memref<10000x128xf32, #tpu.memory_space<vmem_shared>> -> memref<10000x128xf32, #tpu.memory_space<vmem_shared>>
    tpu.wait_indirect_dma semaphore(%arg22 : memref<!tpu.dma_semaphore, #tpu.memory_space<semaphore_mem>>) src(%dma_wait3A_168 : memref<10000x128xf32, #tpu.memory_space<vmem_shared>>) dst(%arg12 : memref<32x128xf32, #tpu.memory_space<vmem>>)
    %add3A_169 = arith.constant 96 : i32
    %add3A_170 = arith.addi %mul3A_2, %add3A_169 : i32
    %dma_start3A_171 = arith.constant 48 : i32
    %dma_start3A_172 = arith.constant 0 : i32
    %dma_start3A_173 = tpu.memref_slice %arg4[%dma_start3A_171, %add3A_170, %dma_start3A_172] : memref<50x4096x128xf32, #tpu.memory_space<hbm>> -> memref<1x32x128xf32, #tpu.memory_space<hbm>>
    %dma_start3A_174 = tpu.memref_squeeze %dma_start3A_173 : memref<1x32x128xf32, #tpu.memory_space<hbm>> -> memref<32x128xf32, #tpu.memory_space<hbm>>
    %dma_start3A_175 = arith.constant 0 : i32
    %dma_start3A_176 = tpu.memref_slice %arg4[%dma_start3A_171, %add3A_170, %dma_start3A_175] : memref<50x4096x128xf32, #tpu.memory_space<hbm>> -> memref<1x32x128xf32, #tpu.memory_space<hbm>>
    %dma_start3A_177 = tpu.memref_squeeze %dma_start3A_176 : memref<1x32x128xf32, #tpu.memory_space<hbm>> -> memref<32x128xf32, #tpu.memory_space<hbm>>
    tpu.enqueue_dma source(%arg12 : memref<32x128xf32, #tpu.memory_space<vmem>>) target(%dma_start3A_177 : memref<32x128xf32, #tpu.memory_space<hbm>>) target_semaphore(%arg32 : memref<!tpu.dma_semaphore, #tpu.memory_space<semaphore_mem>>)
    %dma_wait3A_178 = arith.constant 49 : i32
    %dma_wait3A_179 = arith.constant 0 : i32
    %dma_wait3A_180 = tpu.memref_slice %arg5[%dma_wait3A_178, %dma_wait3A_179] : memref<50x128xi32, #tpu.memory_space<vmem>> -> memref<1x32xi32, #tpu.memory_space<vmem>>
    %dma_wait3A_181 = tpu.memref_squeeze %dma_wait3A_180 : memref<1x32xi32, #tpu.memory_space<vmem>> -> memref<32xi32, #tpu.memory_space<vmem>>
    %dma_wait3A_182 = arith.constant 0 : i32
    %dma_wait3A_183 = arith.constant 0 : i32
    %dma_wait3A_184 = tpu.memref_slice %arg6[%dma_wait3A_182, %dma_wait3A_183] : memref<10000x128xf32, #tpu.memory_space<vmem_shared>> -> memref<10000x128xf32, #tpu.memory_space<vmem_shared>>
    tpu.wait_indirect_dma semaphore(%arg23 : memref<!tpu.dma_semaphore, #tpu.memory_space<semaphore_mem>>) src(%dma_wait3A_184 : memref<10000x128xf32, #tpu.memory_space<vmem_shared>>) dst(%arg13 : memref<32x128xf32, #tpu.memory_space<vmem>>)
    %add3A_185 = arith.constant 0 : i32
    %add3A_186 = arith.addi %mul3A_2, %add3A_185 : i32
    %dma_start3A_187 = arith.constant 49 : i32
    %dma_start3A_188 = arith.constant 0 : i32
    %dma_start3A_189 = tpu.memref_slice %arg4[%dma_start3A_187, %add3A_186, %dma_start3A_188] : memref<50x4096x128xf32, #tpu.memory_space<hbm>> -> memref<1x32x128xf32, #tpu.memory_space<hbm>>
    %dma_start3A_190 = tpu.memref_squeeze %dma_start3A_189 : memref<1x32x128xf32, #tpu.memory_space<hbm>> -> memref<32x128xf32, #tpu.memory_space<hbm>>
    %dma_start3A_191 = arith.constant 0 : i32
    %dma_start3A_192 = tpu.memref_slice %arg4[%dma_start3A_187, %add3A_186, %dma_start3A_191] : memref<50x4096x128xf32, #tpu.memory_space<hbm>> -> memref<1x32x128xf32, #tpu.memory_space<hbm>>
    %dma_start3A_193 = tpu.memref_squeeze %dma_start3A_192 : memref<1x32x128xf32, #tpu.memory_space<hbm>> -> memref<32x128xf32, #tpu.memory_space<hbm>>
    tpu.enqueue_dma source(%arg13 : memref<32x128xf32, #tpu.memory_space<vmem>>) target(%dma_start3A_193 : memref<32x128xf32, #tpu.memory_space<hbm>>) target_semaphore(%arg33 : memref<!tpu.dma_semaphore, #tpu.memory_space<semaphore_mem>>)
    %dma_wait3A_194 = arith.constant 49 : i32
    %dma_wait3A_195 = arith.constant 32 : i32
    %dma_wait3A_196 = tpu.memref_slice %arg5[%dma_wait3A_194, %dma_wait3A_195] : memref<50x128xi32, #tpu.memory_space<vmem>> -> memref<1x32xi32, #tpu.memory_space<vmem>>
    %dma_wait3A_197 = tpu.memref_squeeze %dma_wait3A_196 : memref<1x32xi32, #tpu.memory_space<vmem>> -> memref<32xi32, #tpu.memory_space<vmem>>
    %dma_wait3A_198 = arith.constant 0 : i32
    %dma_wait3A_199 = arith.constant 0 : i32
    %dma_wait3A_200 = tpu.memref_slice %arg6[%dma_wait3A_198, %dma_wait3A_199] : memref<10000x128xf32, #tpu.memory_space<vmem_shared>> -> memref<10000x128xf32, #tpu.memory_space<vmem_shared>>
    tpu.wait_indirect_dma semaphore(%arg24 : memref<!tpu.dma_semaphore, #tpu.memory_space<semaphore_mem>>) src(%dma_wait3A_200 : memref<10000x128xf32, #tpu.memory_space<vmem_shared>>) dst(%arg14 : memref<32x128xf32, #tpu.memory_space<vmem>>)
    %add3A_201 = arith.constant 32 : i32
    %add3A_202 = arith.addi %mul3A_2, %add3A_201 : i32
    %dma_start3A_203 = arith.constant 49 : i32
    %dma_start3A_204 = arith.constant 0 : i32
    %dma_start3A_205 = tpu.memref_slice %arg4[%dma_start3A_203, %add3A_202, %dma_start3A_204] : memref<50x4096x128xf32, #tpu.memory_space<hbm>> -> memref<1x32x128xf32, #tpu.memory_space<hbm>>
    %dma_start3A_206 = tpu.memref_squeeze %dma_start3A_205 : memref<1x32x128xf32, #tpu.memory_space<hbm>> -> memref<32x128xf32, #tpu.memory_space<hbm>>
    %dma_start3A_207 = arith.constant 0 : i32
    %dma_start3A_208 = tpu.memref_slice %arg4[%dma_start3A_203, %add3A_202, %dma_start3A_207] : memref<50x4096x128xf32, #tpu.memory_space<hbm>> -> memref<1x32x128xf32, #tpu.memory_space<hbm>>
    %dma_start3A_209 = tpu.memref_squeeze %dma_start3A_208 : memref<1x32x128xf32, #tpu.memory_space<hbm>> -> memref<32x128xf32, #tpu.memory_space<hbm>>
    tpu.enqueue_dma source(%arg14 : memref<32x128xf32, #tpu.memory_space<vmem>>) target(%dma_start3A_209 : memref<32x128xf32, #tpu.memory_space<hbm>>) target_semaphore(%arg34 : memref<!tpu.dma_semaphore, #tpu.memory_space<semaphore_mem>>)
    %dma_wait3A_210 = arith.constant 49 : i32
    %dma_wait3A_211 = arith.constant 64 : i32
    %dma_wait3A_212 = tpu.memref_slice %arg5[%dma_wait3A_210, %dma_wait3A_211] : memref<50x128xi32, #tpu.memory_space<vmem>> -> memref<1x32xi32, #tpu.memory_space<vmem>>
    %dma_wait3A_213 = tpu.memref_squeeze %dma_wait3A_212 : memref<1x32xi32, #tpu.memory_space<vmem>> -> memref<32xi32, #tpu.memory_space<vmem>>
    %dma_wait3A_214 = arith.constant 0 : i32
    %dma_wait3A_215 = arith.constant 0 : i32
    %dma_wait3A_216 = tpu.memref_slice %arg6[%dma_wait3A_214, %dma_wait3A_215] : memref<10000x128xf32, #tpu.memory_space<vmem_shared>> -> memref<10000x128xf32, #tpu.memory_space<vmem_shared>>
    tpu.wait_indirect_dma semaphore(%arg25 : memref<!tpu.dma_semaphore, #tpu.memory_space<semaphore_mem>>) src(%dma_wait3A_216 : memref<10000x128xf32, #tpu.memory_space<vmem_shared>>) dst(%arg15 : memref<32x128xf32, #tpu.memory_space<vmem>>)
    %add3A_217 = arith.constant 64 : i32
    %add3A_218 = arith.addi %mul3A_2, %add3A_217 : i32
    %dma_start3A_219 = arith.constant 49 : i32
    %dma_start3A_220 = arith.constant 0 : i32
    %dma_start3A_221 = tpu.memref_slice %arg4[%dma_start3A_219, %add3A_218, %dma_start3A_220] : memref<50x4096x128xf32, #tpu.memory_space<hbm>> -> memref<1x32x128xf32, #tpu.memory_space<hbm>>
    %dma_start3A_222 = tpu.memref_squeeze %dma_start3A_221 : memref<1x32x128xf32, #tpu.memory_space<hbm>> -> memref<32x128xf32, #tpu.memory_space<hbm>>
    %dma_start3A_223 = arith.constant 0 : i32
    %dma_start3A_224 = tpu.memref_slice %arg4[%dma_start3A_219, %add3A_218, %dma_start3A_223] : memref<50x4096x128xf32, #tpu.memory_space<hbm>> -> memref<1x32x128xf32, #tpu.memory_space<hbm>>
    %dma_start3A_225 = tpu.memref_squeeze %dma_start3A_224 : memref<1x32x128xf32, #tpu.memory_space<hbm>> -> memref<32x128xf32, #tpu.memory_space<hbm>>
    tpu.enqueue_dma source(%arg15 : memref<32x128xf32, #tpu.memory_space<vmem>>) target(%dma_start3A_225 : memref<32x128xf32, #tpu.memory_space<hbm>>) target_semaphore(%arg35 : memref<!tpu.dma_semaphore, #tpu.memory_space<semaphore_mem>>)
    %dma_wait3A_226 = arith.constant 49 : i32
    %dma_wait3A_227 = arith.constant 96 : i32
    %dma_wait3A_228 = tpu.memref_slice %arg5[%dma_wait3A_226, %dma_wait3A_227] : memref<50x128xi32, #tpu.memory_space<vmem>> -> memref<1x32xi32, #tpu.memory_space<vmem>>
    %dma_wait3A_229 = tpu.memref_squeeze %dma_wait3A_228 : memref<1x32xi32, #tpu.memory_space<vmem>> -> memref<32xi32, #tpu.memory_space<vmem>>
    %dma_wait3A_230 = arith.constant 0 : i32
    %dma_wait3A_231 = arith.constant 0 : i32
    %dma_wait3A_232 = tpu.memref_slice %arg6[%dma_wait3A_230, %dma_wait3A_231] : memref<10000x128xf32, #tpu.memory_space<vmem_shared>> -> memref<10000x128xf32, #tpu.memory_space<vmem_shared>>
    tpu.wait_indirect_dma semaphore(%arg26 : memref<!tpu.dma_semaphore, #tpu.memory_space<semaphore_mem>>) src(%dma_wait3A_232 : memref<10000x128xf32, #tpu.memory_space<vmem_shared>>) dst(%arg16 : memref<32x128xf32, #tpu.memory_space<vmem>>)
    %add3A_233 = arith.constant 96 : i32
    %add3A_234 = arith.addi %mul3A_2, %add3A_233 : i32
    %dma_start3A_235 = arith.constant 49 : i32
    %dma_start3A_236 = arith.constant 0 : i32
    %dma_start3A_237 = tpu.memref_slice %arg4[%dma_start3A_235, %add3A_234, %dma_start3A_236] : memref<50x4096x128xf32, #tpu.memory_space<hbm>> -> memref<1x32x128xf32, #tpu.memory_space<hbm>>
    %dma_start3A_238 = tpu.memref_squeeze %dma_start3A_237 : memref<1x32x128xf32, #tpu.memory_space<hbm>> -> memref<32x128xf32, #tpu.memory_space<hbm>>
    %dma_start3A_239 = arith.constant 0 : i32
    %dma_start3A_240 = tpu.memref_slice %arg4[%dma_start3A_235, %add3A_234, %dma_start3A_239] : memref<50x4096x128xf32, #tpu.memory_space<hbm>> -> memref<1x32x128xf32, #tpu.memory_space<hbm>>
    %dma_start3A_241 = tpu.memref_squeeze %dma_start3A_240 : memref<1x32x128xf32, #tpu.memory_space<hbm>> -> memref<32x128xf32, #tpu.memory_space<hbm>>
    tpu.enqueue_dma source(%arg16 : memref<32x128xf32, #tpu.memory_space<vmem>>) target(%dma_start3A_241 : memref<32x128xf32, #tpu.memory_space<hbm>>) target_semaphore(%arg36 : memref<!tpu.dma_semaphore, #tpu.memory_space<semaphore_mem>>)
    %add3A_242 = arith.constant 64 : i32
    %add3A_243 = arith.addi %mul3A_2, %add3A_242 : i32
    %dma_wait3A_244 = arith.constant 47 : i32
    %dma_wait3A_245 = arith.constant 0 : i32
    %dma_wait3A_246 = tpu.memref_slice %arg4[%dma_wait3A_244, %add3A_243, %dma_wait3A_245] : memref<50x4096x128xf32, #tpu.memory_space<hbm>> -> memref<1x32x128xf32, #tpu.memory_space<hbm>>
    %dma_wait3A_247 = tpu.memref_squeeze %dma_wait3A_246 : memref<1x32x128xf32, #tpu.memory_space<hbm>> -> memref<32x128xf32, #tpu.memory_space<hbm>>
    %dma_wait3A_248 = arith.constant 0 : i32
    %dma_wait3A_249 = tpu.memref_slice %arg4[%dma_wait3A_244, %add3A_243, %dma_wait3A_248] : memref<50x4096x128xf32, #tpu.memory_space<hbm>> -> memref<1x32x128xf32, #tpu.memory_space<hbm>>
    %dma_wait3A_250 = tpu.memref_squeeze %dma_wait3A_249 : memref<1x32x128xf32, #tpu.memory_space<hbm>> -> memref<32x128xf32, #tpu.memory_space<hbm>>
    tpu.wait_dma2 semaphore(%arg27 : memref<!tpu.dma_semaphore, #tpu.memory_space<semaphore_mem>>) src(%arg7 : memref<32x128xf32, #tpu.memory_space<vmem>>) dst(%dma_wait3A_250 : memref<32x128xf32, #tpu.memory_space<hbm>>)
    %add3A_251 = arith.constant 96 : i32
    %add3A_252 = arith.addi %mul3A_2, %add3A_251 : i32
    %dma_wait3A_253 = arith.constant 47 : i32
    %dma_wait3A_254 = arith.constant 0 : i32
    %dma_wait3A_255 = tpu.memref_slice %arg4[%dma_wait3A_253, %add3A_252, %dma_wait3A_254] : memref<50x4096x128xf32, #tpu.memory_space<hbm>> -> memref<1x32x128xf32, #tpu.memory_space<hbm>>
    %dma_wait3A_256 = tpu.memref_squeeze %dma_wait3A_255 : memref<1x32x128xf32, #tpu.memory_space<hbm>> -> memref<32x128xf32, #tpu.memory_space<hbm>>
    %dma_wait3A_257 = arith.constant 0 : i32
    %dma_wait3A_258 = tpu.memref_slice %arg4[%dma_wait3A_253, %add3A_252, %dma_wait3A_257] : memref<50x4096x128xf32, #tpu.memory_space<hbm>> -> memref<1x32x128xf32, #tpu.memory_space<hbm>>
    %dma_wait3A_259 = tpu.memref_squeeze %dma_wait3A_258 : memref<1x32x128xf32, #tpu.memory_space<hbm>> -> memref<32x128xf32, #tpu.memory_space<hbm>>
    tpu.wait_dma2 semaphore(%arg28 : memref<!tpu.dma_semaphore, #tpu.memory_space<semaphore_mem>>) src(%arg8 : memref<32x128xf32, #tpu.memory_space<vmem>>) dst(%dma_wait3A_259 : memref<32x128xf32, #tpu.memory_space<hbm>>)
    %add3A_260 = arith.constant 0 : i32
    %add3A_261 = arith.addi %mul3A_2, %add3A_260 : i32
    %dma_wait3A_262 = arith.constant 48 : i32
    %dma_wait3A_263 = arith.constant 0 : i32
    %dma_wait3A_264 = tpu.memref_slice %arg4[%dma_wait3A_262, %add3A_261, %dma_wait3A_263] : memref<50x4096x128xf32, #tpu.memory_space<hbm>> -> memref<1x32x128xf32, #tpu.memory_space<hbm>>
    %dma_wait3A_265 = tpu.memref_squeeze %dma_wait3A_264 : memref<1x32x128xf32, #tpu.memory_space<hbm>> -> memref<32x128xf32, #tpu.memory_space<hbm>>
    %dma_wait3A_266 = arith.constant 0 : i32
    %dma_wait3A_267 = tpu.memref_slice %arg4[%dma_wait3A_262, %add3A_261, %dma_wait3A_266] : memref<50x4096x128xf32, #tpu.memory_space<hbm>> -> memref<1x32x128xf32, #tpu.memory_space<hbm>>
    %dma_wait3A_268 = tpu.memref_squeeze %dma_wait3A_267 : memref<1x32x128xf32, #tpu.memory_space<hbm>> -> memref<32x128xf32, #tpu.memory_space<hbm>>
    tpu.wait_dma2 semaphore(%arg29 : memref<!tpu.dma_semaphore, #tpu.memory_space<semaphore_mem>>) src(%arg9 : memref<32x128xf32, #tpu.memory_space<vmem>>) dst(%dma_wait3A_268 : memref<32x128xf32, #tpu.memory_space<hbm>>)
    %add3A_269 = arith.constant 32 : i32
    %add3A_270 = arith.addi %mul3A_2, %add3A_269 : i32
    %dma_wait3A_271 = arith.constant 48 : i32
    %dma_wait3A_272 = arith.constant 0 : i32
    %dma_wait3A_273 = tpu.memref_slice %arg4[%dma_wait3A_271, %add3A_270, %dma_wait3A_272] : memref<50x4096x128xf32, #tpu.memory_space<hbm>> -> memref<1x32x128xf32, #tpu.memory_space<hbm>>
    %dma_wait3A_274 = tpu.memref_squeeze %dma_wait3A_273 : memref<1x32x128xf32, #tpu.memory_space<hbm>> -> memref<32x128xf32, #tpu.memory_space<hbm>>
    %dma_wait3A_275 = arith.constant 0 : i32
    %dma_wait3A_276 = tpu.memref_slice %arg4[%dma_wait3A_271, %add3A_270, %dma_wait3A_275] : memref<50x4096x128xf32, #tpu.memory_space<hbm>> -> memref<1x32x128xf32, #tpu.memory_space<hbm>>
    %dma_wait3A_277 = tpu.memref_squeeze %dma_wait3A_276 : memref<1x32x128xf32, #tpu.memory_space<hbm>> -> memref<32x128xf32, #tpu.memory_space<hbm>>
    tpu.wait_dma2 semaphore(%arg30 : memref<!tpu.dma_semaphore, #tpu.memory_space<semaphore_mem>>) src(%arg10 : memref<32x128xf32, #tpu.memory_space<vmem>>) dst(%dma_wait3A_277 : memref<32x128xf32, #tpu.memory_space<hbm>>)
    %add3A_278 = arith.constant 64 : i32
    %add3A_279 = arith.addi %mul3A_2, %add3A_278 : i32
    %dma_wait3A_280 = arith.constant 48 : i32
    %dma_wait3A_281 = arith.constant 0 : i32
    %dma_wait3A_282 = tpu.memref_slice %arg4[%dma_wait3A_280, %add3A_279, %dma_wait3A_281] : memref<50x4096x128xf32, #tpu.memory_space<hbm>> -> memref<1x32x128xf32, #tpu.memory_space<hbm>>
    %dma_wait3A_283 = tpu.memref_squeeze %dma_wait3A_282 : memref<1x32x128xf32, #tpu.memory_space<hbm>> -> memref<32x128xf32, #tpu.memory_space<hbm>>
    %dma_wait3A_284 = arith.constant 0 : i32
    %dma_wait3A_285 = tpu.memref_slice %arg4[%dma_wait3A_280, %add3A_279, %dma_wait3A_284] : memref<50x4096x128xf32, #tpu.memory_space<hbm>> -> memref<1x32x128xf32, #tpu.memory_space<hbm>>
    %dma_wait3A_286 = tpu.memref_squeeze %dma_wait3A_285 : memref<1x32x128xf32, #tpu.memory_space<hbm>> -> memref<32x128xf32, #tpu.memory_space<hbm>>
    tpu.wait_dma2 semaphore(%arg31 : memref<!tpu.dma_semaphore, #tpu.memory_space<semaphore_mem>>) src(%arg11 : memref<32x128xf32, #tpu.memory_space<vmem>>) dst(%dma_wait3A_286 : memref<32x128xf32, #tpu.memory_space<hbm>>)
    %add3A_287 = arith.constant 96 : i32
    %add3A_288 = arith.addi %mul3A_2, %add3A_287 : i32
    %dma_wait3A_289 = arith.constant 48 : i32
    %dma_wait3A_290 = arith.constant 0 : i32
    %dma_wait3A_291 = tpu.memref_slice %arg4[%dma_wait3A_289, %add3A_288, %dma_wait3A_290] : memref<50x4096x128xf32, #tpu.memory_space<hbm>> -> memref<1x32x128xf32, #tpu.memory_space<hbm>>
    %dma_wait3A_292 = tpu.memref_squeeze %dma_wait3A_291 : memref<1x32x128xf32, #tpu.memory_space<hbm>> -> memref<32x128xf32, #tpu.memory_space<hbm>>
    %dma_wait3A_293 = arith.constant 0 : i32
    %dma_wait3A_294 = tpu.memref_slice %arg4[%dma_wait3A_289, %add3A_288, %dma_wait3A_293] : memref<50x4096x128xf32, #tpu.memory_space<hbm>> -> memref<1x32x128xf32, #tpu.memory_space<hbm>>
    %dma_wait3A_295 = tpu.memref_squeeze %dma_wait3A_294 : memref<1x32x128xf32, #tpu.memory_space<hbm>> -> memref<32x128xf32, #tpu.memory_space<hbm>>
    tpu.wait_dma2 semaphore(%arg32 : memref<!tpu.dma_semaphore, #tpu.memory_space<semaphore_mem>>) src(%arg12 : memref<32x128xf32, #tpu.memory_space<vmem>>) dst(%dma_wait3A_295 : memref<32x128xf32, #tpu.memory_space<hbm>>)
    %add3A_296 = arith.constant 0 : i32
    %add3A_297 = arith.addi %mul3A_2, %add3A_296 : i32
    %dma_wait3A_298 = arith.constant 49 : i32
    %dma_wait3A_299 = arith.constant 0 : i32
    %dma_wait3A_300 = tpu.memref_slice %arg4[%dma_wait3A_298, %add3A_297, %dma_wait3A_299] : memref<50x4096x128xf32, #tpu.memory_space<hbm>> -> memref<1x32x128xf32, #tpu.memory_space<hbm>>
    %dma_wait3A_301 = tpu.memref_squeeze %dma_wait3A_300 : memref<1x32x128xf32, #tpu.memory_space<hbm>> -> memref<32x128xf32, #tpu.memory_space<hbm>>
    %dma_wait3A_302 = arith.constant 0 : i32
    %dma_wait3A_303 = tpu.memref_slice %arg4[%dma_wait3A_298, %add3A_297, %dma_wait3A_302] : memref<50x4096x128xf32, #tpu.memory_space<hbm>> -> memref<1x32x128xf32, #tpu.memory_space<hbm>>
    %dma_wait3A_304 = tpu.memref_squeeze %dma_wait3A_303 : memref<1x32x128xf32, #tpu.memory_space<hbm>> -> memref<32x128xf32, #tpu.memory_space<hbm>>
    tpu.wait_dma2 semaphore(%arg33 : memref<!tpu.dma_semaphore, #tpu.memory_space<semaphore_mem>>) src(%arg13 : memref<32x128xf32, #tpu.memory_space<vmem>>) dst(%dma_wait3A_304 : memref<32x128xf32, #tpu.memory_space<hbm>>)
    %add3A_305 = arith.constant 32 : i32
    %add3A_306 = arith.addi %mul3A_2, %add3A_305 : i32
    %dma_wait3A_307 = arith.constant 49 : i32
    %dma_wait3A_308 = arith.constant 0 : i32
    %dma_wait3A_309 = tpu.memref_slice %arg4[%dma_wait3A_307, %add3A_306, %dma_wait3A_308] : memref<50x4096x128xf32, #tpu.memory_space<hbm>> -> memref<1x32x128xf32, #tpu.memory_space<hbm>>
    %dma_wait3A_310 = tpu.memref_squeeze %dma_wait3A_309 : memref<1x32x128xf32, #tpu.memory_space<hbm>> -> memref<32x128xf32, #tpu.memory_space<hbm>>
    %dma_wait3A_311 = arith.constant 0 : i32
    %dma_wait3A_312 = tpu.memref_slice %arg4[%dma_wait3A_307, %add3A_306, %dma_wait3A_311] : memref<50x4096x128xf32, #tpu.memory_space<hbm>> -> memref<1x32x128xf32, #tpu.memory_space<hbm>>
    %dma_wait3A_313 = tpu.memref_squeeze %dma_wait3A_312 : memref<1x32x128xf32, #tpu.memory_space<hbm>> -> memref<32x128xf32, #tpu.memory_space<hbm>>
    tpu.wait_dma2 semaphore(%arg34 : memref<!tpu.dma_semaphore, #tpu.memory_space<semaphore_mem>>) src(%arg14 : memref<32x128xf32, #tpu.memory_space<vmem>>) dst(%dma_wait3A_313 : memref<32x128xf32, #tpu.memory_space<hbm>>)
    %add3A_314 = arith.constant 64 : i32
    %add3A_315 = arith.addi %mul3A_2, %add3A_314 : i32
    %dma_wait3A_316 = arith.constant 49 : i32
    %dma_wait3A_317 = arith.constant 0 : i32
    %dma_wait3A_318 = tpu.memref_slice %arg4[%dma_wait3A_316, %add3A_315, %dma_wait3A_317] : memref<50x4096x128xf32, #tpu.memory_space<hbm>> -> memref<1x32x128xf32, #tpu.memory_space<hbm>>
    %dma_wait3A_319 = tpu.memref_squeeze %dma_wait3A_318 : memref<1x32x128xf32, #tpu.memory_space<hbm>> -> memref<32x128xf32, #tpu.memory_space<hbm>>
    %dma_wait3A_320 = arith.constant 0 : i32
    %dma_wait3A_321 = tpu.memref_slice %arg4[%dma_wait3A_316, %add3A_315, %dma_wait3A_320] : memref<50x4096x128xf32, #tpu.memory_space<hbm>> -> memref<1x32x128xf32, #tpu.memory_space<hbm>>
    %dma_wait3A_322 = tpu.memref_squeeze %dma_wait3A_321 : memref<1x32x128xf32, #tpu.memory_space<hbm>> -> memref<32x128xf32, #tpu.memory_space<hbm>>
    tpu.wait_dma2 semaphore(%arg35 : memref<!tpu.dma_semaphore, #tpu.memory_space<semaphore_mem>>) src(%arg15 : memref<32x128xf32, #tpu.memory_space<vmem>>) dst(%dma_wait3A_322 : memref<32x128xf32, #tpu.memory_space<hbm>>)
    %add3A_323 = arith.constant 96 : i32
    %add3A_324 = arith.addi %mul3A_2, %add3A_323 : i32
    %dma_wait3A_325 = arith.constant 49 : i32
    %dma_wait3A_326 = arith.constant 0 : i32
    %dma_wait3A_327 = tpu.memref_slice %arg4[%dma_wait3A_325, %add3A_324, %dma_wait3A_326] : memref<50x4096x128xf32, #tpu.memory_space<hbm>> -> memref<1x32x128xf32, #tpu.memory_space<hbm>>
    %dma_wait3A_328 = tpu.memref_squeeze %dma_wait3A_327 : memref<1x32x128xf32, #tpu.memory_space<hbm>> -> memref<32x128xf32, #tpu.memory_space<hbm>>
    %dma_wait3A_329 = arith.constant 0 : i32
    %dma_wait3A_330 = tpu.memref_slice %arg4[%dma_wait3A_325, %add3A_324, %dma_wait3A_329] : memref<50x4096x128xf32, #tpu.memory_space<hbm>> -> memref<1x32x128xf32, #tpu.memory_space<hbm>>
    %dma_wait3A_331 = tpu.memref_squeeze %dma_wait3A_330 : memref<1x32x128xf32, #tpu.memory_space<hbm>> -> memref<32x128xf32, #tpu.memory_space<hbm>>
    tpu.wait_dma2 semaphore(%arg36 : memref<!tpu.dma_semaphore, #tpu.memory_space<semaphore_mem>>) src(%arg16 : memref<32x128xf32, #tpu.memory_space<vmem>>) dst(%dma_wait3A_331 : memref<32x128xf32, #tpu.memory_space<hbm>>)
    return
  }
}

</mosaic_0001>

<sc_bundles>
// kernel: kernel.3.cloned.1.call-start
scs
__scs_entry_jumppad:
0x0: {  	(pc) =	sbr.rel $0x88, $3  }
0x1: {  	(tag) =	ssettag $0x0;
	lr =	simm.s32 $0x1  }
0x2: {  	[smem:$0x3F9F] =	sst lr;
	_ =	strace $0xD0000000  }
0x3: {  	_ = 	snop  }
0x4: {  	_ = 	snop  }
0x5: {  	_ = 	snop  }
0x6: {  	_ = 	snop  }
0x7: {  	_ = 	snop  }
__scs_overlays_trampoline_lowered:
0x8: {  	[smem:$0x3FAE] =	sst s0  }
0x9: {  	[smem:$0x3FAF] =	sst s1  }
0xa: {  	[smem:$0x3FB0] =	sst s2  }
0xb: {  	[smem:$0x3FB1] =	sst s3  }
0xc: {  	[smem:$0x3FB2] =	sst s4  }
0xd: {  	[smem:$0x3FB3] =	sst s5  }
0xe: {  	[smem:$0x3FB4] =	sst s6  }
0xf: {  	[smem:$0x3FB5] =	sst s7  }
0x10: {  	[smem:$0x3FB6] =	sst s8  }
0x11: {  	[smem:$0x3FB7] =	sst s9;
	s0 =	simm.s32 @!p0 $0x0  }
0x12: {  	s1 =	sld [smem:$0x3F9D];
	s0 =	simm.s32 @p0 $0x1  }
0x13: {  	[smem:$0x3FB8] =	sst s0;
	s0 =	simm.s32 @!p1 $0x0  }
0x14: {  	s2 =	sld [smem:$0x3F9C];
	s0 =	simm.s32 @p1 $0x1  }
0x15: {  	[smem:$0x3FB9] =	sst s0;
	s0 =	simm.s32 @!p2 $0x0  }
0x16: {  	s3 =	sld [smem:$0x3FDB];
	s0 =	simm.s32 @p2 $0x1  }
0x17: {  	s4 =	simm.s32 $0x1BF5;
	[smem:$0x3FBB] =	sst s0  }
0x18: {  	s0 =	sld [smem:$0x3F9E];
	_ =	swait.ge [sflag:s4], $0x0  }
0x19: {  	s7 =	sld [smem:$0x3F9F]  }
0x1a: {  	s8 =	sadd.s32 $0xFFFFE003, lr  }
0x1b: {  	s9 =	sadd.s32 $0xFFFFFEF7, lr;
	s5 =	simm.s32 $0xFFFFFFFF;
	p2 =	slt.u32 s8, $0xFFFFF086  }
0x1c: {  	p1 =	slt.u32 s9, $0xF7A;
	s5 =	simm.s32 @!p2 $0x0  }
0x1d: {  	s5 =	simm.s32 @p1 $0x1;
	p0 =	seq.s32 s7, s2  }
0x1e: {  	s7 =	smul.u32 @!p0 $0xF7A, s2;
	p2 =	seq.s32 @!p0 s5, $0x0  }
0x1f: {  	s9 =	smul.u32 $0xF7A, s1;
	s8 =	simm.s32 @!p0 $0x1BF5;
	p2 =	por !p2, p0  }
0x20: {  	[sflag:s8] =	ssyncset.s32 @!p0 $0xFFFFF086;
	s6 =	sadd.s32 @!p0 s3, s7;
	s7 =	simm.s32 @!p0 $0x108  }
0x21: {  	s3 =	sadd.s32 s3, s9;
	s6 =	sadd.s32 @!p0 $0x88, s6;
	s7 =	simm.s32 @p2 $0x1082  }
0x22: {  	[simem:s7], [sflag:s8] =	dma.local @!p0 [hbm:s6], $0xF7A  }
0x23: {  	s9 =	sor.u32 $0xD0000000, s2;
	s6 =	simm.s32 $0x108;
	_ =	swait.ge @!p0 [sflag:s8], $0x0  }
0x24: {  	s3 =	sadd.s32 $0x88, s3;
	s6 =	simm.s32 @!p1 $0x1082;
	[sflag:s4] =	ssyncset.s32 $0xFFFFF086  }
0x25: {  	[simem:s6], [sflag:s4] =	dma.local [hbm:s3], $0xF7A  }
0x26: {  	[smem:$0x3F9F] =	sst s1;
	(tag) =	ssettag s2;
	_ =	strace s9  }
0x27: {  	s1 =	sld [smem:$0x3FAF]  }
0x28: {  	s2 =	sld [smem:$0x3FB0]  }
0x29: {  	s4 =	sld [smem:$0x3FB2]  }
0x2a: {  	p0 =	seq.s32 s5, $0x0;
	s5 =	sld [smem:$0x3FB3]  }
0x2b: {  	s6 =	sld [smem:$0x3FB4]  }
0x2c: {  	s7 =	sld [smem:$0x3FB5]  }
0x2d: {  	s3 =	simm.s32 $0x108;
	s8 =	sld [smem:$0x3FB6]  }
0x2e: {  	s3 =	simm.s32 @!p0 $0x1082;
	s9 =	sld [smem:$0x3FB7]  }
0x2f: {  	lr =	sadd.s32 s0, s3;
	s0 =	sld [smem:$0x3FAE]  }
0x30: {  	s3 =	sld [smem:$0x3FB1]  }
0x31: {  	[smem:$0x3FBA] =	sst s10  }
0x32: {  	s10 =	sld [smem:$0x3FB8];
	_ =	sdelay $0x3  }
0x33: {  	p0 =	seq.s32 s10, $0x1;
	s10 =	sld [smem:$0x3FBA];
	_ =	sdelay $0x3  }
0x34: {  	[smem:$0x3FBA] =	sst s10  }
0x35: {  	s10 =	sld [smem:$0x3FB9];
	_ =	sdelay $0x3  }
0x36: {  	p1 =	seq.s32 s10, $0x1;
	s10 =	sld [smem:$0x3FBA];
	_ =	sdelay $0x3  }
0x37: {  	[smem:$0x3FBA] =	sst s10  }
0x38: {  	s10 =	sld [smem:$0x3FBB]  }
0x39: {  	_ = 	snop;
	(pc) =	sbr.ind lr, $3  }
0x3a: {  	_ = 	snop  }
0x3b: {  	_ = 	snop  }
0x3c: {  	p2 =	seq.s32 s10, $0x1;
	s10 =	sld [smem:$0x3FBA]  }
0x3d: {  	_ =	shalt  }
0x3e: {  	_ =	shalt  }
0x3f: {  	_ =	shalt  }
0x40: {  	_ =	shalt  }
0x41: {  	_ =	shalt  }
0x42: {  	_ =	shalt  }
0x43: {  	_ =	shalt  }
0x44: {  	_ =	shalt  }
0x45: {  	_ =	shalt  }
0x46: {  	_ =	shalt  }
0x47: {  	_ =	shalt  }
0x48: {  	_ =	shalt  }
0x49: {  	_ =	shalt  }
0x4a: {  	_ =	shalt  }
0x4b: {  	_ =	shalt  }
0x4c: {  	_ =	shalt  }
0x4d: {  	_ =	shalt  }
0x4e: {  	_ =	shalt  }
0x4f: {  	_ =	shalt  }
0x50: {  	_ =	shalt  }
0x51: {  	_ =	shalt  }
0x52: {  	_ =	shalt  }
0x53: {  	_ =	shalt  }
0x54: {  	_ =	shalt  }
0x55: {  	_ =	shalt  }
0x56: {  	_ =	shalt  }
0x57: {  	_ =	shalt  }
0x58: {  	_ =	shalt  }
0x59: {  	_ =	shalt  }
0x5a: {  	_ =	shalt  }
0x5b: {  	_ =	shalt  }
0x5c: {  	_ =	shalt  }
0x5d: {  	_ =	shalt  }
0x5e: {  	_ =	shalt  }
0x5f: {  	_ =	shalt  }
0x60: {  	_ =	shalt  }
0x61: {  	_ =	shalt  }
0x62: {  	_ =	shalt  }
0x63: {  	_ =	shalt  }
0x64: {  	_ =	shalt  }
0x65: {  	_ =	shalt  }
0x66: {  	_ =	shalt  }
0x67: {  	_ =	shalt  }
0x68: {  	_ =	shalt  }
0x69: {  	_ =	shalt  }
0x6a: {  	_ =	shalt  }
0x6b: {  	_ =	shalt  }
0x6c: {  	_ =	shalt  }
0x6d: {  	_ =	shalt  }
0x6e: {  	_ =	shalt  }
0x6f: {  	_ =	shalt  }
0x70: {  	_ =	shalt  }
0x71: {  	_ =	shalt  }
0x72: {  	_ =	shalt  }
0x73: {  	_ =	shalt  }
0x74: {  	_ =	shalt  }
0x75: {  	_ =	shalt  }
0x76: {  	_ =	shalt  }
0x77: {  	_ =	shalt  }
0x78: {  	_ =	shalt  }
0x79: {  	_ =	shalt  }
0x7a: {  	_ =	shalt  }
0x7b: {  	_ =	shalt  }
0x7c: {  	_ =	shalt  }
0x7d: {  	_ =	shalt  }
0x7e: {  	_ =	shalt  }
0x7f: {  	_ =	shalt  }
0x80: {  	_ =	shalt  }
0x81: {  	_ =	shalt  }
0x82: {  	_ =	shalt  }
0x83: {  	_ =	shalt  }
0x84: {  	_ =	shalt  }
0x85: {  	_ =	shalt  }
0x86: {  	_ =	shalt  }
0x87: {  	_ =	shalt  }
.Lfunc_end0:
.L_simem_size_0:
called_computation_lowered:
.L_overlay_start_0:
0x88: {  	s2 =	sld [smem:$0x3FD9]  }
0x89: {  	s3 =	sld [smem:$0x3FFE];
	_ =	sdelay $0x1  }
0x8a: {  	s1 =	srdreg.scid  }
0x8b: {  	s0 =	sand.u32 $0x1, s1  }
0x8c: {  	s18 =	sshll.u32 s0, $0xA;
	s2 =	sadd.s32 s3, s2  }
0x8d: {  	s2 =	sadd.s32 s2, s18  }
0x8e: {  	[smem:$0x3FC6] =	sst s2  }
0x8f: {  	_ = 	snop  }
0x90: {  	s2 =	sld [smem:$0x3FC9]  }
0x91: {  	s19 =	sld [smem:$0x3FC8]  }
0x92: {  	s4 =	sld [smem:$0x3FD0];
	(tm) =	ssettm $0x1  }
0x93: {  	s5 =	sld [smem:$0x3FFB];
	_ =	sdelay $0x3  }
0x94: {  	_ =	strace s5  }
0x95: {  	s5 =	sld [smem:$0x3FFC];
	_ =	sdelay $0x3  }
0x96: {  	_ =	strace s5  }
0x97: {  	s5 =	sld [smem:$0x3FFD];
	_ =	sdelay $0x3  }
0x98: {  	_ =	strace s5  }
0x99: {  	_ =	strace $0x8FFFFFFF  }
0x9a: {  	s20 =	sld [smem:$0x3FDB];
	_ =	sdelay $0x1  }
0x9b: {  	s6 =	simm.s32 $_scs_section_size  }
0x9c: {  	s7 =	simm.s32 $_size__tile_overlayer_lowered;
	s8 =	simm.s32 $_tile_overlayer_lowered  }
0x9d: {  	s23 =	simm.s32 $0x1BFF;
	s22 =	sshll.u32 s8, $0x1;
	s5 =	sadd.s32 s6, s20  }
0x9e: {  	s9 =	simm.s32 $0x0;
	s21 =	sshll.u32 s7, $0x1;
	s7 =	sadd.s32 s22, s5  }
0x9f: {  	[timem:s9], [sflag:s23] =	dma.local [hbm:s7], s21  }
0xa0: {  	_ =	swait.ge [sflag:s23], s21  }
0xa1: {  	s6 =	ssub.s32 $0x0, s21;
	[sflag:s23] =	ssyncset.done $0x0  }
0xa2: {  	[sflag:s23] =	ssyncadd.s32 s6;
	_ =	sdelay $0x1  }
0xa3: {  	s24 =	simm.s32 $0x1B8B  }
0xa4: {  	_ =	swait.ge [sflag:s24], $0x1  }
0xa5: {  	[sflag:s24] =	ssyncset.done $0x0  }
0xa6: {  	s25 =	simm.s32 $0x1B8E;
	[sflag:s24] =	ssyncadd.s32 $0xFFFFFFFF  }
0xa7: {  	s26 =	simm.s32 $execute0_lowered;
	[smem:$0x3FD2] =	sst s25  }
0xa8: {  	s6 =	sshll.u32 s26, $0x1;
	_ =	strace $0x80000046;
	[dreg:$0x1] =	wrdreg $0xFFFFFFFF  }
0xa9: {  	s28 =	simm.s32 $_size_execute0_lowered;
	s5 =	sadd.s32 s5, s6;
	[dreg:$0x0] =	wrdreg $0x0  }
0xaa: {  	s6 =	sshll.u32 s28, $0x1;
	[dreg:$0x2] =	wrdreg s5  }
0xab: {  	[dreg:$0x3] =	wrdreg s6  }
0xac: {  	[dreg:$0x4] =	wrdreg $0xC0  }
0xad: {  	_ =	task [dreg:s9], $0x5FFFF  }
0xae: {  	[dreg:$0x1] =	wrdreg $0xFFFFFFFF  }
0xaf: {  	[dreg:$0x0] =	wrdreg $0x60  }
0xb0: {  	[dreg:$0x2] =	wrdreg s19  }
0xb1: {  	[dreg:$0x3] =	wrdreg s2  }
0xb2: {  	[dreg:$0x4] =	wrdreg s4  }
0xb3: {  	[dreg:$0x5] =	wrdreg $0x1C000  }
0xb4: {  	[dreg:$0x6] =	wrdreg $0x9  }
0xb5: {  	_ =	task.clear_ibuf [dreg:s9], $0x7FFFF;
	_ =	strace $0x90000046  }
0xb6: {  	s29 =	simm.s32 $0x9;
	_ =	strace $0x80000048  }
0xb7: {  	_ =	swait.ge [sflag:s29], $0x1  }
0xb8: {  	[sflag:s29] =	ssyncadd.s32 $0xFFFFFFFF  }
0xb9: {  	_ =	strace $0x90000048  }
0xba: {  	_ =	sfence  }
0xbb: {  	s30 =	sld [smem:$0x0];
	_ =	sdelay $0x2  }
0xbc: {  	s31 =	sshll.u32 s1, $0xD;
	s1 =	sshrl.u32 s1, $0x2  }
0xbd: {  	s3 =	sand.u32 $0x4000, s31;
	s1 =	sadd.s32 s1, s30  }
0xbe: {  	s0 =	sor.u32 s3, s0;
	s1 =	sshll.u32 s1, $0x11  }
0xbf: {  	s0 =	sor.u32 s1, s0  }
0xc0: {  	s0 =	sadd.s32 $0x8F2B, s0  }
0xc1: {  	[sflag:s0] =	ssyncadd.remote.s32 $0x1  }
0xc2: {  	_ =	sfence.sel $0xFFFF  }
0xc3: {  	[dreg:$0x0] =	wrdreg $0xFFFFFFFF;
	(pc) =	sbr.abs _section_cstart, $3  }
0xc4: {  	[dreg:$0x1] =	wrdreg $0xFFFFFFFF  }
0xc5: {  	_ =	task.clear_ibuf [dreg:s9], $0x2FFFF;
	_ =	strace $0x9FFFFFFF  }
0xc6: {  	(tm) =	ssettm $0x7FFFFFFF  }
0xc7: {  	_ =	shalt  }
tec
execute0_lowered:
.L_overlay_start_1:
0x0: {  	(tag) =	ssettag $0x1  }
0x1: {  	s9 =	rddreg [dreg:$0x0]  }
0x2: {  	s0 =	rddreg [dreg:$0x1]  }
0x3: {  	s2 =	rddreg [dreg:$0x2];
	s1 =	srdreg.scid  }
0x4: {  	s3 =	rddreg [dreg:$0x3];
	s4 =	simm.s32 $0x0;
	s1 =	sand.u32 $0x1, s1  }
0x5: {  	s10 =	stileid.u32;
	[smem:$0x7FF] =	sst s4;
	s5 =	ssub.s32 $0x2, s1  }
0x6: {  	s7 =	sshll.u32 s10, $0x8;
	s1 =	sshll.u32 s1, $0x7;
	s6 =	sshrl.u32 s5, $0x1  }
0x7: {  	s11 =	sadd.s32 $0x27000, s9;
	s5 =	ssub.s32 s5, s6;
	s6 =	sor.u32 s1, s7  }
0x8: {  	_ =	strace $0x80000047;
	[dreg:$0x7] =	wrdreg s11;
	s7 =	sadd.s32 s0, s6  }
0x9: {  	s1 =	sshll.u32 s6, $0x4;
	s26 =	smax.u32 s5, $0x1;
	[dreg:$0x5] =	wrdreg s7  }
0xa: {  	s7 =	sadd.s32 $0x6000, s7;
	s1 =	sadd.s32 s1, s2;
	[dreg:$0x13] =	wrdreg s26  }
0xb: {  	[dreg:$0x6] =	wrdreg s7;
	s17 =	sadd.s32 $0x2F0400, s1  }
0xc: {  	s18 =	sadd.s32 $0x2F0600, s1;
	[dreg:$0x8] =	wrdreg s17  }
0xd: {  	s29 =	simm.s32 $0x20;
	s19 =	sadd.s32 $0x300200, s1;
	[dreg:$0x9] =	wrdreg s18  }
0xe: {  	s28 =	simm.s32 $0x13;
	s20 =	sadd.s32 $0x300400, s1;
	[dreg:$0xa] =	wrdreg s19  }
0xf: {  	s30 =	simm.s32 $0x1C480;
	s21 =	sadd.s32 $0x300600, s1;
	[dreg:$0xb] =	wrdreg s20  }
0x10: {  	s31 =	simm.s32 $0x1D480;
	s22 =	sadd.s32 $0x300000, s1;
	[dreg:$0xc] =	wrdreg s21  }
0x11: {  	s16 =	smul.u32 $0x2700, s10;
	s23 =	sadd.s32 $0x310000, s1;
	[dreg:$0xd] =	wrdreg s22  }
0x12: {  	s15 =	smul.u32 $0x4E000, s10;
	s24 =	sadd.s32 $0x310200, s1;
	[dreg:$0xe] =	wrdreg s23  }
0x13: {  	s8 =	sadd.s32 $0x138000, s3;
	s7 =	sadd.s32 s9, s16;
	[dreg:$0xf] =	wrdreg s24  }
0x14: {  	s0 =	sshrl.u32 s15, $0x2;
	s25 =	sadd.s32 $0x310400, s1;
	[dreg:$0x10] =	wrdreg s7  }
0x15: {  	s0 =	sadd.s32 s0, s3;
	s1 =	sadd.s32 $0x310600, s1;
	[dreg:$0x11] =	wrdreg s25  }
0x16: {  	p0 =	sne.s32 s10, $0x0;
	s0 =	sshrl.u32 s0, $0x3;
	[dreg:$0x12] =	wrdreg s1  }
0x17: {  	s26 =	simm.s32 $0x12;
	[dreg:$0x14] =	wrdreg s0;
	s0 =	sshrl.u32 @!p0 s8, $0x3  }
0x18: {  	s25 =	simm.s32 $0x12;
	s1 =	simm.s32 $0x0;
	[dreg:$0x15] =	wrdreg s0  }
.LBB2_1:
0x19: {  	[dreg:$0x16] =	wrdreg s1  }
0x1a: {  	s0 =	rddreg [dreg:$0x5];
	s5 =	simm.s32 $0x400;
	s7 =	simm.s32 $0x8000  }
0x1b: {  	[tilespmem:s4], [sflag:$0x15] =	stream.strided.gather [hbm4b:s0+s5], $0x1800, s7, s5, $0x38;
	[tilespmem:$0x1F480] =	vst v63  }
0x1c: {  	s11 =	rddreg [dreg:$0x6];
	s12 =	simm.s32 $0x1800;
	s8 =	simm.s32 $0x15  }
0x1d: {  	[tilespmem:s12], [sflag:$0x15] =	stream.linear.gather [hbm4b:s11+s4], $0x100, $0x38;
	[tilespmem:$0x1F480] =	vst v63  }
0x1e: {  	_ =	swait.ge [sflag:s8], $0x1900  }
0x1f: {  	[sflag:s8] =	ssyncset.done $0x0  }
0x20: {  	[sflag:s8] =	ssyncadd.s32 $0xFFFFE700  }
0x21: {  	s14 =	simm.s32 $0x15480;
	s13 =	rddreg [dreg:$0x0]  }
0x22: {  	[tilespmem:s14], [sflag:$0x1] =	stream.indirect.gather [hbm4b:s13+s29], $0x80, s4, s29, $0xb8;
	[tilespmem:$0x1F480] =	vst v63  }
0x23: {  	s15 =	simm.s32 $0x16480  }
0x24: {  	[tilespmem:s15], [sflag:$0x2] =	stream.indirect.gather [hbm4b:s13+s29], $0x80, s29, s29, $0xb8;
	[tilespmem:$0x1F480] =	vst v63  }
0x25: {  	s17 =	simm.s32 $0x40;
	s16 =	simm.s32 $0x17480  }
0x26: {  	[tilespmem:s16], [sflag:$0x3] =	stream.indirect.gather [hbm4b:s13+s29], $0x80, s17, s29, $0xb8;
	[tilespmem:$0x1F480] =	vst v63  }
0x27: {  	s18 =	simm.s32 $0x60;
	s17 =	simm.s32 $0x18480  }
0x28: {  	[tilespmem:s17], [sflag:$0x4] =	stream.indirect.gather [hbm4b:s13+s29], $0x80, s18, s29, $0xb8;
	[tilespmem:$0x1F480] =	vst v63  }
0x29: {  	s19 =	simm.s32 $0x80;
	s18 =	simm.s32 $0x19480  }
0x2a: {  	[tilespmem:s18], [sflag:$0x5] =	stream.indirect.gather [hbm4b:s13+s29], $0x80, s19, s29, $0xb8;
	[tilespmem:$0x1F480] =	vst v63  }
0x2b: {  	s20 =	simm.s32 $0xA0;
	s21 =	simm.s32 $0xC0;
	s19 =	simm.s32 $0x1A480  }
0x2c: {  	[tilespmem:s19], [sflag:$0x6] =	stream.indirect.gather [hbm4b:s13+s29], $0x80, s20, s29, $0xb8;
	[tilespmem:$0x1F480] =	vst v63  }
0x2d: {  	s22 =	simm.s32 $0xE0;
	s23 =	simm.s32 $0x100;
	s20 =	simm.s32 $0x1B480  }
0x2e: {  	[tilespmem:s20], [sflag:$0x7] =	stream.indirect.gather [hbm4b:s13+s29], $0x80, s21, s29, $0xb8;
	[tilespmem:$0x1F480] =	vst v63  }
0x2f: {  	s24 =	simm.s32 $0x1D480;
	s7 =	stileid.u32;
	s21 =	simm.s32 $0x1C480  }
0x30: {  	[tilespmem:s21], [sflag:$0x8] =	stream.indirect.gather [hbm4b:s13+s29], $0x80, s22, s29, $0xb8;
	[tilespmem:$0x1F480] =	vst v63  }
0x31: {  	s5 =	simm.s32 $0x120;
	s0 =	sshll.u32 s7, $0x6;
	s9 =	rddreg [dreg:$0x10]  }
0x32: {  	[tilespmem:s24], [sflag:$0x9] =	stream.indirect.gather [hbm4b:s13+s29], $0x80, s23, s29, $0xb8;
	[tilespmem:$0x1F480] =	vst v63  }
0x33: {  	s0 =	sor.u32 $0x1C15, s0;
	s10 =	rddreg [dreg:$0x14];
	s22 =	simm.s32 $0x1E480  }
0x34: {  	[tilespmem:s22], [sflag:$0xA] =	stream.indirect.gather [hbm4b:s13+s29], $0x80, s5, s29, $0xb8;
	[tilespmem:$0x1F480] =	vst v63  }
0x35: {  	[spmem:s10], [sflag:s0] =	dma.local [hbm:s9], $0x2700  }
0x36: {  	_ =	swait.ge [sflag:s8], $0x2700  }
0x37: {  	s1 =	simm.s32 $0xA0;
	[sflag:s8] =	ssyncset.done $0x0;
	s5 =	rddreg [dreg:$0x7]  }
0x38: {  	s11 =	simm.s32 $0x0;
	s7 =	rddreg [dreg:$0x15];
	[sflag:s8] =	ssyncadd.s32 $0xFFFFD900  }
0x39: {  	[spmem:s7], [sflag:s0] =	dma.local @!p0 [hbm:s5], $0x100  }
0x3a: {  	s23 =	simm.s32 $0x2;
	s13 =	simm.s32 $0x1;
	s0 =	simm.s32 @!p0 $0x15  }
0x3b: {  	s9 =	sand.u32 $0x3F80000, s11;
	s11 =	simm.s32 $0x80000;
	_ =	swait.ge @!p0 [sflag:s0], $0x100  }
0x3c: {  	s11 =	sand.u32 $0x7F80000, s11;
	s8 =	sand.u32 $0x40, s4;
	[sflag:s0] =	ssyncset.done @!p0 $0x0  }
0x3d: {  	s12 =	sor.u32 s6, s8;
	s7 =	simm.s32 $0x60;
	[sflag:s0] =	ssyncadd.s32 @!p0 $0xFFFFFF00  }
0x3e: {  	s0 =	sshll.u32 s12, $0x7;
	s12 =	simm.s32 $0x8000;
	[bflag:$0x0] =	sbarrier.arrive $0xFFFF  }
0x3f: {  	s5 =	sor.u32 s9, s0;
	s9 =	simm.s32 $0x260;
	s12 =	sand.u32 $0xFF0000, s12  }
0x40: {  	s11 =	sor.u32 s11, s0;
	_ =	swait.ge [sflag:s13], $0x1000;
	s10 =	sshrl.u32 s5, $0x3  }
0x41: {  	s12 =	sadd.s32 s2, s12;
	s11 =	sshrl.u32 s11, $0x3;
	s9 =	sand.u32 $0x60, s9  }
0x42: {  	[sflag:s13] =	ssyncset.done $0x0;
	s5 =	sadd.s32 s2, s10;
	s10 =	sor.u32 $0x200, s10  }
0x43: {  	s11 =	sadd.s32 s2, s11;
	[sflag:s13] =	ssyncadd.s32 $0xFFFFF000;
	s13 =	simm.s32 $0x40  }
0x44: {  	[hbm4b:s5+s4] =	stream.linear.scatter [tilespmem:s14], [sflag:$0xB], $0x1000, $0x38;
	[tilespmem:$0x1F480] =	vst v63  }
0x45: {  	s10 =	sadd.s32 s2, s10;
	s5 =	simm.s32 $0x100000;
	s13 =	sand.u32 $0x40, s13  }
0x46: {  	_ =	swait.ge [sflag:s23], $0x1000;
	s13 =	sor.u32 s6, s13;
	s5 =	sand.u32 $0x7F80000, s5  }
0x47: {  	[sflag:s23] =	ssyncset.done $0x0;
	s13 =	sshll.u32 s13, $0x4;
	s5 =	sor.u32 s5, s0  }
0x48: {  	s0 =	simm.s32 $0x24000;
	[sflag:s23] =	ssyncadd.s32 $0xFFFFF000;
	s23 =	simm.s32 $0x3  }
0x49: {  	[hbm4b:s10+s4] =	stream.linear.scatter [tilespmem:s15], [sflag:$0xC], $0x1000, $0x38;
	[tilespmem:$0x1F480] =	vst v63  }
0x4a: {  	s12 =	sadd.s32 s13, s12;
	s5 =	sshrl.u32 s5, $0x3;
	s10 =	sand.u32 $0x60, s7  }
0x4b: {  	s7 =	simm.s32 $0xC000;
	s5 =	sadd.s32 s2, s5;
	_ =	swait.ge [sflag:s23], $0x1000  }
0x4c: {  	s10 =	sor.u32 s6, s10;
	s13 =	sand.u32 $0xFF0000, s7;
	[sflag:s23] =	ssyncset.done $0x0  }
0x4d: {  	s7 =	simm.s32 $0x4;
	s10 =	sshll.u32 s10, $0x4;
	[sflag:s23] =	ssyncadd.s32 $0xFFFFF000  }
0x4e: {  	[hbm4b:s12+s4] =	stream.linear.scatter [tilespmem:s16], [sflag:$0xD], $0x1000, $0x38;
	[tilespmem:$0x1F480] =	vst v63  }
0x4f: {  	s23 =	sadd.s32 s2, s13;
	s13 =	sand.u32 $0x60, s1;
	_ =	swait.ge [sflag:s7], $0x1000  }
0x50: {  	s10 =	sadd.s32 s10, s23;
	s23 =	simm.s32 $0x14000;
	[sflag:s7] =	ssyncset.done $0x0  }
0x51: {  	s1 =	sor.u32 s6, s13;
	[sflag:s7] =	ssyncadd.s32 $0xFFFFF000;
	s7 =	simm.s32 $0x5  }
0x52: {  	[hbm4b:s10+s4] =	stream.linear.scatter [tilespmem:s17], [sflag:$0xE], $0x1000, $0x38;
	[tilespmem:$0x1F480] =	vst v63  }
0x53: {  	s13 =	simm.s32 $0x6;
	s12 =	sand.u32 $0xFF0000, s23;
	_ =	swait.ge [sflag:s7], $0x1000  }
0x54: {  	s23 =	simm.s32 $0xC0;
	s12 =	sadd.s32 s2, s12;
	[sflag:s7] =	ssyncset.done $0x0  }
0x55: {  	s10 =	sshll.u32 s1, $0x4;
	s1 =	simm.s32 $0x500;
	[sflag:s7] =	ssyncadd.s32 $0xFFFFF000  }
0x56: {  	[hbm4b:s11+s4] =	stream.linear.scatter [tilespmem:s18], [sflag:$0xF], $0x1000, $0x38;
	[tilespmem:$0x1F480] =	vst v63  }
0x57: {  	s10 =	sadd.s32 s10, s12;
	s7 =	simm.s32 $0x18000;
	s11 =	sand.u32 $0x40, s23  }
0x58: {  	s12 =	sand.u32 $0xFF0000, s7;
	_ =	swait.ge [sflag:s13], $0x1000;
	s11 =	sor.u32 s6, s11  }
0x59: {  	s7 =	sadd.s32 s2, s12;
	s12 =	simm.s32 $0xE0;
	[sflag:s13] =	ssyncset.done $0x0  }
0x5a: {  	s23 =	sshll.u32 s11, $0x4;
	[sflag:s13] =	ssyncadd.s32 $0xFFFFF000;
	s13 =	simm.s32 $0x7  }
0x5b: {  	[hbm4b:s10+s4] =	stream.linear.scatter [tilespmem:s19], [sflag:$0x10], $0x1000, $0x38;
	[tilespmem:$0x1F480] =	vst v63  }
0x5c: {  	s11 =	sand.u32 $0x60, s12;
	s12 =	simm.s32 $0x9;
	_ =	swait.ge [sflag:s13], $0x1000  }
0x5d: {  	s11 =	sor.u32 s6, s11;
	s10 =	sadd.s32 s23, s7;
	[sflag:s13] =	ssyncset.done $0x0  }
0x5e: {  	s23 =	simm.s32 $0x8;
	[sflag:s13] =	ssyncadd.s32 $0xFFFFF000;
	s13 =	simm.s32 $0x1C000  }
0x5f: {  	[hbm4b:s10+s4] =	stream.linear.scatter [tilespmem:s20], [sflag:$0x11], $0x1000, $0x38;
	[tilespmem:$0x1F480] =	vst v63  }
0x60: {  	s11 =	sshll.u32 s11, $0x4;
	s7 =	sand.u32 $0xFF0000, s13;
	_ =	swait.ge [sflag:s23], $0x1000  }
0x61: {  	s13 =	simm.s32 $0x120;
	s10 =	sadd.s32 s2, s7;
	[sflag:s23] =	ssyncset.done $0x0  }
0x62: {  	s7 =	simm.s32 $0xB;
	s10 =	sadd.s32 s11, s10;
	[sflag:s23] =	ssyncadd.s32 $0xFFFFF000  }
0x63: {  	[hbm4b:s10+s4] =	stream.linear.scatter [tilespmem:s21], [sflag:$0x12], $0x1000, $0x38;
	[tilespmem:$0x1F480] =	vst v63  }
0x64: {  	s11 =	simm.s32 $0x900;
	s23 =	simm.s32 $0x980;
	_ =	swait.ge [sflag:s12], $0x1000  }
0x65: {  	s11 =	sand.u32 $0x1FE00, s11;
	s10 =	sand.u32 $0x60, s13;
	[sflag:s12] =	ssyncset.done $0x0  }
0x66: {  	s21 =	simm.s32 $0xA;
	s10 =	sor.u32 s6, s10;
	[sflag:s12] =	ssyncadd.s32 $0xFFFFF000  }
0x67: {  	[hbm4b:s5+s4] =	stream.linear.scatter [tilespmem:s24], [sflag:$0x13], $0x1000, $0x38;
	[tilespmem:$0x1F480] =	vst v63  }
0x68: {  	s13 =	simm.s32 $0x140;
	s10 =	sshll.u32 s10, $0x4;
	s24 =	sand.u32 $0xFF0000, s0  }
0x69: {  	s5 =	simm.s32 $0x3A0;
	_ =	swait.ge [sflag:s21], $0x1000;
	s12 =	sadd.s32 s2, s24  }
0x6a: {  	[sflag:s21] =	ssyncset.done $0x0;
	s10 =	sadd.s32 s10, s12;
	s12 =	sand.u32 $0x1FE00, s1  }
0x6b: {  	s24 =	simm.s32 $0x160;
	[sflag:s21] =	ssyncadd.s32 $0xFFFFF000;
	s12 =	sshrl.u32 s12, $0x2  }
0x6c: {  	[hbm4b:s10+s4] =	stream.linear.scatter [tilespmem:s22], [sflag:$0x14], $0x1000, $0x38;
	[tilespmem:$0x1F480] =	vst v63  }
0x6d: {  	s21 =	simm.s32 $0x580;
	s10 =	sand.u32 $0x40, s13;
	_ =	swait.ge [sflag:s7], $0x1000  }
0x6e: {  	s22 =	simm.s32 $0xC;
	s13 =	simm.s32 $0xD;
	[sflag:s7] =	ssyncset.done $0x0  }
0x6f: {  	s10 =	sor.u32 s10, s12;
	s12 =	sand.u32 $0x1FE00, s21;
	[sflag:s7] =	ssyncadd.s32 $0xFFFFF000  }
0x70: {  	[tilespmem:s14], [sflag:$0x1] =	stream.indirect.gather [spmem:s3], $0x80, s10, s29, $0xb8;
	[tilespmem:$0x1F480] =	vst v63  }
0x71: {  	s21 =	simm.s32 $0x1A0;
	s12 =	sshrl.u32 s12, $0x2;
	_ =	swait.ge [sflag:s22], $0x1000  }
0x72: {  	s7 =	simm.s32 $0x600;
	s10 =	sand.u32 $0x60, s24;
	[sflag:s22] =	ssyncset.done $0x0  }
0x73: {  	s14 =	sand.u32 $0x1FE00, s7;
	s10 =	sor.u32 s10, s12;
	[sflag:s22] =	ssyncadd.s32 $0xFFFFF000  }
0x74: {  	[tilespmem:s15], [sflag:$0x2] =	stream.indirect.gather [spmem:s3], $0x80, s10, s29, $0xb8;
	[tilespmem:$0x1F480] =	vst v63  }
0x75: {  	s24 =	simm.s32 $0xF;
	s7 =	simm.s32 $0x1C0;
	_ =	swait.ge [sflag:s13], $0x1000  }
0x76: {  	s10 =	sshrl.u32 s11, $0x2;
	s11 =	sshrl.u32 s14, $0x2;
	[sflag:s13] =	ssyncset.done $0x0  }
0x77: {  	s22 =	simm.s32 $0x700;
	s11 =	sor.u32 s8, s11;
	[sflag:s13] =	ssyncadd.s32 $0xFFFFF000  }
0x78: {  	[tilespmem:s16], [sflag:$0x3] =	stream.indirect.gather [spmem:s3], $0x80, s11, s29, $0xb8;
	[tilespmem:$0x1F480] =	vst v63  }
0x79: {  	s15 =	simm.s32 $0x680;
	s14 =	simm.s32 $0x10;
	s16 =	simm.s32 $0xE  }
0x7a: {  	s12 =	sand.u32 $0x1FE00, s15;
	s15 =	simm.s32 $0x1E0;
	_ =	swait.ge [sflag:s16], $0x1000  }
0x7b: {  	s12 =	sshrl.u32 s12, $0x2;
	s11 =	sand.u32 $0x60, s21;
	[sflag:s16] =	ssyncset.done $0x0  }
0x7c: {  	s13 =	simm.s32 $0x780;
	s11 =	sor.u32 s11, s12;
	[sflag:s16] =	ssyncadd.s32 $0xFFFFF000  }
0x7d: {  	[tilespmem:s17], [sflag:$0x4] =	stream.indirect.gather [spmem:s3], $0x80, s11, s29, $0xb8;
	[tilespmem:$0x1F480] =	vst v63  }
0x7e: {  	s12 =	sand.u32 $0x1FE00, s22;
	s22 =	simm.s32 $0x240;
	_ =	swait.ge [sflag:s24], $0x1000  }
0x7f: {  	s12 =	sshrl.u32 s12, $0x2;
	s11 =	sand.u32 $0x40, s7;
	[sflag:s24] =	ssyncset.done $0x0  }
0x80: {  	s16 =	sand.u32 $0x1FE00, s23;
	s11 =	sor.u32 s11, s12;
	[sflag:s24] =	ssyncadd.s32 $0xFFFFF000  }
0x81: {  	[tilespmem:s18], [sflag:$0x5] =	stream.indirect.gather [spmem:s3], $0x80, s11, s29, $0xb8;
	[tilespmem:$0x1F480] =	vst v63  }
0x82: {  	s17 =	sshrl.u32 s16, $0x2;
	s12 =	sand.u32 $0x1FE00, s13;
	_ =	swait.ge [sflag:s14], $0x1000  }
0x83: {  	s12 =	sshrl.u32 s12, $0x2;
	s11 =	sand.u32 $0x60, s15;
	[sflag:s14] =	ssyncset.done $0x0  }
0x84: {  	s18 =	simm.s32 $0x800;
	s11 =	sor.u32 s11, s12;
	[sflag:s14] =	ssyncadd.s32 $0xFFFFF000  }
0x85: {  	[tilespmem:s19], [sflag:$0x6] =	stream.indirect.gather [spmem:s3], $0x80, s11, s29, $0xb8;
	[tilespmem:$0x1F480] =	vst v63  }
0x86: {  	s24 =	simm.s32 $0x220;
	s21 =	sand.u32 $0x1FE00, s18;
	s19 =	simm.s32 $0x11  }
0x87: {  	s12 =	sor.u32 s9, s17;
	s9 =	sshrl.u32 s21, $0x2;
	_ =	swait.ge [sflag:s19], $0x1000  }
0x88: {  	s15 =	sand.u32 $0x60, s24;
	s8 =	sor.u32 s8, s9;
	[sflag:s19] =	ssyncset.done $0x0  }
0x89: {  	s9 =	simm.s32 $0x40;
	s11 =	sand.u32 $0x40, s22;
	[sflag:s19] =	ssyncadd.s32 $0xFFFFF000  }
0x8a: {  	[tilespmem:s20], [sflag:$0x7] =	stream.indirect.gather [spmem:s3], $0x80, s8, s29, $0xb8;
	[tilespmem:$0x1F480] =	vst v63  }
0x8b: {  	s13 =	sor.u32 s11, s10;
	s8 =	simm.s32 $0x240000;
	_ =	swait.ge [sflag:s25], $0x1000  }
.LBB2_2:
0x8c: {  	s11 =	sadd.s32 $0xFFFFFF00, s23;
	s23 =	sadd.s32 $0x500, s23  }
0x8d: {  	s0 =	sadd.s32 $0x28000, s0;
	s10 =	smov.u32 s5;
	p1 =	sne.s32 s5, $0x18E0  }
0x8e: {  	s17 =	sadd.s32 $0xFFF80000, s8;
	s18 =	sadd.s32 $0xFFF00000, s8;
	s14 =	sand.u32 $0x7F80000, s8  }
0x8f: {  	s5 =	sadd.s32 $0x140, s5;
	s1 =	simm.s32 $0x14;
	s22 =	simm.s32 $0x1E480  }
0x90: {  	s21 =	simm.s32 $0x15480;
	[sflag:s26] =	ssyncset.done $0x0;
	s16 =	sand.u32 $0x1FE00, s11  }
0x91: {  	s24 =	simm.s32 $0x17480;
	s11 =	sand.u32 $0x40, s9;
	[sflag:s26] =	ssyncadd.s32 $0xFFFFF000  }
0x92: {  	s25 =	simm.s32 $0x19480;
	s17 =	sand.u32 $0x7F80000, s17;
	s16 =	sshrl.u32 s16, $0x2  }
0x93: {  	s20 =	sadd.s32 $0xFFFFFDE0, s10;
	s19 =	sor.u32 s6, s11;
	s15 =	sor.u32 s15, s16  }
0x94: {  	[tilespmem:s30], [sflag:$0x8] =	stream.indirect.gather [spmem:s3], $0x80, s15, s29, $0xb8;
	[tilespmem:$0x1F480] =	vst v63  }
0x95: {  	s16 =	sshll.u32 s19, $0x7;
	s19 =	sadd.s32 $0xFFFE4000, s0;
	s15 =	sand.u32 $0x3F80000, s18  }
0x96: {  	s19 =	sand.u32 $0xFF0000, s19;
	_ =	swait.ge [sflag:s28], $0x1000;
	s15 =	sor.u32 s15, s16  }
0x97: {  	s18 =	sadd.s32 $0xFFFFFE00, s10;
	[sflag:s28] =	ssyncset.done $0x0;
	s15 =	sshrl.u32 s15, $0x3  }
0x98: {  	[sflag:s28] =	ssyncadd.s32 $0xFFFFF000;
	s7 =	sadd.s32 s2, s15;
	s15 =	sor.u32 $0x200, s15  }
0x99: {  	[tilespmem:s31], [sflag:$0x9] =	stream.indirect.gather [spmem:s3], $0x80, s13, s29, $0xb8;
	[tilespmem:$0x1F480] =	vst v63  }
0x9a: {  	s28 =	simm.s32 $0x1A480;
	s13 =	sor.u32 s17, s16;
	s17 =	sand.u32 $0x60, s18  }
0x9b: {  	s18 =	sadd.s32 $0xFFFFFF80, s23;
	s15 =	sadd.s32 s2, s15;
	_ =	swait.ge [sflag:s1], $0x1000  }
0x9c: {  	s17 =	sor.u32 s6, s17;
	s18 =	sand.u32 $0x1FE00, s18;
	[sflag:s1] =	ssyncset.done $0x0  }
0x9d: {  	s13 =	sshrl.u32 s13, $0x3;
	[sflag:s1] =	ssyncadd.s32 $0xFFFFF000;
	s1 =	simm.s32 $0x1  }
0x9e: {  	[tilespmem:s22], [sflag:$0xA] =	stream.indirect.gather [spmem:s3], $0x80, s12, s29, $0xb8;
	[tilespmem:$0x1F480] =	vst v63  }
0x9f: {  	s12 =	sand.u32 $0x40, s20;
	s20 =	sadd.s32 $0xFFFE8000, s0;
	_ =	swait.ge [sflag:s1], $0x1000  }
0xa0: {  	s20 =	sand.u32 $0xFF0000, s20;
	s12 =	sor.u32 s6, s12;
	[sflag:s1] =	ssyncset.done $0x0  }
0xa1: {  	s12 =	sshll.u32 s12, $0x4;
	[sflag:s1] =	ssyncadd.s32 $0xFFFFF000;
	s1 =	simm.s32 $0x2  }
0xa2: {  	[hbm4b:s7+s4] =	stream.linear.scatter [tilespmem:s21], [sflag:$0xB], $0x1000, $0x38;
	[tilespmem:$0x1F480] =	vst v63  }
0xa3: {  	s7 =	sadd.s32 s2, s19;
	s19 =	sadd.s32 s2, s20;
	s20 =	simm.s32 $0x16480  }
0xa4: {  	_ =	swait.ge [sflag:s1], $0x1000;
	s7 =	sadd.s32 s12, s7;
	s12 =	sor.u32 s14, s16  }
0xa5: {  	s14 =	sadd.s32 $0xFFFFFE40, s10;
	s16 =	sadd.s32 $0xFFFFFE60, s10;
	[sflag:s1] =	ssyncset.done $0x0  }
0xa6: {  	s12 =	sshrl.u32 s12, $0x3;
	[sflag:s1] =	ssyncadd.s32 $0xFFFFF000;
	s1 =	simm.s32 $0x3  }
0xa7: {  	[hbm4b:s15+s4] =	stream.linear.scatter [tilespmem:s20], [sflag:$0xC], $0x1000, $0x38;
	[tilespmem:$0x1F480] =	vst v63  }
0xa8: {  	s14 =	sand.u32 $0x60, s14;
	s16 =	sand.u32 $0x40, s16;
	_ =	swait.ge [sflag:s1], $0x1000  }
0xa9: {  	s14 =	sor.u32 s6, s14;
	s15 =	sshll.u32 s17, $0x4;
	[sflag:s1] =	ssyncset.done $0x0  }
0xaa: {  	s14 =	sshll.u32 s14, $0x4;
	[sflag:s1] =	ssyncadd.s32 $0xFFFFF000;
	s1 =	simm.s32 $0x4  }
0xab: {  	[hbm4b:s7+s4] =	stream.linear.scatter [tilespmem:s24], [sflag:$0xD], $0x1000, $0x38;
	[tilespmem:$0x1F480] =	vst v63  }
0xac: {  	s15 =	sadd.s32 s15, s19;
	s7 =	sadd.s32 $0xFFFF0000, s0;
	_ =	swait.ge [sflag:s1], $0x1000  }
0xad: {  	s19 =	simm.s32 $0x18480;
	s7 =	sand.u32 $0xFF0000, s7;
	[sflag:s1] =	ssyncset.done $0x0  }
0xae: {  	s7 =	sadd.s32 s2, s7;
	[sflag:s1] =	ssyncadd.s32 $0xFFFFF000;
	s1 =	simm.s32 $0x5  }
0xaf: {  	[hbm4b:s15+s4] =	stream.linear.scatter [tilespmem:s19], [sflag:$0xE], $0x1000, $0x38;
	[tilespmem:$0x1F480] =	vst v63  }
0xb0: {  	s16 =	sor.u32 s6, s16;
	s7 =	sadd.s32 s14, s7;
	_ =	swait.ge [sflag:s1], $0x1000  }
0xb1: {  	s14 =	sadd.s32 s2, s13;
	s13 =	sshrl.u32 s18, $0x2;
	[sflag:s1] =	ssyncset.done $0x0  }
0xb2: {  	s15 =	sand.u32 $0x1FE00, s23;
	[sflag:s1] =	ssyncadd.s32 $0xFFFFF000;
	s1 =	simm.s32 $0x6  }
0xb3: {  	[hbm4b:s14+s4] =	stream.linear.scatter [tilespmem:s25], [sflag:$0xF], $0x1000, $0x38;
	[tilespmem:$0x1F480] =	vst v63  }
0xb4: {  	s17 =	simm.s32 $0x8;
	s14 =	sadd.s32 $0xFFFF4000, s0;
	_ =	swait.ge [sflag:s1], $0x1000  }
0xb5: {  	s15 =	sshrl.u32 s15, $0x2;
	s14 =	sand.u32 $0xFF0000, s14;
	[sflag:s1] =	ssyncset.done $0x0  }
0xb6: {  	s14 =	sadd.s32 s2, s14;
	[sflag:s1] =	ssyncadd.s32 $0xFFFFF000;
	s1 =	simm.s32 $0x7  }
0xb7: {  	[hbm4b:s7+s4] =	stream.linear.scatter [tilespmem:s28], [sflag:$0x10], $0x1000, $0x38;
	[tilespmem:$0x1F480] =	vst v63  }
0xb8: {  	s7 =	sshll.u32 s16, $0x4;
	s16 =	sadd.s32 $0xFFFF8000, s0;
	_ =	swait.ge [sflag:s1], $0x1000  }
0xb9: {  	s7 =	sadd.s32 s7, s14;
	s14 =	sadd.s32 $0xFFFFFE80, s10;
	[sflag:s1] =	ssyncset.done $0x0  }
0xba: {  	s14 =	sand.u32 $0x60, s14;
	[sflag:s1] =	ssyncadd.s32 $0xFFFFF000;
	s1 =	simm.s32 $0x1B480  }
0xbb: {  	[hbm4b:s7+s4] =	stream.linear.scatter [tilespmem:s1], [sflag:$0x11], $0x1000, $0x38;
	[tilespmem:$0x1F480] =	vst v63  }
0xbc: {  	s14 =	sor.u32 s6, s14;
	s7 =	sand.u32 $0xFF0000, s16;
	_ =	swait.ge [sflag:s17], $0x1000  }
0xbd: {  	s14 =	sshll.u32 s14, $0x4;
	s7 =	sadd.s32 s2, s7;
	[sflag:s17] =	ssyncset.done $0x0  }
0xbe: {  	s7 =	sadd.s32 s14, s7;
	[sflag:s17] =	ssyncadd.s32 $0xFFFFF000  }
0xbf: {  	[hbm4b:s7+s4] =	stream.linear.scatter [tilespmem:s30], [sflag:$0x12], $0x1000, $0x38;
	[tilespmem:$0x1F480] =	vst v63  }
0xc0: {  	s8 =	sadd.s32 $0x140000, s8;
	s7 =	simm.s32 $0x9  }
0xc1: {  	s18 =	simm.s32 $0xD;
	s14 =	sand.u32 $0xFF0000, s0;
	_ =	swait.ge [sflag:s7], $0x1000  }
0xc2: {  	s16 =	simm.s32 $0xA;
	s14 =	sadd.s32 s2, s14;
	[sflag:s7] =	ssyncset.done $0x0  }
0xc3: {  	[sflag:s7] =	ssyncadd.s32 $0xFFFFF000;
	s7 =	sadd.s32 s2, s12;
	s12 =	sadd.s32 $0xFFFFFEC0, s10  }
0xc4: {  	[hbm4b:s7+s4] =	stream.linear.scatter [tilespmem:s31], [sflag:$0x13], $0x1000, $0x38;
	[tilespmem:$0x1F480] =	vst v63  }
0xc5: {  	s7 =	sand.u32 $0x60, s12;
	s12 =	sand.u32 $0x60, s10;
	_ =	swait.ge [sflag:s16], $0x1000  }
0xc6: {  	s7 =	sor.u32 s6, s7;
	s12 =	sor.u32 s12, s15;
	[sflag:s16] =	ssyncset.done $0x0  }
0xc7: {  	s15 =	simm.s32 $0xB;
	s7 =	sshll.u32 s7, $0x4;
	[sflag:s16] =	ssyncadd.s32 $0xFFFFF000  }
0xc8: {  	s7 =	sadd.s32 s7, s14;
	s14 =	sadd.s32 $0xFFFFFB80, s23;
	s16 =	simm.s32 $0x15480  }
0xc9: {  	[hbm4b:s7+s4] =	stream.linear.scatter [tilespmem:s22], [sflag:$0x14], $0x1000, $0x38;
	[tilespmem:$0x1F480] =	vst v63  }
0xca: {  	s14 =	sand.u32 $0x1FE00, s14;
	s7 =	sadd.s32 $0xFFFFFEE0, s10;
	_ =	swait.ge [sflag:s15], $0x1000  }
0xcb: {  	s14 =	sshrl.u32 s14, $0x2;
	s7 =	sand.u32 $0x40, s7;
	[sflag:s15] =	ssyncset.done $0x0  }
0xcc: {  	s7 =	sor.u32 s7, s14;
	s14 =	sadd.s32 $0xFFFFFC00, s23;
	[sflag:s15] =	ssyncadd.s32 $0xFFFFF000  }
0xcd: {  	[tilespmem:s21], [sflag:$0x1] =	stream.indirect.gather [spmem:s3], $0x80, s7, s29, $0xb8;
	[tilespmem:$0x1F480] =	vst v63  }
0xce: {  	s15 =	simm.s32 $0xC;
	s14 =	sand.u32 $0x1FE00, s14;
	s7 =	sadd.s32 $0xFFFFFF00, s10  }
0xcf: {  	s14 =	sshrl.u32 s14, $0x2;
	_ =	swait.ge [sflag:s15], $0x1000;
	s7 =	sand.u32 $0x60, s7  }
0xd0: {  	s17 =	simm.s32 $0x16480;
	[sflag:s15] =	ssyncset.done $0x0;
	s7 =	sor.u32 s7, s14  }
0xd1: {  	s14 =	sadd.s32 $0xFFFFFC80, s23;
	[sflag:s15] =	ssyncadd.s32 $0xFFFFF000;
	s15 =	sadd.s32 $0xFFFFFFE0, s10  }
0xd2: {  	[tilespmem:s20], [sflag:$0x2] =	stream.indirect.gather [spmem:s3], $0x80, s7, s29, $0xb8;
	[tilespmem:$0x1F480] =	vst v63  }
0xd3: {  	s7 =	sand.u32 $0x1FE00, s14;
	s14 =	sadd.s32 $0xFFFFFD00, s23;
	_ =	swait.ge [sflag:s18], $0x1000  }
0xd4: {  	s15 =	sand.u32 $0x40, s15;
	s7 =	sshrl.u32 s7, $0x2;
	[sflag:s18] =	ssyncset.done $0x0  }
0xd5: {  	s20 =	simm.s32 $0xE;
	s7 =	sor.u32 s11, s7;
	[sflag:s18] =	ssyncadd.s32 $0xFFFFF000  }
0xd6: {  	[tilespmem:s24], [sflag:$0x3] =	stream.indirect.gather [spmem:s3], $0x80, s7, s29, $0xb8;
	[tilespmem:$0x1F480] =	vst v63  }
0xd7: {  	s14 =	sand.u32 $0x1FE00, s14;
	s18 =	simm.s32 $0x17480;
	s7 =	sadd.s32 $0xFFFFFF40, s10  }
0xd8: {  	s14 =	sshrl.u32 s14, $0x2;
	_ =	swait.ge [sflag:s20], $0x1000;
	s7 =	sand.u32 $0x60, s7  }
0xd9: {  	s22 =	simm.s32 $0x11;
	[sflag:s20] =	ssyncset.done $0x0;
	s7 =	sor.u32 s7, s14  }
0xda: {  	s14 =	sadd.s32 $0xFFFFFD80, s23;
	[sflag:s20] =	ssyncadd.s32 $0xFFFFF000;
	s20 =	simm.s32 $0x18480  }
0xdb: {  	[tilespmem:s19], [sflag:$0x4] =	stream.indirect.gather [spmem:s3], $0x80, s7, s29, $0xb8;
	[tilespmem:$0x1F480] =	vst v63  }
0xdc: {  	s14 =	sand.u32 $0x1FE00, s14;
	s19 =	simm.s32 $0xF;
	s7 =	sadd.s32 $0xFFFFFF60, s10  }
0xdd: {  	s14 =	sshrl.u32 s14, $0x2;
	_ =	swait.ge [sflag:s19], $0x1000;
	s7 =	sand.u32 $0x40, s7  }
0xde: {  	s21 =	simm.s32 $0x10;
	[sflag:s19] =	ssyncset.done $0x0;
	s7 =	sor.u32 s7, s14  }
0xdf: {  	s14 =	sadd.s32 $0xFFFFFE00, s23;
	[sflag:s19] =	ssyncadd.s32 $0xFFFFF000;
	s19 =	simm.s32 $0x19480  }
0xe0: {  	[tilespmem:s25], [sflag:$0x5] =	stream.indirect.gather [spmem:s3], $0x80, s7, s29, $0xb8;
	[tilespmem:$0x1F480] =	vst v63  }
0xe1: {  	s14 =	sand.u32 $0x1FE00, s14;
	s7 =	sadd.s32 $0xFFFFFF80, s10;
	_ =	swait.ge [sflag:s21], $0x1000  }
0xe2: {  	s14 =	sshrl.u32 s14, $0x2;
	s7 =	sand.u32 $0x60, s7;
	[sflag:s21] =	ssyncset.done $0x0  }
0xe3: {  	s7 =	sor.u32 s7, s14;
	s14 =	sadd.s32 $0xFFFFFE80, s23;
	[sflag:s21] =	ssyncadd.s32 $0xFFFFF000  }
0xe4: {  	[tilespmem:s28], [sflag:$0x6] =	stream.indirect.gather [spmem:s3], $0x80, s7, s29, $0xb8;
	[tilespmem:$0x1F480] =	vst v63  }
0xe5: {  	s13 =	sor.u32 s15, s13;
	s21 =	simm.s32 $0x1A480;
	s28 =	simm.s32 $0x13  }
.Ltmp0:
0xe6: {  	s7 =	sand.u32 $0x1FE00, s14;
	_ =	swait.ge [sflag:s22], $0x1000;
	(pc) =	sbr.rel @p1 .LBB2_2-.Ltmp0, $4  }
0xe7: {  	s10 =	sadd.s32 $0xFFFFFFC0, s10;
	s7 =	sshrl.u32 s7, $0x2;
	[sflag:s22] =	ssyncset.done $0x0  }
0xe8: {  	s7 =	sor.u32 s11, s7;
	s11 =	simm.s32 $0x1B480;
	[sflag:s22] =	ssyncadd.s32 $0xFFFFF000  }
0xe9: {  	[tilespmem:s1], [sflag:$0x7] =	stream.indirect.gather [spmem:s3], $0x80, s7, s29, $0xb8;
	[tilespmem:$0x1F480] =	vst v63  }
0xea: {  	s9 =	sadd.s32 $0x40, s9;
	s15 =	sand.u32 $0x60, s10;
	_ =	swait.ge [sflag:s26], $0x1000  }
0xeb: {  	s0 =	sadd.s32 $0xFFFFFF00, s23  }
0xec: {  	s8 =	simm.s32 $0x12;
	s0 =	sand.u32 $0x1FE00, s0  }
0xed: {  	[sflag:s8] =	ssyncset.done $0x0;
	s0 =	sshrl.u32 s0, $0x2  }
0xee: {  	s1 =	simm.s32 $0x1C480;
	[sflag:s8] =	ssyncadd.s32 $0xFFFFF000;
	s0 =	sor.u32 s15, s0  }
0xef: {  	[tilespmem:s1], [sflag:$0x8] =	stream.indirect.gather [spmem:s3], $0x80, s0, s29, $0xb8;
	[tilespmem:$0x1F480] =	vst v63  }
0xf0: {  	_ =	swait.ge [sflag:s28], $0x1000  }
0xf1: {  	[sflag:s28] =	ssyncset.done $0x0  }
0xf2: {  	s5 =	simm.s32 $0x1D480;
	s9 =	simm.s32 $0x14;
	[sflag:s28] =	ssyncadd.s32 $0xFFFFF000  }
0xf3: {  	[tilespmem:s5], [sflag:$0x9] =	stream.indirect.gather [spmem:s3], $0x80, s13, s29, $0xb8;
	[tilespmem:$0x1F480] =	vst v63  }
0xf4: {  	_ =	swait.ge [sflag:s9], $0x1000  }
0xf5: {  	[sflag:s9] =	ssyncset.done $0x0  }
0xf6: {  	s7 =	simm.s32 $0x1E480;
	s25 =	simm.s32 $0x1;
	[sflag:s9] =	ssyncadd.s32 $0xFFFFF000  }
0xf7: {  	[tilespmem:s7], [sflag:$0xA] =	stream.indirect.gather [spmem:s3], $0x80, s12, s29, $0xb8;
	[tilespmem:$0x1F480] =	vst v63  }
0xf8: {  	_ =	swait.ge [sflag:s25], $0x1000  }
0xf9: {  	[sflag:s25] =	ssyncset.done $0x0  }
0xfa: {  	s12 =	simm.s32 $0x2;
	s10 =	rddreg [dreg:$0x8];
	[sflag:s25] =	ssyncadd.s32 $0xFFFFF000  }
0xfb: {  	[hbm4b:s10+s4] =	stream.linear.scatter [tilespmem:s16], [sflag:$0xB], $0x1000, $0x38;
	[tilespmem:$0x1F480] =	vst v63  }
0xfc: {  	_ =	swait.ge [sflag:s12], $0x1000  }
0xfd: {  	[sflag:s12] =	ssyncset.done $0x0  }
0xfe: {  	s14 =	simm.s32 $0x3;
	s13 =	rddreg [dreg:$0x9];
	[sflag:s12] =	ssyncadd.s32 $0xFFFFF000  }
0xff: {  	[hbm4b:s13+s4] =	stream.linear.scatter [tilespmem:s17], [sflag:$0xC], $0x1000, $0x38;
	[tilespmem:$0x1F480] =	vst v63  }
0x100: {  	_ =	swait.ge [sflag:s14], $0x1000  }
0x101: {  	[sflag:s14] =	ssyncset.done $0x0  }
0x102: {  	s16 =	simm.s32 $0x4;
	s15 =	rddreg [dreg:$0xd];
	[sflag:s14] =	ssyncadd.s32 $0xFFFFF000  }
0x103: {  	[hbm4b:s15+s4] =	stream.linear.scatter [tilespmem:s18], [sflag:$0xD], $0x1000, $0x38;
	[tilespmem:$0x1F480] =	vst v63  }
0x104: {  	_ =	swait.ge [sflag:s16], $0x1000  }
0x105: {  	[sflag:s16] =	ssyncset.done $0x0  }
0x106: {  	s18 =	simm.s32 $0x5;
	s17 =	rddreg [dreg:$0xa];
	[sflag:s16] =	ssyncadd.s32 $0xFFFFF000  }
0x107: {  	[hbm4b:s17+s4] =	stream.linear.scatter [tilespmem:s20], [sflag:$0xE], $0x1000, $0x38;
	[tilespmem:$0x1F480] =	vst v63  }
0x108: {  	_ =	swait.ge [sflag:s18], $0x1000  }
0x109: {  	[sflag:s18] =	ssyncset.done $0x0  }
0x10a: {  	s22 =	simm.s32 $0x6;
	s20 =	rddreg [dreg:$0xb];
	[sflag:s18] =	ssyncadd.s32 $0xFFFFF000  }
0x10b: {  	[hbm4b:s20+s4] =	stream.linear.scatter [tilespmem:s19], [sflag:$0xF], $0x1000, $0x38;
	[tilespmem:$0x1F480] =	vst v63  }
0x10c: {  	_ =	swait.ge [sflag:s22], $0x1000  }
0x10d: {  	[sflag:s22] =	ssyncset.done $0x0  }
0x10e: {  	s24 =	simm.s32 $0x7;
	s23 =	rddreg [dreg:$0xc];
	[sflag:s22] =	ssyncadd.s32 $0xFFFFF000  }
0x10f: {  	[hbm4b:s23+s4] =	stream.linear.scatter [tilespmem:s21], [sflag:$0x10], $0x1000, $0x38;
	[tilespmem:$0x1F480] =	vst v63  }
0x110: {  	_ =	swait.ge [sflag:s24], $0x1000  }
0x111: {  	[sflag:s24] =	ssyncset.done $0x0  }
0x112: {  	s10 =	simm.s32 $0x8;
	s25 =	rddreg [dreg:$0xe];
	[sflag:s24] =	ssyncadd.s32 $0xFFFFF000  }
0x113: {  	[hbm4b:s25+s4] =	stream.linear.scatter [tilespmem:s11], [sflag:$0x11], $0x1000, $0x38;
	[tilespmem:$0x1F480] =	vst v63  }
0x114: {  	_ =	swait.ge [sflag:s10], $0x1000  }
0x115: {  	[sflag:s10] =	ssyncset.done $0x0  }
0x116: {  	s12 =	simm.s32 $0x9;
	s11 =	rddreg [dreg:$0xf];
	[sflag:s10] =	ssyncadd.s32 $0xFFFFF000  }
0x117: {  	[hbm4b:s11+s4] =	stream.linear.scatter [tilespmem:s1], [sflag:$0x12], $0x1000, $0x38;
	[tilespmem:$0x1F480] =	vst v63  }
0x118: {  	_ =	swait.ge [sflag:s12], $0x1000  }
0x119: {  	[sflag:s12] =	ssyncset.done $0x0  }
0x11a: {  	s14 =	simm.s32 $0xA;
	s13 =	rddreg [dreg:$0x11];
	[sflag:s12] =	ssyncadd.s32 $0xFFFFF000  }
0x11b: {  	[hbm4b:s13+s4] =	stream.linear.scatter [tilespmem:s5], [sflag:$0x13], $0x1000, $0x38;
	[tilespmem:$0x1F480] =	vst v63  }
0x11c: {  	_ =	swait.ge [sflag:s14], $0x1000  }
0x11d: {  	[sflag:s14] =	ssyncset.done $0x0  }
0x11e: {  	s16 =	simm.s32 $0xB;
	s15 =	rddreg [dreg:$0x12];
	[sflag:s14] =	ssyncadd.s32 $0xFFFFF000  }
0x11f: {  	[hbm4b:s15+s4] =	stream.linear.scatter [tilespmem:s7], [sflag:$0x14], $0x1000, $0x38;
	[tilespmem:$0x1F480] =	vst v63  }
0x120: {  	_ =	swait.ge [sflag:s16], $0x1000  }
0x121: {  	[sflag:s16] =	ssyncset.done $0x0  }
0x122: {  	s17 =	simm.s32 $0xC;
	[sflag:s16] =	ssyncadd.s32 $0xFFFFF000  }
0x123: {  	_ =	swait.ge [sflag:s17], $0x1000  }
0x124: {  	[sflag:s17] =	ssyncset.done $0x0  }
0x125: {  	s18 =	simm.s32 $0xD;
	[sflag:s17] =	ssyncadd.s32 $0xFFFFF000  }
0x126: {  	_ =	swait.ge [sflag:s18], $0x1000  }
0x127: {  	[sflag:s18] =	ssyncset.done $0x0  }
0x128: {  	s19 =	simm.s32 $0xE;
	[sflag:s18] =	ssyncadd.s32 $0xFFFFF000  }
0x129: {  	_ =	swait.ge [sflag:s19], $0x1000  }
0x12a: {  	[sflag:s19] =	ssyncset.done $0x0  }
0x12b: {  	s20 =	simm.s32 $0xF;
	[sflag:s19] =	ssyncadd.s32 $0xFFFFF000  }
0x12c: {  	_ =	swait.ge [sflag:s20], $0x1000  }
0x12d: {  	[sflag:s20] =	ssyncset.done $0x0  }
0x12e: {  	s21 =	simm.s32 $0x10;
	[sflag:s20] =	ssyncadd.s32 $0xFFFFF000  }
0x12f: {  	_ =	swait.ge [sflag:s21], $0x1000  }
0x130: {  	[sflag:s21] =	ssyncset.done $0x0  }
0x131: {  	s22 =	simm.s32 $0x11;
	[sflag:s21] =	ssyncadd.s32 $0xFFFFF000  }
0x132: {  	_ =	swait.ge [sflag:s22], $0x1000  }
0x133: {  	[sflag:s22] =	ssyncset.done $0x0  }
0x134: {  	[sflag:s22] =	ssyncadd.s32 $0xFFFFF000  }
0x135: {  	_ =	swait.ge [sflag:s8], $0x1000  }
0x136: {  	[sflag:s8] =	ssyncset.done $0x0  }
0x137: {  	[sflag:s8] =	ssyncadd.s32 $0xFFFFF000  }
0x138: {  	_ =	swait.ge [sflag:s28], $0x1000  }
0x139: {  	[sflag:s28] =	ssyncset.done $0x0  }
0x13a: {  	[sflag:s28] =	ssyncadd.s32 $0xFFFFF000  }
0x13b: {  	_ =	swait.ge [sflag:s9], $0x1000  }
0x13c: {  	s23 =	rddreg [dreg:$0x16]  }
0x13d: {  	s24 =	rddreg [dreg:$0x13];
	s1 =	sadd.s32 $0x1, s23  }
0x13e: {  	p1 =	sne.s32 s1, s24  }
.Ltmp1:
0x13f: {  	_ = 	snop;
	(pc) =	sbr.rel @p1 .LBB2_1-.Ltmp1, $3  }
0x140: {  	_ =	sdelay $0x1  }
0x141: {  	[sflag:s9] =	ssyncset.done $0x0  }
0x142: {  	s25 =	simm.s32 $0x12;
	[sflag:s9] =	ssyncadd.s32 $0xFFFFF000  }
0x143: {  	_ =	sfence.sel $0x180000  }
0x144: {  	[bflag:$0x0] =	sbarrier.arrive $0xFFFF  }
0x145: {  	_ =	strace $0x90000047  }
0x146: {  	[bflag:$0x2] =	sbarrier.arrive $0xFFFF  }
0x147: {  	s0 =	rddreg [dreg:$0x4]  }
0x148: {  	s0 =	sadd.s32 @!p0 $0x100000, s0  }
0x149: {  	[sflag:s0] =	ssyncadd.tile.s32 @!p0 $0x1;
	_ =	shalt  }
.Lfunc_end2:
_tile_overlayer_lowered:
.L_overlay_start_2:
0x14a: {  	(tag) =	ssettag $0x2  }
0x14b: {  	s0 =	rddreg [dreg:$0x0];
	s2 =	stileid.u32  }
0x14c: {  	s1 =	rddreg [dreg:$0x1];
	p0 =	sne.s32 s2, $0x0  }
0x14d: {  	s3 =	rddreg [dreg:$0x2];
	[bflag:$0x3] =	sbarrier.arrive $0xFFFF;
	s2 =	simm.s32 @!p0 $0x1C15  }
0x14e: {  	[timem:s3], [sflag:s2] =	dma.local @!p0 [hbm:s0], s1  }
0x14f: {  	s0 =	simm.s32 @!p0 $0x15  }
0x150: {  	_ =	swait.ge @!p0 [sflag:s0], s1  }
0x151: {  	s1 =	ssub.s32 @!p0 $0x0, s1;
	[sflag:s0] =	ssyncset.done @!p0 $0x0  }
0x152: {  	[sflag:s0] =	ssyncadd.s32 @!p0 s1  }
0x153: {  	[bflag:$0x3] =	sbarrier.arrive $0xFFFF  }
0x154: {  	_ =	shalt  }

</sc_bundles>
